<compile_context>
chip_gen: v7x
topology: tpu7x:2x2x1
jax: 0.10.2.dev20260603
libtpu: 0.0.44.dev20260713+nightly
codegen_flags: <defaults>
</compile_context>

<pallas_src>
import functools

import jax
import jax.numpy as jnp
import numpy as np
from jax import lax
from jax.experimental import pallas as pl
from jax.experimental.pallas import tpu as pltpu
from jax.experimental.pallas import tpu_sc as plsc

N_NODES = 10000
D_FEAT = 128
N_EDGES = 320000

NSUB = 16
FPS = D_FEAT // NSUB
ZSTRIDE = 5
ZWORDS = N_NODES * ZSTRIDE
B = 2560
NB = N_EDGES // B
ROWS = B // 16
PROWS = B // 128
ACC_ROWS = NB * PROWS
ACC_PAD = NSUB * 8 * PROWS
LCH = 8

_LN2_HI = np.float32(6.9313812256e-01)
_LN2_LO = np.float32(9.0580006145e-06)
_LG1 = np.float32(0.66666662693)
_LG2 = np.float32(0.40000972152)
_LG3 = np.float32(0.28498786688)
_LG4 = np.float32(0.24279078841)


def _softlog(y):
    yb = plsc.bitcast(y, jnp.int32)
    ix = yb + jnp.int32(0x3F800000 - 0x3F3504F3)
    e = lax.shift_right_logical(ix, jnp.int32(23)) - jnp.int32(127)
    mb = (ix & jnp.int32(0x007FFFFF)) + jnp.int32(0x3F3504F3)
    x = plsc.bitcast(mb, jnp.float32)
    f = x - 1.0
    s = f / (2.0 + f)
    z = s * s
    w = z * z
    t1 = w * (_LG2 + w * _LG4)
    t2 = z * (_LG1 + w * _LG3)
    r = t2 + t1
    hfsq = 0.5 * f * f
    dk = e.astype(jnp.float32)
    res = dk * _LN2_HI + ((f - hfsq) + (s * (hfsq + r) + dk * _LN2_LO))
    return jnp.where(y <= 0.0, jnp.float32(-jnp.inf), res)


def _make_sc_call():
    mesh = plsc.VectorSubcoreMesh(core_axis_name="c", subcore_axis_name="s")

    @functools.partial(
        pl.kernel,
        out_type=jax.ShapeDtypeStruct((2, NSUB, 16), jnp.float32),
        mesh=mesh,
        compiler_params=pltpu.CompilerParams(needs_layout_passes=False),
        scratch_types=[
            pltpu.VMEM((ZWORDS,), jnp.int32),
            pltpu.VMEM((2 * B,), jnp.int32),
            pltpu.VMEM((2 * B,), jnp.int32),
            pltpu.VMEM((2 * PROWS, 128), jnp.float32),
            pltpu.VMEM((PROWS,), jnp.int32),
            pltpu.VMEM((PROWS,), jnp.int32),
            pltpu.VMEM((PROWS, 128), jnp.float32),
            pltpu.VMEM((16,), jnp.float32),
            pltpu.VMEM_SHARED((ACC_PAD, 128), jnp.float32),
            pltpu.SemaphoreType.DMA,
            pltpu.SemaphoreType.DMA,
            pltpu.SemaphoreType.DMA,
            pltpu.SemaphoreType.DMA,
        ],
    )
    def sc_loss(z2_hbm, src_hbm, dst_hbm, zeros_hbm, out_hbm,
                z_v, src_v, dst_v, part_v, iota_a, iota_b, dbuf_v, lout_v,
                acc_sh, sem_a, sem_b, sem_ia, sem_ib):
        c = lax.axis_index("c")
        s = lax.axis_index("s")

        pltpu.sync_copy(z2_hbm.at[s], z_v)

        for k in range(8):
            pltpu.sync_copy(zeros_hbm, acc_sh.at[pl.ds(s * 8 * PROWS + k * PROWS, PROWS)])

        lanes = lax.iota(jnp.int32, 16)
        zvec = jnp.zeros((16,), jnp.float32)

        is_pos = c == 0
        avec = jnp.where(is_pos, jnp.float32(1.0), jnp.float32(-1.0)) + zvec
        bvec = jnp.where(is_pos, jnp.float32(1e-15), jnp.float32(1.0)) + zvec

        ebase = c * N_EDGES
        soff = s * jnp.int32(8)

        plsc.subcore_barrier()

        base0 = ebase + lax.rem(soff, jnp.int32(NB)) * B
        pltpu.async_copy(src_hbm.at[pl.ds(base0, B)], src_v.at[pl.ds(0, B)], sem_ia)
        pltpu.async_copy(dst_hbm.at[pl.ds(base0, B)], dst_v.at[pl.ds(0, B)], sem_ia)

        def batch_body(b_i, carry):
            bp = lax.rem(b_i + soff, jnp.int32(NB))
            base = ebase + bp * B
            par = b_i & 1
            po = par * PROWS
            po2 = par * B

            @pl.when(b_i + 1 < NB)
            def _():
                bpn = lax.rem(b_i + 1 + soff, jnp.int32(NB))
                basen = ebase + bpn * B

                @pl.when(par == 0)
                def _():
                    pltpu.async_copy(src_hbm.at[pl.ds(basen, B)],
                                     src_v.at[pl.ds(B, B)], sem_ib)
                    pltpu.async_copy(dst_hbm.at[pl.ds(basen, B)],
                                     dst_v.at[pl.ds(B, B)], sem_ib)

                @pl.when(par == 1)
                def _():
                    pltpu.async_copy(src_hbm.at[pl.ds(basen, B)],
                                     src_v.at[pl.ds(0, B)], sem_ia)
                    pltpu.async_copy(dst_hbm.at[pl.ds(basen, B)],
                                     dst_v.at[pl.ds(0, B)], sem_ia)

            @pl.when(par == 0)
            def _():
                pltpu.make_async_copy(src_hbm.at[pl.ds(base, B)],
                                      src_v.at[pl.ds(0, B)], sem_ia).wait()
                pltpu.make_async_copy(dst_hbm.at[pl.ds(base, B)],
                                      dst_v.at[pl.ds(0, B)], sem_ia).wait()

            @pl.when(par == 1)
            def _():
                pltpu.make_async_copy(src_hbm.at[pl.ds(base, B)],
                                      src_v.at[pl.ds(B, B)], sem_ib).wait()
                pltpu.make_async_copy(dst_hbm.at[pl.ds(base, B)],
                                      dst_v.at[pl.ds(B, B)], sem_ib).wait()

            @pl.when(b_i >= 2)
            def _():
                @pl.when(par == 0)
                def _():
                    pltpu.make_async_copy(
                        zeros_hbm, part_v.at[pl.ds(0, PROWS)], sem_a).wait()

                @pl.when(par == 1)
                def _():
                    pltpu.make_async_copy(
                        zeros_hbm, part_v.at[pl.ds(PROWS, PROWS)], sem_b).wait()

            def row_body(r):
                sv = src_v[pl.ds(po2 + r * 16, 16)]
                dv = dst_v[pl.ds(po2 + r * 16, 16)]
                hm = jnp.int32(-65536)
                sh = jnp.int32(16)
                acc = None
                for f in range(FPS // 2):
                    fo = jnp.int32(f)
                    aw = plsc.load_gather(z_v, [sv + fo])
                    bw = plsc.load_gather(z_v, [dv + fo])
                    alo = plsc.bitcast(lax.shift_left(aw, sh), jnp.float32)
                    blo = plsc.bitcast(lax.shift_left(bw, sh), jnp.float32)
                    ahi = plsc.bitcast(aw & hm, jnp.float32)
                    bhi = plsc.bitcast(bw & hm, jnp.float32)
                    t = alo * blo + ahi * bhi
                    acc = t if acc is None else acc + t
                rhi = lax.shift_right_logical(r, 3) + po
                rlo = (r & 7) * 16
                part_v[rhi, pl.ds(rlo, 16)] = acc

            plsc.parallel_loop(0, ROWS, 1, unroll=8)(row_body)

            brow = bp * jnp.int32(PROWS)

            @pl.when(par == 0)
            def _():
                iota_a[pl.ds(0, 16)] = lanes + brow
                iota_a[pl.ds(PROWS - 16, 16)] = lanes + (brow + jnp.int32(PROWS - 16))
                pltpu.async_copy(part_v.at[pl.ds(0, PROWS)],
                                 acc_sh.at[iota_a], sem_a, add=True)

            @pl.when(par == 1)
            def _():
                iota_b[pl.ds(0, 16)] = lanes + brow
                iota_b[pl.ds(PROWS - 16, 16)] = lanes + (brow + jnp.int32(PROWS - 16))
                pltpu.async_copy(part_v.at[pl.ds(PROWS, PROWS)],
                                 acc_sh.at[iota_b], sem_b, add=True)

            return carry

        lax.fori_loop(0, NB, batch_body, jnp.int32(0))

        pltpu.make_async_copy(zeros_hbm, part_v.at[pl.ds(0, PROWS)], sem_a).wait()
        pltpu.make_async_copy(zeros_hbm, part_v.at[pl.ds(PROWS, PROWS)], sem_b).wait()
        plsc.subcore_barrier()

        start = s * jnp.int32(156) + jnp.minimum(s, jnp.int32(4))
        nrows = jnp.where(s < 4, jnp.int32(157), jnp.int32(156))

        def chunk_body(k, lacc_c):
            pltpu.sync_copy(acc_sh.at[pl.ds(start + k * PROWS, PROWS)], dbuf_v)

            def lrow_body(rr, lacc_r):
                valid = (k * PROWS + rr) < nrows
                contrib = zvec
                for g in range(8):
                    d = dbuf_v[rr, pl.ds(g * 16, 16)]
                    u = jnp.exp(-d)
                    sg = 1.0 / (u + 1.0)
                    y = jnp.maximum(avec * sg + bvec, 0.0)
                    contrib = contrib + _softlog(y)
                return lacc_r + jnp.where(valid, contrib, zvec)

            return lax.fori_loop(0, PROWS, lrow_body, lacc_c, unroll=2)

        lacc = lax.fori_loop(0, LCH, chunk_body, zvec)
        lout_v[...] = lacc
        pltpu.sync_copy(lout_v, out_hbm.at[c, s])

    return sc_loss


_sc_loss = _make_sc_call()


def kernel(z, pos_edge_index, neg_edge_index):
    z = z.astype(jnp.float32)
    zb = z.astype(jnp.bfloat16).reshape(N_NODES, NSUB, FPS // 2, 2)
    zw = lax.bitcast_convert_type(zb, jnp.int32)
    z3 = zw.transpose(1, 0, 2)
    z3 = jnp.pad(z3, ((0, 0), (0, 0), (0, ZSTRIDE - FPS // 2)))
    z2 = z3.reshape(NSUB, ZWORDS)
    pe = pos_edge_index.astype(jnp.int32)
    ne = neg_edge_index.astype(jnp.int32)
    src = jnp.concatenate([pe[0], ne[0]]) * jnp.int32(ZSTRIDE)
    dst = jnp.concatenate([pe[1], ne[1]]) * jnp.int32(ZSTRIDE)
    zeros = jnp.zeros((PROWS, 128), jnp.float32)
    parts = _sc_loss(z2, src, dst, zeros)
    return -jnp.sum(parts) / jnp.float32(N_EDGES)

# --- scband reference (transcript-rebuilt; emitter-appended) ---
"""Pipeline reference for scband-gae-forall-5463198401306 (READ-ONLY COPY).

The authoritative reference and input builder live on the scoring server;
editing this copy changes nothing except your own understanding.
"""

import jax, jax.numpy as jnp
import numpy as np

N_NODES = 10000
D_FEAT = 128
N_EDGES = 320000
EPS = 1e-15

def setup_inputs(seed: int = 0) -> dict:
    key = jax.random.key(seed)
    k1, k2, k3 = jax.random.split(key, 3)
    z = jax.random.normal(k1, (N_NODES, D_FEAT), dtype=jnp.float32)
    pos_edge_index = jax.random.randint(k2, (2, N_EDGES), 0, N_NODES, dtype=jnp.int64)
    neg_edge_index = jax.random.randint(k3, (2, N_EDGES), 0, N_NODES, dtype=jnp.int64)
    return {"z": z, "pos_edge_index": pos_edge_index, "neg_edge_index": neg_edge_index}

def _inner_product_decoder(zi, zj):
    # InnerProductDecoder: sigmoid(<z_i, z_j>)
    return jax.nn.sigmoid(jnp.sum(zi * zj, axis=-1))

def reference(z, pos_edge_index, neg_edge_index):
    # recon_loss of GAE: BCE over positive and negative edges
    pos_src = jnp.take(z, pos_edge_index[0], axis=0)
    pos_dst = jnp.take(z, pos_edge_index[1], axis=0)
    pos_logits = _inner_product_decoder(pos_src, pos_dst)
    pos_loss = -jnp.log(pos_logits + EPS).mean()
    neg_src = jnp.take(z, neg_edge_index[0], axis=0)
    neg_dst = jnp.take(z, neg_edge_index[1], axis=0)
    neg_logits = _inner_product_decoder(neg_src, neg_dst)
    neg_loss = -jnp.log(1.0 - neg_logits + EPS).mean()
    return pos_loss + neg_loss

if __name__ == "__main__":
    import jax
    _d = setup_inputs()
    print(jax.jit(kernel)(*tuple(_d.values())))

</pallas_src>

<mosaic_0001>
#map = affine_map<(d0, d1) -> (0, 0)>
#map1 = affine_map<(d0, d1) -> (0)>
#map2 = affine_map<(d0, d1) -> (0, 0, 0)>
module attributes {stable_mosaic.version = 14 : i64} {
  func.func @sc_loss(%arg0: i32, %arg1: i32, %arg2: memref<16x50000xi32, #tpu.memory_space<hbm>>, %arg3: memref<640000xi32, #tpu.memory_space<hbm>>, %arg4: memref<640000xi32, #tpu.memory_space<hbm>>, %arg5: memref<20x128xf32, #tpu.memory_space<hbm>>, %arg6: memref<2x16x16xf32, #tpu.memory_space<hbm>>, %arg7: memref<50000xi32, #tpu.memory_space<vmem>>, %arg8: memref<5120xi32, #tpu.memory_space<vmem>>, %arg9: memref<5120xi32, #tpu.memory_space<vmem>>, %arg10: memref<40x128xf32, #tpu.memory_space<vmem>>, %arg11: memref<20xi32, #tpu.memory_space<vmem>>, %arg12: memref<20xi32, #tpu.memory_space<vmem>>, %arg13: memref<20x128xf32, #tpu.memory_space<vmem>>, %arg14: memref<16xf32, #tpu.memory_space<vmem>>, %arg15: memref<2560x128xf32, #tpu.memory_space<vmem_shared>>, %arg16: memref<!tpu.dma_semaphore, #tpu.memory_space<semaphore_mem>>, %arg17: memref<!tpu.dma_semaphore, #tpu.memory_space<semaphore_mem>>, %arg18: memref<!tpu.dma_semaphore, #tpu.memory_space<semaphore_mem>>, %arg19: memref<!tpu.dma_semaphore, #tpu.memory_space<semaphore_mem>>) attributes {dimension_semantics = [#tpu.dimension_semantics<core_parallel>, #tpu.dimension_semantics<subcore_parallel>], iteration_bounds = array<i64: 2, 16>, scalar_prefetch = 0 : i64, scratch_operands = 13 : i64, tpu.core_type = #tpu.core_type<sc_vector_subcore>, window_params = [{transform_indices = #map}, {transform_indices = #map1}, {transform_indices = #map1}, {transform_indices = #map}, {transform_indices = #map2}]} {
    "tpu.region"() ({
      %run_scoped3A = tpu.sem_alloc : memref<!tpu.dma_semaphore, #tpu.memory_space<semaphore_mem>>
      %dma_start3A_107 = arith.constant 0 : i32
      %dma_start3A_108 = tpu.memref_slice %arg2[%arg1, %dma_start3A_107] : memref<16x50000xi32, #tpu.memory_space<hbm>> -> memref<1x50000xi32, #tpu.memory_space<hbm>>
      %dma_start3A_109 = tpu.memref_squeeze %dma_start3A_108 : memref<1x50000xi32, #tpu.memory_space<hbm>> -> memref<50000xi32, #tpu.memory_space<hbm>>
      %dma_start3A_110 = arith.constant 0 : i32
      %dma_start3A_111 = tpu.memref_slice %arg2[%arg1, %dma_start3A_110] : memref<16x50000xi32, #tpu.memory_space<hbm>> -> memref<1x50000xi32, #tpu.memory_space<hbm>>
      %dma_start3A_112 = tpu.memref_squeeze %dma_start3A_111 : memref<1x50000xi32, #tpu.memory_space<hbm>> -> memref<50000xi32, #tpu.memory_space<hbm>>
      tpu.enqueue_dma source(%dma_start3A_112 : memref<50000xi32, #tpu.memory_space<hbm>>) target(%arg7 : memref<50000xi32, #tpu.memory_space<vmem>>) target_semaphore(%run_scoped3A : memref<!tpu.dma_semaphore, #tpu.memory_space<semaphore_mem>>)
      %dma_wait3A_113 = arith.constant 0 : i32
      %dma_wait3A_114 = tpu.memref_slice %arg2[%arg1, %dma_wait3A_113] : memref<16x50000xi32, #tpu.memory_space<hbm>> -> memref<1x50000xi32, #tpu.memory_space<hbm>>
      %dma_wait3A_115 = tpu.memref_squeeze %dma_wait3A_114 : memref<1x50000xi32, #tpu.memory_space<hbm>> -> memref<50000xi32, #tpu.memory_space<hbm>>
      %dma_wait3A_116 = arith.constant 0 : i32
      %dma_wait3A_117 = tpu.memref_slice %arg2[%arg1, %dma_wait3A_116] : memref<16x50000xi32, #tpu.memory_space<hbm>> -> memref<1x50000xi32, #tpu.memory_space<hbm>>
      %dma_wait3A_118 = tpu.memref_squeeze %dma_wait3A_117 : memref<1x50000xi32, #tpu.memory_space<hbm>> -> memref<50000xi32, #tpu.memory_space<hbm>>
      tpu.wait_dma2 semaphore(%run_scoped3A : memref<!tpu.dma_semaphore, #tpu.memory_space<semaphore_mem>>) src(%dma_wait3A_118 : memref<50000xi32, #tpu.memory_space<hbm>>) dst(%arg7 : memref<50000xi32, #tpu.memory_space<vmem>>)
      tpu.yield
    }) : () -> ()
    %mul3A = arith.constant 8 : i32
    %mul3A_0 = arith.muli %arg1, %mul3A : i32
    %mul3A_1 = arith.constant 20 : i32
    %mul3A_2 = arith.muli %mul3A_0, %mul3A_1 : i32
    %add3A = arith.constant 0 : i32
    %add3A_3 = arith.addi %mul3A_2, %add3A : i32
    "tpu.region"() ({
      %run_scoped3A = tpu.sem_alloc : memref<!tpu.dma_semaphore, #tpu.memory_space<semaphore_mem>>
      %dma_start3A_107 = arith.constant 0 : i32
      %dma_start3A_108 = tpu.memref_slice %arg15[%add3A_3, %dma_start3A_107] : memref<2560x128xf32, #tpu.memory_space<vmem_shared>> -> memref<20x128xf32, #tpu.memory_space<vmem_shared>>
      tpu.enqueue_dma source(%arg5 : memref<20x128xf32, #tpu.memory_space<hbm>>) target(%dma_start3A_108 : memref<20x128xf32, #tpu.memory_space<vmem_shared>>) target_semaphore(%run_scoped3A : memref<!tpu.dma_semaphore, #tpu.memory_space<semaphore_mem>>)
      %dma_wait3A_109 = arith.constant 0 : i32
      %dma_wait3A_110 = tpu.memref_slice %arg15[%add3A_3, %dma_wait3A_109] : memref<2560x128xf32, #tpu.memory_space<vmem_shared>> -> memref<20x128xf32, #tpu.memory_space<vmem_shared>>
      tpu.wait_dma2 semaphore(%run_scoped3A : memref<!tpu.dma_semaphore, #tpu.memory_space<semaphore_mem>>) src(%arg5 : memref<20x128xf32, #tpu.memory_space<hbm>>) dst(%dma_wait3A_110 : memref<20x128xf32, #tpu.memory_space<vmem_shared>>)
      tpu.yield
    }) : () -> ()
    %mul3A_4 = arith.constant 8 : i32
    %mul3A_5 = arith.muli %arg1, %mul3A_4 : i32
    %mul3A_6 = arith.constant 20 : i32
    %mul3A_7 = arith.muli %mul3A_5, %mul3A_6 : i32
    %add3A_8 = arith.constant 20 : i32
    %add3A_9 = arith.addi %mul3A_7, %add3A_8 : i32
    "tpu.region"() ({
      %run_scoped3A = tpu.sem_alloc : memref<!tpu.dma_semaphore, #tpu.memory_space<semaphore_mem>>
      %dma_start3A_107 = arith.constant 0 : i32
      %dma_start3A_108 = tpu.memref_slice %arg15[%add3A_9, %dma_start3A_107] : memref<2560x128xf32, #tpu.memory_space<vmem_shared>> -> memref<20x128xf32, #tpu.memory_space<vmem_shared>>
      tpu.enqueue_dma source(%arg5 : memref<20x128xf32, #tpu.memory_space<hbm>>) target(%dma_start3A_108 : memref<20x128xf32, #tpu.memory_space<vmem_shared>>) target_semaphore(%run_scoped3A : memref<!tpu.dma_semaphore, #tpu.memory_space<semaphore_mem>>)
      %dma_wait3A_109 = arith.constant 0 : i32
      %dma_wait3A_110 = tpu.memref_slice %arg15[%add3A_9, %dma_wait3A_109] : memref<2560x128xf32, #tpu.memory_space<vmem_shared>> -> memref<20x128xf32, #tpu.memory_space<vmem_shared>>
      tpu.wait_dma2 semaphore(%run_scoped3A : memref<!tpu.dma_semaphore, #tpu.memory_space<semaphore_mem>>) src(%arg5 : memref<20x128xf32, #tpu.memory_space<hbm>>) dst(%dma_wait3A_110 : memref<20x128xf32, #tpu.memory_space<vmem_shared>>)
      tpu.yield
    }) : () -> ()
    %mul3A_10 = arith.constant 8 : i32
    %mul3A_11 = arith.muli %arg1, %mul3A_10 : i32
    %mul3A_12 = arith.constant 20 : i32
    %mul3A_13 = arith.muli %mul3A_11, %mul3A_12 : i32
    %add3A_14 = arith.constant 40 : i32
    %add3A_15 = arith.addi %mul3A_13, %add3A_14 : i32
    "tpu.region"() ({
      %run_scoped3A = tpu.sem_alloc : memref<!tpu.dma_semaphore, #tpu.memory_space<semaphore_mem>>
      %dma_start3A_107 = arith.constant 0 : i32
      %dma_start3A_108 = tpu.memref_slice %arg15[%add3A_15, %dma_start3A_107] : memref<2560x128xf32, #tpu.memory_space<vmem_shared>> -> memref<20x128xf32, #tpu.memory_space<vmem_shared>>
      tpu.enqueue_dma source(%arg5 : memref<20x128xf32, #tpu.memory_space<hbm>>) target(%dma_start3A_108 : memref<20x128xf32, #tpu.memory_space<vmem_shared>>) target_semaphore(%run_scoped3A : memref<!tpu.dma_semaphore, #tpu.memory_space<semaphore_mem>>)
      %dma_wait3A_109 = arith.constant 0 : i32
      %dma_wait3A_110 = tpu.memref_slice %arg15[%add3A_15, %dma_wait3A_109] : memref<2560x128xf32, #tpu.memory_space<vmem_shared>> -> memref<20x128xf32, #tpu.memory_space<vmem_shared>>
      tpu.wait_dma2 semaphore(%run_scoped3A : memref<!tpu.dma_semaphore, #tpu.memory_space<semaphore_mem>>) src(%arg5 : memref<20x128xf32, #tpu.memory_space<hbm>>) dst(%dma_wait3A_110 : memref<20x128xf32, #tpu.memory_space<vmem_shared>>)
      tpu.yield
    }) : () -> ()
    %mul3A_16 = arith.constant 8 : i32
    %mul3A_17 = arith.muli %arg1, %mul3A_16 : i32
    %mul3A_18 = arith.constant 20 : i32
    %mul3A_19 = arith.muli %mul3A_17, %mul3A_18 : i32
    %add3A_20 = arith.constant 60 : i32
    %add3A_21 = arith.addi %mul3A_19, %add3A_20 : i32
    "tpu.region"() ({
      %run_scoped3A = tpu.sem_alloc : memref<!tpu.dma_semaphore, #tpu.memory_space<semaphore_mem>>
      %dma_start3A_107 = arith.constant 0 : i32
      %dma_start3A_108 = tpu.memref_slice %arg15[%add3A_21, %dma_start3A_107] : memref<2560x128xf32, #tpu.memory_space<vmem_shared>> -> memref<20x128xf32, #tpu.memory_space<vmem_shared>>
      tpu.enqueue_dma source(%arg5 : memref<20x128xf32, #tpu.memory_space<hbm>>) target(%dma_start3A_108 : memref<20x128xf32, #tpu.memory_space<vmem_shared>>) target_semaphore(%run_scoped3A : memref<!tpu.dma_semaphore, #tpu.memory_space<semaphore_mem>>)
      %dma_wait3A_109 = arith.constant 0 : i32
      %dma_wait3A_110 = tpu.memref_slice %arg15[%add3A_21, %dma_wait3A_109] : memref<2560x128xf32, #tpu.memory_space<vmem_shared>> -> memref<20x128xf32, #tpu.memory_space<vmem_shared>>
      tpu.wait_dma2 semaphore(%run_scoped3A : memref<!tpu.dma_semaphore, #tpu.memory_space<semaphore_mem>>) src(%arg5 : memref<20x128xf32, #tpu.memory_space<hbm>>) dst(%dma_wait3A_110 : memref<20x128xf32, #tpu.memory_space<vmem_shared>>)
      tpu.yield
    }) : () -> ()
    %mul3A_22 = arith.constant 8 : i32
    %mul3A_23 = arith.muli %arg1, %mul3A_22 : i32
    %mul3A_24 = arith.constant 20 : i32
    %mul3A_25 = arith.muli %mul3A_23, %mul3A_24 : i32
    %add3A_26 = arith.constant 80 : i32
    %add3A_27 = arith.addi %mul3A_25, %add3A_26 : i32
    "tpu.region"() ({
      %run_scoped3A = tpu.sem_alloc : memref<!tpu.dma_semaphore, #tpu.memory_space<semaphore_mem>>
      %dma_start3A_107 = arith.constant 0 : i32
      %dma_start3A_108 = tpu.memref_slice %arg15[%add3A_27, %dma_start3A_107] : memref<2560x128xf32, #tpu.memory_space<vmem_shared>> -> memref<20x128xf32, #tpu.memory_space<vmem_shared>>
      tpu.enqueue_dma source(%arg5 : memref<20x128xf32, #tpu.memory_space<hbm>>) target(%dma_start3A_108 : memref<20x128xf32, #tpu.memory_space<vmem_shared>>) target_semaphore(%run_scoped3A : memref<!tpu.dma_semaphore, #tpu.memory_space<semaphore_mem>>)
      %dma_wait3A_109 = arith.constant 0 : i32
      %dma_wait3A_110 = tpu.memref_slice %arg15[%add3A_27, %dma_wait3A_109] : memref<2560x128xf32, #tpu.memory_space<vmem_shared>> -> memref<20x128xf32, #tpu.memory_space<vmem_shared>>
      tpu.wait_dma2 semaphore(%run_scoped3A : memref<!tpu.dma_semaphore, #tpu.memory_space<semaphore_mem>>) src(%arg5 : memref<20x128xf32, #tpu.memory_space<hbm>>) dst(%dma_wait3A_110 : memref<20x128xf32, #tpu.memory_space<vmem_shared>>)
      tpu.yield
    }) : () -> ()
    %mul3A_28 = arith.constant 8 : i32
    %mul3A_29 = arith.muli %arg1, %mul3A_28 : i32
    %mul3A_30 = arith.constant 20 : i32
    %mul3A_31 = arith.muli %mul3A_29, %mul3A_30 : i32
    %add3A_32 = arith.constant 100 : i32
    %add3A_33 = arith.addi %mul3A_31, %add3A_32 : i32
    "tpu.region"() ({
      %run_scoped3A = tpu.sem_alloc : memref<!tpu.dma_semaphore, #tpu.memory_space<semaphore_mem>>
      %dma_start3A_107 = arith.constant 0 : i32
      %dma_start3A_108 = tpu.memref_slice %arg15[%add3A_33, %dma_start3A_107] : memref<2560x128xf32, #tpu.memory_space<vmem_shared>> -> memref<20x128xf32, #tpu.memory_space<vmem_shared>>
      tpu.enqueue_dma source(%arg5 : memref<20x128xf32, #tpu.memory_space<hbm>>) target(%dma_start3A_108 : memref<20x128xf32, #tpu.memory_space<vmem_shared>>) target_semaphore(%run_scoped3A : memref<!tpu.dma_semaphore, #tpu.memory_space<semaphore_mem>>)
      %dma_wait3A_109 = arith.constant 0 : i32
      %dma_wait3A_110 = tpu.memref_slice %arg15[%add3A_33, %dma_wait3A_109] : memref<2560x128xf32, #tpu.memory_space<vmem_shared>> -> memref<20x128xf32, #tpu.memory_space<vmem_shared>>
      tpu.wait_dma2 semaphore(%run_scoped3A : memref<!tpu.dma_semaphore, #tpu.memory_space<semaphore_mem>>) src(%arg5 : memref<20x128xf32, #tpu.memory_space<hbm>>) dst(%dma_wait3A_110 : memref<20x128xf32, #tpu.memory_space<vmem_shared>>)
      tpu.yield
    }) : () -> ()
    %mul3A_34 = arith.constant 8 : i32
    %mul3A_35 = arith.muli %arg1, %mul3A_34 : i32
    %mul3A_36 = arith.constant 20 : i32
    %mul3A_37 = arith.muli %mul3A_35, %mul3A_36 : i32
    %add3A_38 = arith.constant 120 : i32
    %add3A_39 = arith.addi %mul3A_37, %add3A_38 : i32
    "tpu.region"() ({
      %run_scoped3A = tpu.sem_alloc : memref<!tpu.dma_semaphore, #tpu.memory_space<semaphore_mem>>
      %dma_start3A_107 = arith.constant 0 : i32
      %dma_start3A_108 = tpu.memref_slice %arg15[%add3A_39, %dma_start3A_107] : memref<2560x128xf32, #tpu.memory_space<vmem_shared>> -> memref<20x128xf32, #tpu.memory_space<vmem_shared>>
      tpu.enqueue_dma source(%arg5 : memref<20x128xf32, #tpu.memory_space<hbm>>) target(%dma_start3A_108 : memref<20x128xf32, #tpu.memory_space<vmem_shared>>) target_semaphore(%run_scoped3A : memref<!tpu.dma_semaphore, #tpu.memory_space<semaphore_mem>>)
      %dma_wait3A_109 = arith.constant 0 : i32
      %dma_wait3A_110 = tpu.memref_slice %arg15[%add3A_39, %dma_wait3A_109] : memref<2560x128xf32, #tpu.memory_space<vmem_shared>> -> memref<20x128xf32, #tpu.memory_space<vmem_shared>>
      tpu.wait_dma2 semaphore(%run_scoped3A : memref<!tpu.dma_semaphore, #tpu.memory_space<semaphore_mem>>) src(%arg5 : memref<20x128xf32, #tpu.memory_space<hbm>>) dst(%dma_wait3A_110 : memref<20x128xf32, #tpu.memory_space<vmem_shared>>)
      tpu.yield
    }) : () -> ()
    %mul3A_40 = arith.constant 8 : i32
    %mul3A_41 = arith.muli %arg1, %mul3A_40 : i32
    %mul3A_42 = arith.constant 20 : i32
    %mul3A_43 = arith.muli %mul3A_41, %mul3A_42 : i32
    %add3A_44 = arith.constant 140 : i32
    %add3A_45 = arith.addi %mul3A_43, %add3A_44 : i32
    "tpu.region"() ({
      %run_scoped3A = tpu.sem_alloc : memref<!tpu.dma_semaphore, #tpu.memory_space<semaphore_mem>>
      %dma_start3A_107 = arith.constant 0 : i32
      %dma_start3A_108 = tpu.memref_slice %arg15[%add3A_45, %dma_start3A_107] : memref<2560x128xf32, #tpu.memory_space<vmem_shared>> -> memref<20x128xf32, #tpu.memory_space<vmem_shared>>
      tpu.enqueue_dma source(%arg5 : memref<20x128xf32, #tpu.memory_space<hbm>>) target(%dma_start3A_108 : memref<20x128xf32, #tpu.memory_space<vmem_shared>>) target_semaphore(%run_scoped3A : memref<!tpu.dma_semaphore, #tpu.memory_space<semaphore_mem>>)
      %dma_wait3A_109 = arith.constant 0 : i32
      %dma_wait3A_110 = tpu.memref_slice %arg15[%add3A_45, %dma_wait3A_109] : memref<2560x128xf32, #tpu.memory_space<vmem_shared>> -> memref<20x128xf32, #tpu.memory_space<vmem_shared>>
      tpu.wait_dma2 semaphore(%run_scoped3A : memref<!tpu.dma_semaphore, #tpu.memory_space<semaphore_mem>>) src(%arg5 : memref<20x128xf32, #tpu.memory_space<hbm>>) dst(%dma_wait3A_110 : memref<20x128xf32, #tpu.memory_space<vmem_shared>>)
      tpu.yield
    }) : () -> ()
    %iota3A = tpu.iota {dimensions = array<i32: 0>} : vector<16xi32>
    %broadcast_in_dim3A = arith.constant 0.000000e+00 : f32
    %broadcast_in_dim3A_46 = vector.broadcast %broadcast_in_dim3A : f32 to vector<16xf32>
    %eq3A = arith.constant 0 : i32
    %eq3A_47 = arith.cmpi eq, %arg0, %eq3A : i32
    %jit3A = arith.constant 1.000000e+00 : f32
    %jit3A_48 = arith.constant -1.000000e+00 : f32
    %select_n3A = arith.select %eq3A_47, %jit3A, %jit3A_48 : f32
    %add3A_49 = vector.broadcast %select_n3A : f32 to vector<16xf32>
    %add3A_50 = arith.addf %add3A_49, %broadcast_in_dim3A_46 : vector<16xf32>
    %jit3A_51 = arith.constant 1.000000e-15 : f32
    %jit3A_52 = arith.constant 1.000000e+00 : f32
    %select_n3A_53 = arith.select %eq3A_47, %jit3A_51, %jit3A_52 : f32
    %add3A_54 = vector.broadcast %select_n3A_53 : f32 to vector<16xf32>
    %add3A_55 = arith.addf %add3A_54, %broadcast_in_dim3A_46 : vector<16xf32>
    %mul3A_56 = arith.constant 320000 : i32
    %mul3A_57 = arith.muli %arg0, %mul3A_56 : i32
    %mul3A_58 = arith.constant 8 : i32
    %mul3A_59 = arith.muli %arg1, %mul3A_58 : i32
    %barrier3A = arith.constant 0 : index
    tpu.barrier barrier_id(%barrier3A)
    %rem3A = arith.constant 125 : i32
    %rem3A_60 = arith.remsi %mul3A_59, %rem3A : i32
    %mul3A_61 = arith.constant 2560 : i32
    %mul3A_62 = arith.muli %rem3A_60, %mul3A_61 : i32
    %add3A_63 = arith.addi %mul3A_57, %mul3A_62 : i32
    %dma_start3A = arith.constant 0 : i32
    %dma_start3A_64 = tpu.memref_slice %arg8[%dma_start3A] : memref<5120xi32, #tpu.memory_space<vmem>> -> memref<2560xi32, #tpu.memory_space<vmem>>
    %dma_start3A_65 = tpu.memref_slice %arg3[%add3A_63] : memref<640000xi32, #tpu.memory_space<hbm>> -> memref<2560xi32, #tpu.memory_space<hbm>>
    %dma_start3A_66 = arith.constant 0 : i32
    %dma_start3A_67 = tpu.memref_slice %arg8[%dma_start3A_66] : memref<5120xi32, #tpu.memory_space<vmem>> -> memref<2560xi32, #tpu.memory_space<vmem>>
    %dma_start3A_68 = tpu.memref_slice %arg3[%add3A_63] : memref<640000xi32, #tpu.memory_space<hbm>> -> memref<2560xi32, #tpu.memory_space<hbm>>
    tpu.enqueue_dma source(%dma_start3A_68 : memref<2560xi32, #tpu.memory_space<hbm>>) target(%dma_start3A_67 : memref<2560xi32, #tpu.memory_space<vmem>>) target_semaphore(%arg18 : memref<!tpu.dma_semaphore, #tpu.memory_space<semaphore_mem>>)
    %dma_start3A_69 = arith.constant 0 : i32
    %dma_start3A_70 = tpu.memref_slice %arg9[%dma_start3A_69] : memref<5120xi32, #tpu.memory_space<vmem>> -> memref<2560xi32, #tpu.memory_space<vmem>>
    %dma_start3A_71 = tpu.memref_slice %arg4[%add3A_63] : memref<640000xi32, #tpu.memory_space<hbm>> -> memref<2560xi32, #tpu.memory_space<hbm>>
    %dma_start3A_72 = arith.constant 0 : i32
    %dma_start3A_73 = tpu.memref_slice %arg9[%dma_start3A_72] : memref<5120xi32, #tpu.memory_space<vmem>> -> memref<2560xi32, #tpu.memory_space<vmem>>
    %dma_start3A_74 = tpu.memref_slice %arg4[%add3A_63] : memref<640000xi32, #tpu.memory_space<hbm>> -> memref<2560xi32, #tpu.memory_space<hbm>>
    tpu.enqueue_dma source(%dma_start3A_74 : memref<2560xi32, #tpu.memory_space<hbm>>) target(%dma_start3A_73 : memref<2560xi32, #tpu.memory_space<vmem>>) target_semaphore(%arg18 : memref<!tpu.dma_semaphore, #tpu.memory_space<semaphore_mem>>)
    %scan3A = arith.constant 0 : i32
    %scan3A_75 = arith.constant 0 : i32
    %scan3A_76 = arith.constant 125 : i32
    %scan3A_77 = arith.addi %scan3A_75, %scan3A_76 : i32
    %scan3A_78 = arith.constant 1 : i32
    scf.for %scan3A_107 = %scan3A_75 to %scan3A_77 step %scan3A_78  : i32 {
      %add3A_108 = arith.addi %scan3A_107, %mul3A_59 : i32
      %rem3A_109 = arith.constant 125 : i32
      %rem3A_110 = arith.remsi %add3A_108, %rem3A_109 : i32
      %mul3A_111 = arith.constant 2560 : i32
      %mul3A_112 = arith.muli %rem3A_110, %mul3A_111 : i32
      %add3A_113 = arith.addi %mul3A_57, %mul3A_112 : i32
      %and3A = arith.constant 1 : i32
      %and3A_114 = arith.andi %scan3A_107, %and3A : i32
      %mul3A_115 = arith.constant 20 : i32
      %mul3A_116 = arith.muli %and3A_114, %mul3A_115 : i32
      %mul3A_117 = arith.constant 2560 : i32
      %mul3A_118 = arith.muli %and3A_114, %mul3A_117 : i32
      %add3A_119 = arith.constant 1 : i32
      %add3A_120 = arith.addi %scan3A_107, %add3A_119 : i32
      %lt3A_121 = arith.constant 125 : i32
      %lt3A_122 = arith.cmpi slt, %add3A_120, %lt3A_121 : i32
      %convert_element_type3A = arith.extui %lt3A_122 : i1 to i32
      %cond3A = arith.constant 0 : i32
      %cond3A_123 = arith.cmpi ne, %convert_element_type3A, %cond3A : i32
      scf.if %cond3A_123 {
        %add3A_152 = arith.constant 1 : i32
        %add3A_153 = arith.addi %scan3A_107, %add3A_152 : i32
        %add3A_154 = arith.addi %add3A_153, %mul3A_59 : i32
        %rem3A_155 = arith.constant 125 : i32
        %rem3A_156 = arith.remsi %add3A_154, %rem3A_155 : i32
        %mul3A_157 = arith.constant 2560 : i32
        %mul3A_158 = arith.muli %rem3A_156, %mul3A_157 : i32
        %add3A_159 = arith.addi %mul3A_57, %mul3A_158 : i32
        %eq3A_160 = arith.constant 0 : i32
        %eq3A_161 = arith.cmpi eq, %and3A_114, %eq3A_160 : i32
        %convert_element_type3A_162 = arith.extui %eq3A_161 : i1 to i32
        %cond3A_163 = arith.constant 0 : i32
        %cond3A_164 = arith.cmpi ne, %convert_element_type3A_162, %cond3A_163 : i32
        scf.if %cond3A_164 {
          %dma_start3A_170 = arith.constant 2560 : i32
          %dma_start3A_171 = tpu.memref_slice %arg8[%dma_start3A_170] : memref<5120xi32, #tpu.memory_space<vmem>> -> memref<2560xi32, #tpu.memory_space<vmem>>
          %dma_start3A_172 = tpu.memref_slice %arg3[%add3A_159] : memref<640000xi32, #tpu.memory_space<hbm>> -> memref<2560xi32, #tpu.memory_space<hbm>>
          %dma_start3A_173 = arith.constant 2560 : i32
          %dma_start3A_174 = tpu.memref_slice %arg8[%dma_start3A_173] : memref<5120xi32, #tpu.memory_space<vmem>> -> memref<2560xi32, #tpu.memory_space<vmem>>
          %dma_start3A_175 = tpu.memref_slice %arg3[%add3A_159] : memref<640000xi32, #tpu.memory_space<hbm>> -> memref<2560xi32, #tpu.memory_space<hbm>>
          tpu.enqueue_dma source(%dma_start3A_175 : memref<2560xi32, #tpu.memory_space<hbm>>) target(%dma_start3A_174 : memref<2560xi32, #tpu.memory_space<vmem>>) target_semaphore(%arg19 : memref<!tpu.dma_semaphore, #tpu.memory_space<semaphore_mem>>)
          %dma_start3A_176 = arith.constant 2560 : i32
          %dma_start3A_177 = tpu.memref_slice %arg9[%dma_start3A_176] : memref<5120xi32, #tpu.memory_space<vmem>> -> memref<2560xi32, #tpu.memory_space<vmem>>
          %dma_start3A_178 = tpu.memref_slice %arg4[%add3A_159] : memref<640000xi32, #tpu.memory_space<hbm>> -> memref<2560xi32, #tpu.memory_space<hbm>>
          %dma_start3A_179 = arith.constant 2560 : i32
          %dma_start3A_180 = tpu.memref_slice %arg9[%dma_start3A_179] : memref<5120xi32, #tpu.memory_space<vmem>> -> memref<2560xi32, #tpu.memory_space<vmem>>
          %dma_start3A_181 = tpu.memref_slice %arg4[%add3A_159] : memref<640000xi32, #tpu.memory_space<hbm>> -> memref<2560xi32, #tpu.memory_space<hbm>>
          tpu.enqueue_dma source(%dma_start3A_181 : memref<2560xi32, #tpu.memory_space<hbm>>) target(%dma_start3A_180 : memref<2560xi32, #tpu.memory_space<vmem>>) target_semaphore(%arg19 : memref<!tpu.dma_semaphore, #tpu.memory_space<semaphore_mem>>)
        } else {
        }
        %eq3A_165 = arith.constant 1 : i32
        %eq3A_166 = arith.cmpi eq, %and3A_114, %eq3A_165 : i32
        %convert_element_type3A_167 = arith.extui %eq3A_166 : i1 to i32
        %cond3A_168 = arith.constant 0 : i32
        %cond3A_169 = arith.cmpi ne, %convert_element_type3A_167, %cond3A_168 : i32
        scf.if %cond3A_169 {
          %dma_start3A_170 = arith.constant 0 : i32
          %dma_start3A_171 = tpu.memref_slice %arg8[%dma_start3A_170] : memref<5120xi32, #tpu.memory_space<vmem>> -> memref<2560xi32, #tpu.memory_space<vmem>>
          %dma_start3A_172 = tpu.memref_slice %arg3[%add3A_159] : memref<640000xi32, #tpu.memory_space<hbm>> -> memref<2560xi32, #tpu.memory_space<hbm>>
          %dma_start3A_173 = arith.constant 0 : i32
          %dma_start3A_174 = tpu.memref_slice %arg8[%dma_start3A_173] : memref<5120xi32, #tpu.memory_space<vmem>> -> memref<2560xi32, #tpu.memory_space<vmem>>
          %dma_start3A_175 = tpu.memref_slice %arg3[%add3A_159] : memref<640000xi32, #tpu.memory_space<hbm>> -> memref<2560xi32, #tpu.memory_space<hbm>>
          tpu.enqueue_dma source(%dma_start3A_175 : memref<2560xi32, #tpu.memory_space<hbm>>) target(%dma_start3A_174 : memref<2560xi32, #tpu.memory_space<vmem>>) target_semaphore(%arg18 : memref<!tpu.dma_semaphore, #tpu.memory_space<semaphore_mem>>)
          %dma_start3A_176 = arith.constant 0 : i32
          %dma_start3A_177 = tpu.memref_slice %arg9[%dma_start3A_176] : memref<5120xi32, #tpu.memory_space<vmem>> -> memref<2560xi32, #tpu.memory_space<vmem>>
          %dma_start3A_178 = tpu.memref_slice %arg4[%add3A_159] : memref<640000xi32, #tpu.memory_space<hbm>> -> memref<2560xi32, #tpu.memory_space<hbm>>
          %dma_start3A_179 = arith.constant 0 : i32
          %dma_start3A_180 = tpu.memref_slice %arg9[%dma_start3A_179] : memref<5120xi32, #tpu.memory_space<vmem>> -> memref<2560xi32, #tpu.memory_space<vmem>>
          %dma_start3A_181 = tpu.memref_slice %arg4[%add3A_159] : memref<640000xi32, #tpu.memory_space<hbm>> -> memref<2560xi32, #tpu.memory_space<hbm>>
          tpu.enqueue_dma source(%dma_start3A_181 : memref<2560xi32, #tpu.memory_space<hbm>>) target(%dma_start3A_180 : memref<2560xi32, #tpu.memory_space<vmem>>) target_semaphore(%arg18 : memref<!tpu.dma_semaphore, #tpu.memory_space<semaphore_mem>>)
        } else {
        }
      } else {
      }
      %eq3A_124 = arith.constant 0 : i32
      %eq3A_125 = arith.cmpi eq, %and3A_114, %eq3A_124 : i32
      %convert_element_type3A_126 = arith.extui %eq3A_125 : i1 to i32
      %cond3A_127 = arith.constant 0 : i32
      %cond3A_128 = arith.cmpi ne, %convert_element_type3A_126, %cond3A_127 : i32
      scf.if %cond3A_128 {
        %dma_wait3A_152 = arith.constant 0 : i32
        %dma_wait3A_153 = tpu.memref_slice %arg8[%dma_wait3A_152] : memref<5120xi32, #tpu.memory_space<vmem>> -> memref<2560xi32, #tpu.memory_space<vmem>>
        %dma_wait3A_154 = tpu.memref_slice %arg3[%add3A_113] : memref<640000xi32, #tpu.memory_space<hbm>> -> memref<2560xi32, #tpu.memory_space<hbm>>
        %dma_wait3A_155 = arith.constant 0 : i32
        %dma_wait3A_156 = tpu.memref_slice %arg8[%dma_wait3A_155] : memref<5120xi32, #tpu.memory_space<vmem>> -> memref<2560xi32, #tpu.memory_space<vmem>>
        %dma_wait3A_157 = tpu.memref_slice %arg3[%add3A_113] : memref<640000xi32, #tpu.memory_space<hbm>> -> memref<2560xi32, #tpu.memory_space<hbm>>
        tpu.wait_dma2 semaphore(%arg18 : memref<!tpu.dma_semaphore, #tpu.memory_space<semaphore_mem>>) src(%dma_wait3A_157 : memref<2560xi32, #tpu.memory_space<hbm>>) dst(%dma_wait3A_156 : memref<2560xi32, #tpu.memory_space<vmem>>)
        %dma_wait3A_158 = arith.constant 0 : i32
        %dma_wait3A_159 = tpu.memref_slice %arg9[%dma_wait3A_158] : memref<5120xi32, #tpu.memory_space<vmem>> -> memref<2560xi32, #tpu.memory_space<vmem>>
        %dma_wait3A_160 = tpu.memref_slice %arg4[%add3A_113] : memref<640000xi32, #tpu.memory_space<hbm>> -> memref<2560xi32, #tpu.memory_space<hbm>>
        %dma_wait3A_161 = arith.constant 0 : i32
        %dma_wait3A_162 = tpu.memref_slice %arg9[%dma_wait3A_161] : memref<5120xi32, #tpu.memory_space<vmem>> -> memref<2560xi32, #tpu.memory_space<vmem>>
        %dma_wait3A_163 = tpu.memref_slice %arg4[%add3A_113] : memref<640000xi32, #tpu.memory_space<hbm>> -> memref<2560xi32, #tpu.memory_space<hbm>>
        tpu.wait_dma2 semaphore(%arg18 : memref<!tpu.dma_semaphore, #tpu.memory_space<semaphore_mem>>) src(%dma_wait3A_163 : memref<2560xi32, #tpu.memory_space<hbm>>) dst(%dma_wait3A_162 : memref<2560xi32, #tpu.memory_space<vmem>>)
      } else {
      }
      %eq3A_129 = arith.constant 1 : i32
      %eq3A_130 = arith.cmpi eq, %and3A_114, %eq3A_129 : i32
      %convert_element_type3A_131 = arith.extui %eq3A_130 : i1 to i32
      %cond3A_132 = arith.constant 0 : i32
      %cond3A_133 = arith.cmpi ne, %convert_element_type3A_131, %cond3A_132 : i32
      scf.if %cond3A_133 {
        %dma_wait3A_152 = arith.constant 2560 : i32
        %dma_wait3A_153 = tpu.memref_slice %arg8[%dma_wait3A_152] : memref<5120xi32, #tpu.memory_space<vmem>> -> memref<2560xi32, #tpu.memory_space<vmem>>
        %dma_wait3A_154 = tpu.memref_slice %arg3[%add3A_113] : memref<640000xi32, #tpu.memory_space<hbm>> -> memref<2560xi32, #tpu.memory_space<hbm>>
        %dma_wait3A_155 = arith.constant 2560 : i32
        %dma_wait3A_156 = tpu.memref_slice %arg8[%dma_wait3A_155] : memref<5120xi32, #tpu.memory_space<vmem>> -> memref<2560xi32, #tpu.memory_space<vmem>>
        %dma_wait3A_157 = tpu.memref_slice %arg3[%add3A_113] : memref<640000xi32, #tpu.memory_space<hbm>> -> memref<2560xi32, #tpu.memory_space<hbm>>
        tpu.wait_dma2 semaphore(%arg19 : memref<!tpu.dma_semaphore, #tpu.memory_space<semaphore_mem>>) src(%dma_wait3A_157 : memref<2560xi32, #tpu.memory_space<hbm>>) dst(%dma_wait3A_156 : memref<2560xi32, #tpu.memory_space<vmem>>)
        %dma_wait3A_158 = arith.constant 2560 : i32
        %dma_wait3A_159 = tpu.memref_slice %arg9[%dma_wait3A_158] : memref<5120xi32, #tpu.memory_space<vmem>> -> memref<2560xi32, #tpu.memory_space<vmem>>
        %dma_wait3A_160 = tpu.memref_slice %arg4[%add3A_113] : memref<640000xi32, #tpu.memory_space<hbm>> -> memref<2560xi32, #tpu.memory_space<hbm>>
        %dma_wait3A_161 = arith.constant 2560 : i32
        %dma_wait3A_162 = tpu.memref_slice %arg9[%dma_wait3A_161] : memref<5120xi32, #tpu.memory_space<vmem>> -> memref<2560xi32, #tpu.memory_space<vmem>>
        %dma_wait3A_163 = tpu.memref_slice %arg4[%add3A_113] : memref<640000xi32, #tpu.memory_space<hbm>> -> memref<2560xi32, #tpu.memory_space<hbm>>
        tpu.wait_dma2 semaphore(%arg19 : memref<!tpu.dma_semaphore, #tpu.memory_space<semaphore_mem>>) src(%dma_wait3A_163 : memref<2560xi32, #tpu.memory_space<hbm>>) dst(%dma_wait3A_162 : memref<2560xi32, #tpu.memory_space<vmem>>)
      } else {
      }
      %ge3A = arith.constant 2 : i32
      %ge3A_134 = arith.cmpi sge, %scan3A_107, %ge3A : i32
      %convert_element_type3A_135 = arith.extui %ge3A_134 : i1 to i32
      %cond3A_136 = arith.constant 0 : i32
      %cond3A_137 = arith.cmpi ne, %convert_element_type3A_135, %cond3A_136 : i32
      scf.if %cond3A_137 {
        %eq3A_152 = arith.constant 0 : i32
        %eq3A_153 = arith.cmpi eq, %and3A_114, %eq3A_152 : i32
        %convert_element_type3A_154 = arith.extui %eq3A_153 : i1 to i32
        %cond3A_155 = arith.constant 0 : i32
        %cond3A_156 = arith.cmpi ne, %convert_element_type3A_154, %cond3A_155 : i32
        scf.if %cond3A_156 {
          %dma_wait3A_162 = arith.constant 0 : i32
          %dma_wait3A_163 = arith.constant 0 : i32
          %dma_wait3A_164 = tpu.memref_slice %arg10[%dma_wait3A_162, %dma_wait3A_163] : memref<40x128xf32, #tpu.memory_space<vmem>> -> memref<20x128xf32, #tpu.memory_space<vmem>>
          %dma_wait3A_165 = arith.constant 0 : i32
          %dma_wait3A_166 = arith.constant 0 : i32
          %dma_wait3A_167 = tpu.memref_slice %arg10[%dma_wait3A_165, %dma_wait3A_166] : memref<40x128xf32, #tpu.memory_space<vmem>> -> memref<20x128xf32, #tpu.memory_space<vmem>>
          tpu.wait_dma2 semaphore(%arg16 : memref<!tpu.dma_semaphore, #tpu.memory_space<semaphore_mem>>) src(%arg5 : memref<20x128xf32, #tpu.memory_space<hbm>>) dst(%dma_wait3A_167 : memref<20x128xf32, #tpu.memory_space<vmem>>)
        } else {
        }
        %eq3A_157 = arith.constant 1 : i32
        %eq3A_158 = arith.cmpi eq, %and3A_114, %eq3A_157 : i32
        %convert_element_type3A_159 = arith.extui %eq3A_158 : i1 to i32
        %cond3A_160 = arith.constant 0 : i32
        %cond3A_161 = arith.cmpi ne, %convert_element_type3A_159, %cond3A_160 : i32
        scf.if %cond3A_161 {
          %dma_wait3A_162 = arith.constant 20 : i32
          %dma_wait3A_163 = arith.constant 0 : i32
          %dma_wait3A_164 = tpu.memref_slice %arg10[%dma_wait3A_162, %dma_wait3A_163] : memref<40x128xf32, #tpu.memory_space<vmem>> -> memref<20x128xf32, #tpu.memory_space<vmem>>
          %dma_wait3A_165 = arith.constant 20 : i32
          %dma_wait3A_166 = arith.constant 0 : i32
          %dma_wait3A_167 = tpu.memref_slice %arg10[%dma_wait3A_165, %dma_wait3A_166] : memref<40x128xf32, #tpu.memory_space<vmem>> -> memref<20x128xf32, #tpu.memory_space<vmem>>
          tpu.wait_dma2 semaphore(%arg17 : memref<!tpu.dma_semaphore, #tpu.memory_space<semaphore_mem>>) src(%arg5 : memref<20x128xf32, #tpu.memory_space<hbm>>) dst(%dma_wait3A_167 : memref<20x128xf32, #tpu.memory_space<vmem>>)
        } else {
        }
      } else {
      }
      %parallel_loop3A = arith.constant 0 : i32
      %parallel_loop3A_138 = arith.constant 160 : i32
      %parallel_loop3A_139 = arith.constant 1 : i32
      scf.for %parallel_loop3A_152 = %parallel_loop3A to %parallel_loop3A_138 step %parallel_loop3A_139  : i32 {
        %parallel_loop3A_153 = arith.constant 16 : i32
        %parallel_loop3A_154 = arith.muli %parallel_loop3A_152, %parallel_loop3A_153 : i32
        %parallel_loop3A_155 = arith.addi %mul3A_118, %parallel_loop3A_154 : i32
        %parallel_loop3A_156 = arith.index_cast %parallel_loop3A_155 : i32 to index
        %parallel_loop3A_157 = tpu.vector_load %arg8[%parallel_loop3A_156] {strides = array<i32>} : memref<5120xi32, #tpu.memory_space<vmem>>, vector<16xi32>,
        %parallel_loop3A_158 = arith.constant 16 : i32
        %parallel_loop3A_159 = arith.muli %parallel_loop3A_152, %parallel_loop3A_158 : i32
        %parallel_loop3A_160 = arith.addi %mul3A_118, %parallel_loop3A_159 : i32
        %parallel_loop3A_161 = arith.index_cast %parallel_loop3A_160 : i32 to index
        %parallel_loop3A_162 = tpu.vector_load %arg9[%parallel_loop3A_161] {strides = array<i32>} : memref<5120xi32, #tpu.memory_space<vmem>>, vector<16xi32>,
        %parallel_loop3A_163 = arith.constant 0 : i32
        %parallel_loop3A_164 = vector.broadcast %parallel_loop3A_163 : i32 to vector<16xi32>
        %parallel_loop3A_165 = arith.addi %parallel_loop3A_157, %parallel_loop3A_164 : vector<16xi32>
        %parallel_loop3A_166 = tpu.vector_load_idx %arg7[%parallel_loop3A_165] : memref<50000xi32, #tpu.memory_space<vmem>>[vector<16xi32>], vector<16xi32>,
        %parallel_loop3A_167 = arith.constant 0 : i32
        %parallel_loop3A_168 = vector.broadcast %parallel_loop3A_167 : i32 to vector<16xi32>
        %parallel_loop3A_169 = arith.addi %parallel_loop3A_162, %parallel_loop3A_168 : vector<16xi32>
        %parallel_loop3A_170 = tpu.vector_load_idx %arg7[%parallel_loop3A_169] : memref<50000xi32, #tpu.memory_space<vmem>>[vector<16xi32>], vector<16xi32>,
        %parallel_loop3A_171 = arith.constant 16 : i32
        %parallel_loop3A_172 = vector.broadcast %parallel_loop3A_171 : i32 to vector<16xi32>
        %parallel_loop3A_173 = arith.shli %parallel_loop3A_166, %parallel_loop3A_172 : vector<16xi32>
        %parallel_loop3A_174 = vector.bitcast %parallel_loop3A_173 : vector<16xi32> to vector<16xf32>
        %parallel_loop3A_175 = arith.constant 16 : i32
        %parallel_loop3A_176 = vector.broadcast %parallel_loop3A_175 : i32 to vector<16xi32>
        %parallel_loop3A_177 = arith.shli %parallel_loop3A_170, %parallel_loop3A_176 : vector<16xi32>
        %parallel_loop3A_178 = vector.bitcast %parallel_loop3A_177 : vector<16xi32> to vector<16xf32>
        %parallel_loop3A_179 = arith.constant -65536 : i32
        %parallel_loop3A_180 = vector.broadcast %parallel_loop3A_179 : i32 to vector<16xi32>
        %parallel_loop3A_181 = arith.andi %parallel_loop3A_166, %parallel_loop3A_180 : vector<16xi32>
        %parallel_loop3A_182 = vector.bitcast %parallel_loop3A_181 : vector<16xi32> to vector<16xf32>
        %parallel_loop3A_183 = arith.constant -65536 : i32
        %parallel_loop3A_184 = vector.broadcast %parallel_loop3A_183 : i32 to vector<16xi32>
        %parallel_loop3A_185 = arith.andi %parallel_loop3A_170, %parallel_loop3A_184 : vector<16xi32>
        %parallel_loop3A_186 = vector.bitcast %parallel_loop3A_185 : vector<16xi32> to vector<16xf32>
        %parallel_loop3A_187 = arith.mulf %parallel_loop3A_174, %parallel_loop3A_178 : vector<16xf32>
        %parallel_loop3A_188 = arith.mulf %parallel_loop3A_182, %parallel_loop3A_186 : vector<16xf32>
        %parallel_loop3A_189 = arith.addf %parallel_loop3A_187, %parallel_loop3A_188 : vector<16xf32>
        %parallel_loop3A_190 = arith.constant 1 : i32
        %parallel_loop3A_191 = vector.broadcast %parallel_loop3A_190 : i32 to vector<16xi32>
        %parallel_loop3A_192 = arith.addi %parallel_loop3A_157, %parallel_loop3A_191 : vector<16xi32>
        %parallel_loop3A_193 = tpu.vector_load_idx %arg7[%parallel_loop3A_192] : memref<50000xi32, #tpu.memory_space<vmem>>[vector<16xi32>], vector<16xi32>,
        %parallel_loop3A_194 = arith.constant 1 : i32
        %parallel_loop3A_195 = vector.broadcast %parallel_loop3A_194 : i32 to vector<16xi32>
        %parallel_loop3A_196 = arith.addi %parallel_loop3A_162, %parallel_loop3A_195 : vector<16xi32>
        %parallel_loop3A_197 = tpu.vector_load_idx %arg7[%parallel_loop3A_196] : memref<50000xi32, #tpu.memory_space<vmem>>[vector<16xi32>], vector<16xi32>,
        %parallel_loop3A_198 = arith.constant 16 : i32
        %parallel_loop3A_199 = vector.broadcast %parallel_loop3A_198 : i32 to vector<16xi32>
        %parallel_loop3A_200 = arith.shli %parallel_loop3A_193, %parallel_loop3A_199 : vector<16xi32>
        %parallel_loop3A_201 = vector.bitcast %parallel_loop3A_200 : vector<16xi32> to vector<16xf32>
        %parallel_loop3A_202 = arith.constant 16 : i32
        %parallel_loop3A_203 = vector.broadcast %parallel_loop3A_202 : i32 to vector<16xi32>
        %parallel_loop3A_204 = arith.shli %parallel_loop3A_197, %parallel_loop3A_203 : vector<16xi32>
        %parallel_loop3A_205 = vector.bitcast %parallel_loop3A_204 : vector<16xi32> to vector<16xf32>
        %parallel_loop3A_206 = arith.constant -65536 : i32
        %parallel_loop3A_207 = vector.broadcast %parallel_loop3A_206 : i32 to vector<16xi32>
        %parallel_loop3A_208 = arith.andi %parallel_loop3A_193, %parallel_loop3A_207 : vector<16xi32>
        %parallel_loop3A_209 = vector.bitcast %parallel_loop3A_208 : vector<16xi32> to vector<16xf32>
        %parallel_loop3A_210 = arith.constant -65536 : i32
        %parallel_loop3A_211 = vector.broadcast %parallel_loop3A_210 : i32 to vector<16xi32>
        %parallel_loop3A_212 = arith.andi %parallel_loop3A_197, %parallel_loop3A_211 : vector<16xi32>
        %parallel_loop3A_213 = vector.bitcast %parallel_loop3A_212 : vector<16xi32> to vector<16xf32>
        %parallel_loop3A_214 = arith.mulf %parallel_loop3A_201, %parallel_loop3A_205 : vector<16xf32>
        %parallel_loop3A_215 = arith.mulf %parallel_loop3A_209, %parallel_loop3A_213 : vector<16xf32>
        %parallel_loop3A_216 = arith.addf %parallel_loop3A_214, %parallel_loop3A_215 : vector<16xf32>
        %parallel_loop3A_217 = arith.addf %parallel_loop3A_189, %parallel_loop3A_216 : vector<16xf32>
        %parallel_loop3A_218 = arith.constant 2 : i32
        %parallel_loop3A_219 = vector.broadcast %parallel_loop3A_218 : i32 to vector<16xi32>
        %parallel_loop3A_220 = arith.addi %parallel_loop3A_157, %parallel_loop3A_219 : vector<16xi32>
        %parallel_loop3A_221 = tpu.vector_load_idx %arg7[%parallel_loop3A_220] : memref<50000xi32, #tpu.memory_space<vmem>>[vector<16xi32>], vector<16xi32>,
        %parallel_loop3A_222 = arith.constant 2 : i32
        %parallel_loop3A_223 = vector.broadcast %parallel_loop3A_222 : i32 to vector<16xi32>
        %parallel_loop3A_224 = arith.addi %parallel_loop3A_162, %parallel_loop3A_223 : vector<16xi32>
        %parallel_loop3A_225 = tpu.vector_load_idx %arg7[%parallel_loop3A_224] : memref<50000xi32, #tpu.memory_space<vmem>>[vector<16xi32>], vector<16xi32>,
        %parallel_loop3A_226 = arith.constant 16 : i32
        %parallel_loop3A_227 = vector.broadcast %parallel_loop3A_226 : i32 to vector<16xi32>
        %parallel_loop3A_228 = arith.shli %parallel_loop3A_221, %parallel_loop3A_227 : vector<16xi32>
        %parallel_loop3A_229 = vector.bitcast %parallel_loop3A_228 : vector<16xi32> to vector<16xf32>
        %parallel_loop3A_230 = arith.constant 16 : i32
        %parallel_loop3A_231 = vector.broadcast %parallel_loop3A_230 : i32 to vector<16xi32>
        %parallel_loop3A_232 = arith.shli %parallel_loop3A_225, %parallel_loop3A_231 : vector<16xi32>
        %parallel_loop3A_233 = vector.bitcast %parallel_loop3A_232 : vector<16xi32> to vector<16xf32>
        %parallel_loop3A_234 = arith.constant -65536 : i32
        %parallel_loop3A_235 = vector.broadcast %parallel_loop3A_234 : i32 to vector<16xi32>
        %parallel_loop3A_236 = arith.andi %parallel_loop3A_221, %parallel_loop3A_235 : vector<16xi32>
        %parallel_loop3A_237 = vector.bitcast %parallel_loop3A_236 : vector<16xi32> to vector<16xf32>
        %parallel_loop3A_238 = arith.constant -65536 : i32
        %parallel_loop3A_239 = vector.broadcast %parallel_loop3A_238 : i32 to vector<16xi32>
        %parallel_loop3A_240 = arith.andi %parallel_loop3A_225, %parallel_loop3A_239 : vector<16xi32>
        %parallel_loop3A_241 = vector.bitcast %parallel_loop3A_240 : vector<16xi32> to vector<16xf32>
        %parallel_loop3A_242 = arith.mulf %parallel_loop3A_229, %parallel_loop3A_233 : vector<16xf32>
        %parallel_loop3A_243 = arith.mulf %parallel_loop3A_237, %parallel_loop3A_241 : vector<16xf32>
        %parallel_loop3A_244 = arith.addf %parallel_loop3A_242, %parallel_loop3A_243 : vector<16xf32>
        %parallel_loop3A_245 = arith.addf %parallel_loop3A_217, %parallel_loop3A_244 : vector<16xf32>
        %parallel_loop3A_246 = arith.constant 3 : i32
        %parallel_loop3A_247 = vector.broadcast %parallel_loop3A_246 : i32 to vector<16xi32>
        %parallel_loop3A_248 = arith.addi %parallel_loop3A_157, %parallel_loop3A_247 : vector<16xi32>
        %parallel_loop3A_249 = tpu.vector_load_idx %arg7[%parallel_loop3A_248] : memref<50000xi32, #tpu.memory_space<vmem>>[vector<16xi32>], vector<16xi32>,
        %parallel_loop3A_250 = arith.constant 3 : i32
        %parallel_loop3A_251 = vector.broadcast %parallel_loop3A_250 : i32 to vector<16xi32>
        %parallel_loop3A_252 = arith.addi %parallel_loop3A_162, %parallel_loop3A_251 : vector<16xi32>
        %parallel_loop3A_253 = tpu.vector_load_idx %arg7[%parallel_loop3A_252] : memref<50000xi32, #tpu.memory_space<vmem>>[vector<16xi32>], vector<16xi32>,
        %parallel_loop3A_254 = arith.constant 16 : i32
        %parallel_loop3A_255 = vector.broadcast %parallel_loop3A_254 : i32 to vector<16xi32>
        %parallel_loop3A_256 = arith.shli %parallel_loop3A_249, %parallel_loop3A_255 : vector<16xi32>
        %parallel_loop3A_257 = vector.bitcast %parallel_loop3A_256 : vector<16xi32> to vector<16xf32>
        %parallel_loop3A_258 = arith.constant 16 : i32
        %parallel_loop3A_259 = vector.broadcast %parallel_loop3A_258 : i32 to vector<16xi32>
        %parallel_loop3A_260 = arith.shli %parallel_loop3A_253, %parallel_loop3A_259 : vector<16xi32>
        %parallel_loop3A_261 = vector.bitcast %parallel_loop3A_260 : vector<16xi32> to vector<16xf32>
        %parallel_loop3A_262 = arith.constant -65536 : i32
        %parallel_loop3A_263 = vector.broadcast %parallel_loop3A_262 : i32 to vector<16xi32>
        %parallel_loop3A_264 = arith.andi %parallel_loop3A_249, %parallel_loop3A_263 : vector<16xi32>
        %parallel_loop3A_265 = vector.bitcast %parallel_loop3A_264 : vector<16xi32> to vector<16xf32>
        %parallel_loop3A_266 = arith.constant -65536 : i32
        %parallel_loop3A_267 = vector.broadcast %parallel_loop3A_266 : i32 to vector<16xi32>
        %parallel_loop3A_268 = arith.andi %parallel_loop3A_253, %parallel_loop3A_267 : vector<16xi32>
        %parallel_loop3A_269 = vector.bitcast %parallel_loop3A_268 : vector<16xi32> to vector<16xf32>
        %parallel_loop3A_270 = arith.mulf %parallel_loop3A_257, %parallel_loop3A_261 : vector<16xf32>
        %parallel_loop3A_271 = arith.mulf %parallel_loop3A_265, %parallel_loop3A_269 : vector<16xf32>
        %parallel_loop3A_272 = arith.addf %parallel_loop3A_270, %parallel_loop3A_271 : vector<16xf32>
        %parallel_loop3A_273 = arith.addf %parallel_loop3A_245, %parallel_loop3A_272 : vector<16xf32>
        %parallel_loop3A_274 = arith.constant 3 : i32
        %parallel_loop3A_275 = arith.shrui %parallel_loop3A_152, %parallel_loop3A_274 : i32
        %parallel_loop3A_276 = arith.addi %parallel_loop3A_275, %mul3A_116 : i32
        %parallel_loop3A_277 = arith.constant 7 : i32
        %parallel_loop3A_278 = arith.andi %parallel_loop3A_152, %parallel_loop3A_277 : i32
        %parallel_loop3A_279 = arith.constant 16 : i32
        %parallel_loop3A_280 = arith.muli %parallel_loop3A_278, %parallel_loop3A_279 : i32
        %parallel_loop3A_281 = arith.index_cast %parallel_loop3A_276 : i32 to index
        %parallel_loop3A_282 = arith.index_cast %parallel_loop3A_280 : i32 to index
        %parallel_loop3A_283 = tpu.vector_load %arg10[%parallel_loop3A_281, %parallel_loop3A_282] {strides = array<i32>} : memref<40x128xf32, #tpu.memory_space<vmem>>, vector<16xf32>,
        tpu.vector_store %arg10[%parallel_loop3A_281, %parallel_loop3A_282], %parallel_loop3A_273 {strides = array<i32>} : memref<40x128xf32, #tpu.memory_space<vmem>>, vector<16xf32>,
      } {sc.loop_unroll_factor = 8 : i64, sc.parallel_access}
      %mul3A_140 = arith.constant 20 : i32
      %mul3A_141 = arith.muli %rem3A_110, %mul3A_140 : i32
      %eq3A_142 = arith.constant 0 : i32
      %eq3A_143 = arith.cmpi eq, %and3A_114, %eq3A_142 : i32
      %convert_element_type3A_144 = arith.extui %eq3A_143 : i1 to i32
      %cond3A_145 = arith.constant 0 : i32
      %cond3A_146 = arith.cmpi ne, %convert_element_type3A_144, %cond3A_145 : i32
      scf.if %cond3A_146 {
        %add3A_152 = vector.broadcast %mul3A_141 : i32 to vector<16xi32>
        %add3A_153 = arith.addi %iota3A, %add3A_152 : vector<16xi32>
        %swap3A_154 = arith.constant 0 : index
        %swap3A_155 = tpu.vector_load %arg11[%swap3A_154] {strides = array<i32>} : memref<20xi32, #tpu.memory_space<vmem>>, vector<16xi32>,
        tpu.vector_store %arg11[%swap3A_154], %add3A_153 {strides = array<i32>} : memref<20xi32, #tpu.memory_space<vmem>>, vector<16xi32>,
        %add3A_156 = arith.constant 4 : i32
        %add3A_157 = arith.addi %mul3A_141, %add3A_156 : i32
        %add3A_158 = vector.broadcast %add3A_157 : i32 to vector<16xi32>
        %add3A_159 = arith.addi %iota3A, %add3A_158 : vector<16xi32>
        %swap3A_160 = arith.constant 4 : index
        %swap3A_161 = tpu.vector_load %arg11[%swap3A_160] {strides = array<i32>} : memref<20xi32, #tpu.memory_space<vmem>>, vector<16xi32>,
        tpu.vector_store %arg11[%swap3A_160], %add3A_159 {strides = array<i32>} : memref<20xi32, #tpu.memory_space<vmem>>, vector<16xi32>,
        %dma_start3A_162 = arith.constant 0 : i32
        %dma_start3A_163 = arith.constant 0 : i32
        %dma_start3A_164 = tpu.memref_slice %arg10[%dma_start3A_162, %dma_start3A_163] : memref<40x128xf32, #tpu.memory_space<vmem>> -> memref<20x128xf32, #tpu.memory_space<vmem>>
        %dma_start3A_165 = arith.constant 0 : i32
        %dma_start3A_166 = arith.constant 0 : i32
        %dma_start3A_167 = tpu.memref_slice %arg15[%dma_start3A_165, %dma_start3A_166] : memref<2560x128xf32, #tpu.memory_space<vmem_shared>> -> memref<2560x128xf32, #tpu.memory_space<vmem_shared>>
        tpu.enqueue_indirect_dma source(%dma_start3A_164 : memref<20x128xf32, #tpu.memory_space<vmem>>) target(%dma_start3A_167 : memref<2560x128xf32, #tpu.memory_space<vmem_shared>>) offsets(%arg11 : memref<20xi32, #tpu.memory_space<vmem>>) semaphore(%arg16 : memref<!tpu.dma_semaphore, #tpu.memory_space<semaphore_mem>>) {add = true}
      } else {
      }
      %eq3A_147 = arith.constant 1 : i32
      %eq3A_148 = arith.cmpi eq, %and3A_114, %eq3A_147 : i32
      %convert_element_type3A_149 = arith.extui %eq3A_148 : i1 to i32
      %cond3A_150 = arith.constant 0 : i32
      %cond3A_151 = arith.cmpi ne, %convert_element_type3A_149, %cond3A_150 : i32
      scf.if %cond3A_151 {
        %add3A_152 = vector.broadcast %mul3A_141 : i32 to vector<16xi32>
        %add3A_153 = arith.addi %iota3A, %add3A_152 : vector<16xi32>
        %swap3A_154 = arith.constant 0 : index
        %swap3A_155 = tpu.vector_load %arg12[%swap3A_154] {strides = array<i32>} : memref<20xi32, #tpu.memory_space<vmem>>, vector<16xi32>,
        tpu.vector_store %arg12[%swap3A_154], %add3A_153 {strides = array<i32>} : memref<20xi32, #tpu.memory_space<vmem>>, vector<16xi32>,
        %add3A_156 = arith.constant 4 : i32
        %add3A_157 = arith.addi %mul3A_141, %add3A_156 : i32
        %add3A_158 = vector.broadcast %add3A_157 : i32 to vector<16xi32>
        %add3A_159 = arith.addi %iota3A, %add3A_158 : vector<16xi32>
        %swap3A_160 = arith.constant 4 : index
        %swap3A_161 = tpu.vector_load %arg12[%swap3A_160] {strides = array<i32>} : memref<20xi32, #tpu.memory_space<vmem>>, vector<16xi32>,
        tpu.vector_store %arg12[%swap3A_160], %add3A_159 {strides = array<i32>} : memref<20xi32, #tpu.memory_space<vmem>>, vector<16xi32>,
        %dma_start3A_162 = arith.constant 20 : i32
        %dma_start3A_163 = arith.constant 0 : i32
        %dma_start3A_164 = tpu.memref_slice %arg10[%dma_start3A_162, %dma_start3A_163] : memref<40x128xf32, #tpu.memory_space<vmem>> -> memref<20x128xf32, #tpu.memory_space<vmem>>
        %dma_start3A_165 = arith.constant 0 : i32
        %dma_start3A_166 = arith.constant 0 : i32
        %dma_start3A_167 = tpu.memref_slice %arg15[%dma_start3A_165, %dma_start3A_166] : memref<2560x128xf32, #tpu.memory_space<vmem_shared>> -> memref<2560x128xf32, #tpu.memory_space<vmem_shared>>
        tpu.enqueue_indirect_dma source(%dma_start3A_164 : memref<20x128xf32, #tpu.memory_space<vmem>>) target(%dma_start3A_167 : memref<2560x128xf32, #tpu.memory_space<vmem_shared>>) offsets(%arg12 : memref<20xi32, #tpu.memory_space<vmem>>) semaphore(%arg17 : memref<!tpu.dma_semaphore, #tpu.memory_space<semaphore_mem>>) {add = true}
      } else {
      }
    }
    %scan3A_79 = arith.constant 125 : i32
    %dma_wait3A = arith.constant 0 : i32
    %dma_wait3A_80 = arith.constant 0 : i32
    %dma_wait3A_81 = tpu.memref_slice %arg10[%dma_wait3A, %dma_wait3A_80] : memref<40x128xf32, #tpu.memory_space<vmem>> -> memref<20x128xf32, #tpu.memory_space<vmem>>
    %dma_wait3A_82 = arith.constant 0 : i32
    %dma_wait3A_83 = arith.constant 0 : i32
    %dma_wait3A_84 = tpu.memref_slice %arg10[%dma_wait3A_82, %dma_wait3A_83] : memref<40x128xf32, #tpu.memory_space<vmem>> -> memref<20x128xf32, #tpu.memory_space<vmem>>
    tpu.wait_dma2 semaphore(%arg16 : memref<!tpu.dma_semaphore, #tpu.memory_space<semaphore_mem>>) src(%arg5 : memref<20x128xf32, #tpu.memory_space<hbm>>) dst(%dma_wait3A_84 : memref<20x128xf32, #tpu.memory_space<vmem>>)
    %dma_wait3A_85 = arith.constant 20 : i32
    %dma_wait3A_86 = arith.constant 0 : i32
    %dma_wait3A_87 = tpu.memref_slice %arg10[%dma_wait3A_85, %dma_wait3A_86] : memref<40x128xf32, #tpu.memory_space<vmem>> -> memref<20x128xf32, #tpu.memory_space<vmem>>
    %dma_wait3A_88 = arith.constant 20 : i32
    %dma_wait3A_89 = arith.constant 0 : i32
    %dma_wait3A_90 = tpu.memref_slice %arg10[%dma_wait3A_88, %dma_wait3A_89] : memref<40x128xf32, #tpu.memory_space<vmem>> -> memref<20x128xf32, #tpu.memory_space<vmem>>
    tpu.wait_dma2 semaphore(%arg17 : memref<!tpu.dma_semaphore, #tpu.memory_space<semaphore_mem>>) src(%arg5 : memref<20x128xf32, #tpu.memory_space<hbm>>) dst(%dma_wait3A_90 : memref<20x128xf32, #tpu.memory_space<vmem>>)
    %barrier3A_91 = arith.constant 0 : index
    tpu.barrier barrier_id(%barrier3A_91)
    %mul3A_92 = arith.constant 156 : i32
    %mul3A_93 = arith.muli %arg1, %mul3A_92 : i32
    %min3A = arith.constant 4 : i32
    %min3A_94 = arith.minsi %arg1, %min3A : i32
    %add3A_95 = arith.addi %mul3A_93, %min3A_94 : i32
    %lt3A = arith.constant 4 : i32
    %lt3A_96 = arith.cmpi slt, %arg1, %lt3A : i32
    %jit3A_97 = arith.constant 157 : i32
    %jit3A_98 = arith.constant 156 : i32
    %select_n3A_99 = arith.select %lt3A_96, %jit3A_97, %jit3A_98 : i32
    %scan3A_100 = arith.constant 0 : i32
    %scan3A_101 = arith.constant 8 : i32
    %scan3A_102 = arith.addi %scan3A_100, %scan3A_101 : i32
    %scan3A_103 = arith.constant 1 : i32
    %scan3A_104 = scf.for %scan3A_107 = %scan3A_100 to %scan3A_102 step %scan3A_103 iter_args(%scan3A_108 = %broadcast_in_dim3A_46) -> (vector<16xf32>)  : i32 {
      %mul3A_109 = arith.constant 20 : i32
      %mul3A_110 = arith.muli %scan3A_107, %mul3A_109 : i32
      %add3A_111 = arith.addi %add3A_95, %mul3A_110 : i32
      "tpu.region"() ({
        %run_scoped3A = tpu.sem_alloc : memref<!tpu.dma_semaphore, #tpu.memory_space<semaphore_mem>>
        %dma_start3A_118 = arith.constant 0 : i32
        %dma_start3A_119 = tpu.memref_slice %arg15[%add3A_111, %dma_start3A_118] : memref<2560x128xf32, #tpu.memory_space<vmem_shared>> -> memref<20x128xf32, #tpu.memory_space<vmem_shared>>
        %dma_start3A_120 = arith.constant 0 : i32
        %dma_start3A_121 = tpu.memref_slice %arg15[%add3A_111, %dma_start3A_120] : memref<2560x128xf32, #tpu.memory_space<vmem_shared>> -> memref<20x128xf32, #tpu.memory_space<vmem_shared>>
        tpu.enqueue_dma source(%dma_start3A_121 : memref<20x128xf32, #tpu.memory_space<vmem_shared>>) target(%arg13 : memref<20x128xf32, #tpu.memory_space<vmem>>) target_semaphore(%run_scoped3A : memref<!tpu.dma_semaphore, #tpu.memory_space<semaphore_mem>>)
        %dma_wait3A_122 = arith.constant 0 : i32
        %dma_wait3A_123 = tpu.memref_slice %arg15[%add3A_111, %dma_wait3A_122] : memref<2560x128xf32, #tpu.memory_space<vmem_shared>> -> memref<20x128xf32, #tpu.memory_space<vmem_shared>>
        %dma_wait3A_124 = arith.constant 0 : i32
        %dma_wait3A_125 = tpu.memref_slice %arg15[%add3A_111, %dma_wait3A_124] : memref<2560x128xf32, #tpu.memory_space<vmem_shared>> -> memref<20x128xf32, #tpu.memory_space<vmem_shared>>
        tpu.wait_dma2 semaphore(%run_scoped3A : memref<!tpu.dma_semaphore, #tpu.memory_space<semaphore_mem>>) src(%dma_wait3A_125 : memref<20x128xf32, #tpu.memory_space<vmem_shared>>) dst(%arg13 : memref<20x128xf32, #tpu.memory_space<vmem>>)
        tpu.yield
      }) : () -> ()
      %scan3A_112 = arith.constant 0 : i32
      %scan3A_113 = arith.constant 20 : i32
      %scan3A_114 = arith.addi %scan3A_112, %scan3A_113 : i32
      %scan3A_115 = arith.constant 2 : i32
      %scan3A_116 = scf.for %scan3A_118 = %scan3A_112 to %scan3A_114 step %scan3A_115 iter_args(%scan3A_119 = %scan3A_108) -> (vector<16xf32>)  : i32 {
        %mul3A_120 = arith.constant 20 : i32
        %mul3A_121 = arith.muli %scan3A_107, %mul3A_120 : i32
        %add3A_122 = arith.addi %mul3A_121, %scan3A_118 : i32
        %lt3A_123 = arith.cmpi slt, %add3A_122, %select_n3A_99 : i32
        %get3A = arith.index_cast %scan3A_118 : i32 to index
        %get3A_124 = arith.constant 0 : index
        %get3A_125 = tpu.vector_load %arg13[%get3A, %get3A_124] {strides = array<i32>} : memref<20x128xf32, #tpu.memory_space<vmem>>, vector<16xf32>,
        %neg3A = arith.constant 0.000000e+00 : f32
        %neg3A_126 = vector.broadcast %neg3A : f32 to vector<16xf32>
        %neg3A_127 = arith.subf %neg3A_126, %get3A_125 : vector<16xf32>
        %exp3A = math.exp %neg3A_127 : vector<16xf32>
        %add3A_128 = arith.constant 1.000000e+00 : f32
        %add3A_129 = vector.broadcast %add3A_128 : f32 to vector<16xf32>
        %add3A_130 = arith.addf %exp3A, %add3A_129 : vector<16xf32>
        %div3A = arith.constant 1.000000e+00 : f32
        %div3A_131 = vector.broadcast %div3A : f32 to vector<16xf32>
        %div3A_132 = arith.divf %div3A_131, %add3A_130 : vector<16xf32>
        %mul3A_133 = arith.mulf %add3A_50, %div3A_132 : vector<16xf32>
        %add3A_134 = arith.addf %mul3A_133, %add3A_55 : vector<16xf32>
        %max3A = arith.constant 0.000000e+00 : f32
        %max3A_135 = vector.broadcast %max3A : f32 to vector<16xf32>
        %max3A_136 = arith.maximumf %add3A_134, %max3A_135 : vector<16xf32>
        %bitcast3A = vector.bitcast %max3A_136 : vector<16xf32> to vector<16xi32>
        %add3A_137 = arith.constant 4913933 : i32
        %add3A_138 = vector.broadcast %add3A_137 : i32 to vector<16xi32>
        %add3A_139 = arith.addi %bitcast3A, %add3A_138 : vector<16xi32>
        %shift_right_logical3A = arith.constant 23 : i32
        %shift_right_logical3A_140 = vector.broadcast %shift_right_logical3A : i32 to vector<16xi32>
        %shift_right_logical3A_141 = arith.shrui %add3A_139, %shift_right_logical3A_140 : vector<16xi32>
        %sub3A = arith.constant 127 : i32
        %sub3A_142 = vector.broadcast %sub3A : i32 to vector<16xi32>
        %sub3A_143 = arith.subi %shift_right_logical3A_141, %sub3A_142 : vector<16xi32>
        %and3A = arith.constant 8388607 : i32
        %and3A_144 = vector.broadcast %and3A : i32 to vector<16xi32>
        %and3A_145 = arith.andi %add3A_139, %and3A_144 : vector<16xi32>
        %add3A_146 = arith.constant 1060439283 : i32
        %add3A_147 = vector.broadcast %add3A_146 : i32 to vector<16xi32>
        %add3A_148 = arith.addi %and3A_145, %add3A_147 : vector<16xi32>
        %bitcast3A_149 = vector.bitcast %add3A_148 : vector<16xi32> to vector<16xf32>
        %sub3A_150 = arith.constant 1.000000e+00 : f32
        %sub3A_151 = vector.broadcast %sub3A_150 : f32 to vector<16xf32>
        %sub3A_152 = arith.subf %bitcast3A_149, %sub3A_151 : vector<16xf32>
        %add3A_153 = arith.constant 2.000000e+00 : f32
        %add3A_154 = vector.broadcast %add3A_153 : f32 to vector<16xf32>
        %add3A_155 = arith.addf %add3A_154, %sub3A_152 : vector<16xf32>
        %div3A_156 = arith.divf %sub3A_152, %add3A_155 : vector<16xf32>
        %mul3A_157 = arith.mulf %div3A_156, %div3A_156 : vector<16xf32>
        %mul3A_158 = arith.mulf %mul3A_157, %mul3A_157 : vector<16xf32>
        %mul3A_159 = arith.constant 0.242790788 : f32
        %mul3A_160 = vector.broadcast %mul3A_159 : f32 to vector<16xf32>
        %mul3A_161 = arith.mulf %mul3A_158, %mul3A_160 : vector<16xf32>
        %add3A_162 = arith.constant 0.400009722 : f32
        %add3A_163 = vector.broadcast %add3A_162 : f32 to vector<16xf32>
        %add3A_164 = arith.addf %add3A_163, %mul3A_161 : vector<16xf32>
        %mul3A_165 = arith.mulf %mul3A_158, %add3A_164 : vector<16xf32>
        %mul3A_166 = arith.constant 0.284987867 : f32
        %mul3A_167 = vector.broadcast %mul3A_166 : f32 to vector<16xf32>
        %mul3A_168 = arith.mulf %mul3A_158, %mul3A_167 : vector<16xf32>
        %add3A_169 = arith.constant 0.666666627 : f32
        %add3A_170 = vector.broadcast %add3A_169 : f32 to vector<16xf32>
        %add3A_171 = arith.addf %add3A_170, %mul3A_168 : vector<16xf32>
        %mul3A_172 = arith.mulf %mul3A_157, %add3A_171 : vector<16xf32>
        %add3A_173 = arith.addf %mul3A_172, %mul3A_165 : vector<16xf32>
        %mul3A_174 = arith.constant 5.000000e-01 : f32
        %mul3A_175 = vector.broadcast %mul3A_174 : f32 to vector<16xf32>
        %mul3A_176 = arith.mulf %mul3A_175, %sub3A_152 : vector<16xf32>
        %mul3A_177 = arith.mulf %mul3A_176, %sub3A_152 : vector<16xf32>
        %convert_element_type3A = arith.sitofp %sub3A_143 : vector<16xi32> to vector<16xf32>
        %mul3A_178 = arith.constant 0.693138123 : f32
        %mul3A_179 = vector.broadcast %mul3A_178 : f32 to vector<16xf32>
        %mul3A_180 = arith.mulf %convert_element_type3A, %mul3A_179 : vector<16xf32>
        %sub3A_181 = arith.subf %sub3A_152, %mul3A_177 : vector<16xf32>
        %add3A_182 = arith.addf %mul3A_177, %add3A_173 : vector<16xf32>
        %mul3A_183 = arith.mulf %div3A_156, %add3A_182 : vector<16xf32>
        %mul3A_184 = arith.constant 9.05800061E-6 : f32
        %mul3A_185 = vector.broadcast %mul3A_184 : f32 to vector<16xf32>
        %mul3A_186 = arith.mulf %convert_element_type3A, %mul3A_185 : vector<16xf32>
        %add3A_187 = arith.addf %mul3A_183, %mul3A_186 : vector<16xf32>
        %add3A_188 = arith.addf %sub3A_181, %add3A_187 : vector<16xf32>
        %add3A_189 = arith.addf %mul3A_180, %add3A_188 : vector<16xf32>
        %le3A = arith.constant 0.000000e+00 : f32
        %le3A_190 = vector.broadcast %le3A : f32 to vector<16xf32>
        %le3A_191 = arith.cmpf ole, %max3A_136, %le3A_190 : vector<16xf32>
        %jit3A_192 = arith.constant 0xFF800000 : f32
        %broadcast_in_dim3A_193 = vector.broadcast %jit3A_192 : f32 to vector<16xf32>
        %select_n3A_194 = arith.select %le3A_191, %broadcast_in_dim3A_193, %add3A_189 : vector<16xi1>, vector<16xf32>
        %add3A_195 = arith.addf %broadcast_in_dim3A_46, %select_n3A_194 : vector<16xf32>
        %get3A_196 = arith.index_cast %scan3A_118 : i32 to index
        %get3A_197 = arith.constant 16 : index
        %get3A_198 = tpu.vector_load %arg13[%get3A_196, %get3A_197] {strides = array<i32>} : memref<20x128xf32, #tpu.memory_space<vmem>>, vector<16xf32>,
        %neg3A_199 = arith.constant 0.000000e+00 : f32
        %neg3A_200 = vector.broadcast %neg3A_199 : f32 to vector<16xf32>
        %neg3A_201 = arith.subf %neg3A_200, %get3A_198 : vector<16xf32>
        %exp3A_202 = math.exp %neg3A_201 : vector<16xf32>
        %add3A_203 = arith.constant 1.000000e+00 : f32
        %add3A_204 = vector.broadcast %add3A_203 : f32 to vector<16xf32>
        %add3A_205 = arith.addf %exp3A_202, %add3A_204 : vector<16xf32>
        %div3A_206 = arith.constant 1.000000e+00 : f32
        %div3A_207 = vector.broadcast %div3A_206 : f32 to vector<16xf32>
        %div3A_208 = arith.divf %div3A_207, %add3A_205 : vector<16xf32>
        %mul3A_209 = arith.mulf %add3A_50, %div3A_208 : vector<16xf32>
        %add3A_210 = arith.addf %mul3A_209, %add3A_55 : vector<16xf32>
        %max3A_211 = arith.constant 0.000000e+00 : f32
        %max3A_212 = vector.broadcast %max3A_211 : f32 to vector<16xf32>
        %max3A_213 = arith.maximumf %add3A_210, %max3A_212 : vector<16xf32>
        %bitcast3A_214 = vector.bitcast %max3A_213 : vector<16xf32> to vector<16xi32>
        %add3A_215 = arith.constant 4913933 : i32
        %add3A_216 = vector.broadcast %add3A_215 : i32 to vector<16xi32>
        %add3A_217 = arith.addi %bitcast3A_214, %add3A_216 : vector<16xi32>
        %shift_right_logical3A_218 = arith.constant 23 : i32
        %shift_right_logical3A_219 = vector.broadcast %shift_right_logical3A_218 : i32 to vector<16xi32>
        %shift_right_logical3A_220 = arith.shrui %add3A_217, %shift_right_logical3A_219 : vector<16xi32>
        %sub3A_221 = arith.constant 127 : i32
        %sub3A_222 = vector.broadcast %sub3A_221 : i32 to vector<16xi32>
        %sub3A_223 = arith.subi %shift_right_logical3A_220, %sub3A_222 : vector<16xi32>
        %and3A_224 = arith.constant 8388607 : i32
        %and3A_225 = vector.broadcast %and3A_224 : i32 to vector<16xi32>
        %and3A_226 = arith.andi %add3A_217, %and3A_225 : vector<16xi32>
        %add3A_227 = arith.constant 1060439283 : i32
        %add3A_228 = vector.broadcast %add3A_227 : i32 to vector<16xi32>
        %add3A_229 = arith.addi %and3A_226, %add3A_228 : vector<16xi32>
        %bitcast3A_230 = vector.bitcast %add3A_229 : vector<16xi32> to vector<16xf32>
        %sub3A_231 = arith.constant 1.000000e+00 : f32
        %sub3A_232 = vector.broadcast %sub3A_231 : f32 to vector<16xf32>
        %sub3A_233 = arith.subf %bitcast3A_230, %sub3A_232 : vector<16xf32>
        %add3A_234 = arith.constant 2.000000e+00 : f32
        %add3A_235 = vector.broadcast %add3A_234 : f32 to vector<16xf32>
        %add3A_236 = arith.addf %add3A_235, %sub3A_233 : vector<16xf32>
        %div3A_237 = arith.divf %sub3A_233, %add3A_236 : vector<16xf32>
        %mul3A_238 = arith.mulf %div3A_237, %div3A_237 : vector<16xf32>
        %mul3A_239 = arith.mulf %mul3A_238, %mul3A_238 : vector<16xf32>
        %mul3A_240 = arith.constant 0.242790788 : f32
        %mul3A_241 = vector.broadcast %mul3A_240 : f32 to vector<16xf32>
        %mul3A_242 = arith.mulf %mul3A_239, %mul3A_241 : vector<16xf32>
        %add3A_243 = arith.constant 0.400009722 : f32
        %add3A_244 = vector.broadcast %add3A_243 : f32 to vector<16xf32>
        %add3A_245 = arith.addf %add3A_244, %mul3A_242 : vector<16xf32>
        %mul3A_246 = arith.mulf %mul3A_239, %add3A_245 : vector<16xf32>
        %mul3A_247 = arith.constant 0.284987867 : f32
        %mul3A_248 = vector.broadcast %mul3A_247 : f32 to vector<16xf32>
        %mul3A_249 = arith.mulf %mul3A_239, %mul3A_248 : vector<16xf32>
        %add3A_250 = arith.constant 0.666666627 : f32
        %add3A_251 = vector.broadcast %add3A_250 : f32 to vector<16xf32>
        %add3A_252 = arith.addf %add3A_251, %mul3A_249 : vector<16xf32>
        %mul3A_253 = arith.mulf %mul3A_238, %add3A_252 : vector<16xf32>
        %add3A_254 = arith.addf %mul3A_253, %mul3A_246 : vector<16xf32>
        %mul3A_255 = arith.constant 5.000000e-01 : f32
        %mul3A_256 = vector.broadcast %mul3A_255 : f32 to vector<16xf32>
        %mul3A_257 = arith.mulf %mul3A_256, %sub3A_233 : vector<16xf32>
        %mul3A_258 = arith.mulf %mul3A_257, %sub3A_233 : vector<16xf32>
        %convert_element_type3A_259 = arith.sitofp %sub3A_223 : vector<16xi32> to vector<16xf32>
        %mul3A_260 = arith.constant 0.693138123 : f32
        %mul3A_261 = vector.broadcast %mul3A_260 : f32 to vector<16xf32>
        %mul3A_262 = arith.mulf %convert_element_type3A_259, %mul3A_261 : vector<16xf32>
        %sub3A_263 = arith.subf %sub3A_233, %mul3A_258 : vector<16xf32>
        %add3A_264 = arith.addf %mul3A_258, %add3A_254 : vector<16xf32>
        %mul3A_265 = arith.mulf %div3A_237, %add3A_264 : vector<16xf32>
        %mul3A_266 = arith.constant 9.05800061E-6 : f32
        %mul3A_267 = vector.broadcast %mul3A_266 : f32 to vector<16xf32>
        %mul3A_268 = arith.mulf %convert_element_type3A_259, %mul3A_267 : vector<16xf32>
        %add3A_269 = arith.addf %mul3A_265, %mul3A_268 : vector<16xf32>
        %add3A_270 = arith.addf %sub3A_263, %add3A_269 : vector<16xf32>
        %add3A_271 = arith.addf %mul3A_262, %add3A_270 : vector<16xf32>
        %le3A_272 = arith.constant 0.000000e+00 : f32
        %le3A_273 = vector.broadcast %le3A_272 : f32 to vector<16xf32>
        %le3A_274 = arith.cmpf ole, %max3A_213, %le3A_273 : vector<16xf32>
        %jit3A_275 = arith.constant 0xFF800000 : f32
        %broadcast_in_dim3A_276 = vector.broadcast %jit3A_275 : f32 to vector<16xf32>
        %select_n3A_277 = arith.select %le3A_274, %broadcast_in_dim3A_276, %add3A_271 : vector<16xi1>, vector<16xf32>
        %add3A_278 = arith.addf %add3A_195, %select_n3A_277 : vector<16xf32>
        %get3A_279 = arith.index_cast %scan3A_118 : i32 to index
        %get3A_280 = arith.constant 32 : index
        %get3A_281 = tpu.vector_load %arg13[%get3A_279, %get3A_280] {strides = array<i32>} : memref<20x128xf32, #tpu.memory_space<vmem>>, vector<16xf32>,
        %neg3A_282 = arith.constant 0.000000e+00 : f32
        %neg3A_283 = vector.broadcast %neg3A_282 : f32 to vector<16xf32>
        %neg3A_284 = arith.subf %neg3A_283, %get3A_281 : vector<16xf32>
        %exp3A_285 = math.exp %neg3A_284 : vector<16xf32>
        %add3A_286 = arith.constant 1.000000e+00 : f32
        %add3A_287 = vector.broadcast %add3A_286 : f32 to vector<16xf32>
        %add3A_288 = arith.addf %exp3A_285, %add3A_287 : vector<16xf32>
        %div3A_289 = arith.constant 1.000000e+00 : f32
        %div3A_290 = vector.broadcast %div3A_289 : f32 to vector<16xf32>
        %div3A_291 = arith.divf %div3A_290, %add3A_288 : vector<16xf32>
        %mul3A_292 = arith.mulf %add3A_50, %div3A_291 : vector<16xf32>
        %add3A_293 = arith.addf %mul3A_292, %add3A_55 : vector<16xf32>
        %max3A_294 = arith.constant 0.000000e+00 : f32
        %max3A_295 = vector.broadcast %max3A_294 : f32 to vector<16xf32>
        %max3A_296 = arith.maximumf %add3A_293, %max3A_295 : vector<16xf32>
        %bitcast3A_297 = vector.bitcast %max3A_296 : vector<16xf32> to vector<16xi32>
        %add3A_298 = arith.constant 4913933 : i32
        %add3A_299 = vector.broadcast %add3A_298 : i32 to vector<16xi32>
        %add3A_300 = arith.addi %bitcast3A_297, %add3A_299 : vector<16xi32>
        %shift_right_logical3A_301 = arith.constant 23 : i32
        %shift_right_logical3A_302 = vector.broadcast %shift_right_logical3A_301 : i32 to vector<16xi32>
        %shift_right_logical3A_303 = arith.shrui %add3A_300, %shift_right_logical3A_302 : vector<16xi32>
        %sub3A_304 = arith.constant 127 : i32
        %sub3A_305 = vector.broadcast %sub3A_304 : i32 to vector<16xi32>
        %sub3A_306 = arith.subi %shift_right_logical3A_303, %sub3A_305 : vector<16xi32>
        %and3A_307 = arith.constant 8388607 : i32
        %and3A_308 = vector.broadcast %and3A_307 : i32 to vector<16xi32>
        %and3A_309 = arith.andi %add3A_300, %and3A_308 : vector<16xi32>
        %add3A_310 = arith.constant 1060439283 : i32
        %add3A_311 = vector.broadcast %add3A_310 : i32 to vector<16xi32>
        %add3A_312 = arith.addi %and3A_309, %add3A_311 : vector<16xi32>
        %bitcast3A_313 = vector.bitcast %add3A_312 : vector<16xi32> to vector<16xf32>
        %sub3A_314 = arith.constant 1.000000e+00 : f32
        %sub3A_315 = vector.broadcast %sub3A_314 : f32 to vector<16xf32>
        %sub3A_316 = arith.subf %bitcast3A_313, %sub3A_315 : vector<16xf32>
        %add3A_317 = arith.constant 2.000000e+00 : f32
        %add3A_318 = vector.broadcast %add3A_317 : f32 to vector<16xf32>
        %add3A_319 = arith.addf %add3A_318, %sub3A_316 : vector<16xf32>
        %div3A_320 = arith.divf %sub3A_316, %add3A_319 : vector<16xf32>
        %mul3A_321 = arith.mulf %div3A_320, %div3A_320 : vector<16xf32>
        %mul3A_322 = arith.mulf %mul3A_321, %mul3A_321 : vector<16xf32>
        %mul3A_323 = arith.constant 0.242790788 : f32
        %mul3A_324 = vector.broadcast %mul3A_323 : f32 to vector<16xf32>
        %mul3A_325 = arith.mulf %mul3A_322, %mul3A_324 : vector<16xf32>
        %add3A_326 = arith.constant 0.400009722 : f32
        %add3A_327 = vector.broadcast %add3A_326 : f32 to vector<16xf32>
        %add3A_328 = arith.addf %add3A_327, %mul3A_325 : vector<16xf32>
        %mul3A_329 = arith.mulf %mul3A_322, %add3A_328 : vector<16xf32>
        %mul3A_330 = arith.constant 0.284987867 : f32
        %mul3A_331 = vector.broadcast %mul3A_330 : f32 to vector<16xf32>
        %mul3A_332 = arith.mulf %mul3A_322, %mul3A_331 : vector<16xf32>
        %add3A_333 = arith.constant 0.666666627 : f32
        %add3A_334 = vector.broadcast %add3A_333 : f32 to vector<16xf32>
        %add3A_335 = arith.addf %add3A_334, %mul3A_332 : vector<16xf32>
        %mul3A_336 = arith.mulf %mul3A_321, %add3A_335 : vector<16xf32>
        %add3A_337 = arith.addf %mul3A_336, %mul3A_329 : vector<16xf32>
        %mul3A_338 = arith.constant 5.000000e-01 : f32
        %mul3A_339 = vector.broadcast %mul3A_338 : f32 to vector<16xf32>
        %mul3A_340 = arith.mulf %mul3A_339, %sub3A_316 : vector<16xf32>
        %mul3A_341 = arith.mulf %mul3A_340, %sub3A_316 : vector<16xf32>
        %convert_element_type3A_342 = arith.sitofp %sub3A_306 : vector<16xi32> to vector<16xf32>
        %mul3A_343 = arith.constant 0.693138123 : f32
        %mul3A_344 = vector.broadcast %mul3A_343 : f32 to vector<16xf32>
        %mul3A_345 = arith.mulf %convert_element_type3A_342, %mul3A_344 : vector<16xf32>
        %sub3A_346 = arith.subf %sub3A_316, %mul3A_341 : vector<16xf32>
        %add3A_347 = arith.addf %mul3A_341, %add3A_337 : vector<16xf32>
        %mul3A_348 = arith.mulf %div3A_320, %add3A_347 : vector<16xf32>
        %mul3A_349 = arith.constant 9.05800061E-6 : f32
        %mul3A_350 = vector.broadcast %mul3A_349 : f32 to vector<16xf32>
        %mul3A_351 = arith.mulf %convert_element_type3A_342, %mul3A_350 : vector<16xf32>
        %add3A_352 = arith.addf %mul3A_348, %mul3A_351 : vector<16xf32>
        %add3A_353 = arith.addf %sub3A_346, %add3A_352 : vector<16xf32>
        %add3A_354 = arith.addf %mul3A_345, %add3A_353 : vector<16xf32>
        %le3A_355 = arith.constant 0.000000e+00 : f32
        %le3A_356 = vector.broadcast %le3A_355 : f32 to vector<16xf32>
        %le3A_357 = arith.cmpf ole, %max3A_296, %le3A_356 : vector<16xf32>
        %jit3A_358 = arith.constant 0xFF800000 : f32
        %broadcast_in_dim3A_359 = vector.broadcast %jit3A_358 : f32 to vector<16xf32>
        %select_n3A_360 = arith.select %le3A_357, %broadcast_in_dim3A_359, %add3A_354 : vector<16xi1>, vector<16xf32>
        %add3A_361 = arith.addf %add3A_278, %select_n3A_360 : vector<16xf32>
        %get3A_362 = arith.index_cast %scan3A_118 : i32 to index
        %get3A_363 = arith.constant 48 : index
        %get3A_364 = tpu.vector_load %arg13[%get3A_362, %get3A_363] {strides = array<i32>} : memref<20x128xf32, #tpu.memory_space<vmem>>, vector<16xf32>,
        %neg3A_365 = arith.constant 0.000000e+00 : f32
        %neg3A_366 = vector.broadcast %neg3A_365 : f32 to vector<16xf32>
        %neg3A_367 = arith.subf %neg3A_366, %get3A_364 : vector<16xf32>
        %exp3A_368 = math.exp %neg3A_367 : vector<16xf32>
        %add3A_369 = arith.constant 1.000000e+00 : f32
        %add3A_370 = vector.broadcast %add3A_369 : f32 to vector<16xf32>
        %add3A_371 = arith.addf %exp3A_368, %add3A_370 : vector<16xf32>
        %div3A_372 = arith.constant 1.000000e+00 : f32
        %div3A_373 = vector.broadcast %div3A_372 : f32 to vector<16xf32>
        %div3A_374 = arith.divf %div3A_373, %add3A_371 : vector<16xf32>
        %mul3A_375 = arith.mulf %add3A_50, %div3A_374 : vector<16xf32>
        %add3A_376 = arith.addf %mul3A_375, %add3A_55 : vector<16xf32>
        %max3A_377 = arith.constant 0.000000e+00 : f32
        %max3A_378 = vector.broadcast %max3A_377 : f32 to vector<16xf32>
        %max3A_379 = arith.maximumf %add3A_376, %max3A_378 : vector<16xf32>
        %bitcast3A_380 = vector.bitcast %max3A_379 : vector<16xf32> to vector<16xi32>
        %add3A_381 = arith.constant 4913933 : i32
        %add3A_382 = vector.broadcast %add3A_381 : i32 to vector<16xi32>
        %add3A_383 = arith.addi %bitcast3A_380, %add3A_382 : vector<16xi32>
        %shift_right_logical3A_384 = arith.constant 23 : i32
        %shift_right_logical3A_385 = vector.broadcast %shift_right_logical3A_384 : i32 to vector<16xi32>
        %shift_right_logical3A_386 = arith.shrui %add3A_383, %shift_right_logical3A_385 : vector<16xi32>
        %sub3A_387 = arith.constant 127 : i32
        %sub3A_388 = vector.broadcast %sub3A_387 : i32 to vector<16xi32>
        %sub3A_389 = arith.subi %shift_right_logical3A_386, %sub3A_388 : vector<16xi32>
        %and3A_390 = arith.constant 8388607 : i32
        %and3A_391 = vector.broadcast %and3A_390 : i32 to vector<16xi32>
        %and3A_392 = arith.andi %add3A_383, %and3A_391 : vector<16xi32>
        %add3A_393 = arith.constant 1060439283 : i32
        %add3A_394 = vector.broadcast %add3A_393 : i32 to vector<16xi32>
        %add3A_395 = arith.addi %and3A_392, %add3A_394 : vector<16xi32>
        %bitcast3A_396 = vector.bitcast %add3A_395 : vector<16xi32> to vector<16xf32>
        %sub3A_397 = arith.constant 1.000000e+00 : f32
        %sub3A_398 = vector.broadcast %sub3A_397 : f32 to vector<16xf32>
        %sub3A_399 = arith.subf %bitcast3A_396, %sub3A_398 : vector<16xf32>
        %add3A_400 = arith.constant 2.000000e+00 : f32
        %add3A_401 = vector.broadcast %add3A_400 : f32 to vector<16xf32>
        %add3A_402 = arith.addf %add3A_401, %sub3A_399 : vector<16xf32>
        %div3A_403 = arith.divf %sub3A_399, %add3A_402 : vector<16xf32>
        %mul3A_404 = arith.mulf %div3A_403, %div3A_403 : vector<16xf32>
        %mul3A_405 = arith.mulf %mul3A_404, %mul3A_404 : vector<16xf32>
        %mul3A_406 = arith.constant 0.242790788 : f32
        %mul3A_407 = vector.broadcast %mul3A_406 : f32 to vector<16xf32>
        %mul3A_408 = arith.mulf %mul3A_405, %mul3A_407 : vector<16xf32>
        %add3A_409 = arith.constant 0.400009722 : f32
        %add3A_410 = vector.broadcast %add3A_409 : f32 to vector<16xf32>
        %add3A_411 = arith.addf %add3A_410, %mul3A_408 : vector<16xf32>
        %mul3A_412 = arith.mulf %mul3A_405, %add3A_411 : vector<16xf32>
        %mul3A_413 = arith.constant 0.284987867 : f32
        %mul3A_414 = vector.broadcast %mul3A_413 : f32 to vector<16xf32>
        %mul3A_415 = arith.mulf %mul3A_405, %mul3A_414 : vector<16xf32>
        %add3A_416 = arith.constant 0.666666627 : f32
        %add3A_417 = vector.broadcast %add3A_416 : f32 to vector<16xf32>
        %add3A_418 = arith.addf %add3A_417, %mul3A_415 : vector<16xf32>
        %mul3A_419 = arith.mulf %mul3A_404, %add3A_418 : vector<16xf32>
        %add3A_420 = arith.addf %mul3A_419, %mul3A_412 : vector<16xf32>
        %mul3A_421 = arith.constant 5.000000e-01 : f32
        %mul3A_422 = vector.broadcast %mul3A_421 : f32 to vector<16xf32>
        %mul3A_423 = arith.mulf %mul3A_422, %sub3A_399 : vector<16xf32>
        %mul3A_424 = arith.mulf %mul3A_423, %sub3A_399 : vector<16xf32>
        %convert_element_type3A_425 = arith.sitofp %sub3A_389 : vector<16xi32> to vector<16xf32>
        %mul3A_426 = arith.constant 0.693138123 : f32
        %mul3A_427 = vector.broadcast %mul3A_426 : f32 to vector<16xf32>
        %mul3A_428 = arith.mulf %convert_element_type3A_425, %mul3A_427 : vector<16xf32>
        %sub3A_429 = arith.subf %sub3A_399, %mul3A_424 : vector<16xf32>
        %add3A_430 = arith.addf %mul3A_424, %add3A_420 : vector<16xf32>
        %mul3A_431 = arith.mulf %div3A_403, %add3A_430 : vector<16xf32>
        %mul3A_432 = arith.constant 9.05800061E-6 : f32
        %mul3A_433 = vector.broadcast %mul3A_432 : f32 to vector<16xf32>
        %mul3A_434 = arith.mulf %convert_element_type3A_425, %mul3A_433 : vector<16xf32>
        %add3A_435 = arith.addf %mul3A_431, %mul3A_434 : vector<16xf32>
        %add3A_436 = arith.addf %sub3A_429, %add3A_435 : vector<16xf32>
        %add3A_437 = arith.addf %mul3A_428, %add3A_436 : vector<16xf32>
        %le3A_438 = arith.constant 0.000000e+00 : f32
        %le3A_439 = vector.broadcast %le3A_438 : f32 to vector<16xf32>
        %le3A_440 = arith.cmpf ole, %max3A_379, %le3A_439 : vector<16xf32>
        %jit3A_441 = arith.constant 0xFF800000 : f32
        %broadcast_in_dim3A_442 = vector.broadcast %jit3A_441 : f32 to vector<16xf32>
        %select_n3A_443 = arith.select %le3A_440, %broadcast_in_dim3A_442, %add3A_437 : vector<16xi1>, vector<16xf32>
        %add3A_444 = arith.addf %add3A_361, %select_n3A_443 : vector<16xf32>
        %get3A_445 = arith.index_cast %scan3A_118 : i32 to index
        %get3A_446 = arith.constant 64 : index
        %get3A_447 = tpu.vector_load %arg13[%get3A_445, %get3A_446] {strides = array<i32>} : memref<20x128xf32, #tpu.memory_space<vmem>>, vector<16xf32>,
        %neg3A_448 = arith.constant 0.000000e+00 : f32
        %neg3A_449 = vector.broadcast %neg3A_448 : f32 to vector<16xf32>
        %neg3A_450 = arith.subf %neg3A_449, %get3A_447 : vector<16xf32>
        %exp3A_451 = math.exp %neg3A_450 : vector<16xf32>
        %add3A_452 = arith.constant 1.000000e+00 : f32
        %add3A_453 = vector.broadcast %add3A_452 : f32 to vector<16xf32>
        %add3A_454 = arith.addf %exp3A_451, %add3A_453 : vector<16xf32>
        %div3A_455 = arith.constant 1.000000e+00 : f32
        %div3A_456 = vector.broadcast %div3A_455 : f32 to vector<16xf32>
        %div3A_457 = arith.divf %div3A_456, %add3A_454 : vector<16xf32>
        %mul3A_458 = arith.mulf %add3A_50, %div3A_457 : vector<16xf32>
        %add3A_459 = arith.addf %mul3A_458, %add3A_55 : vector<16xf32>
        %max3A_460 = arith.constant 0.000000e+00 : f32
        %max3A_461 = vector.broadcast %max3A_460 : f32 to vector<16xf32>
        %max3A_462 = arith.maximumf %add3A_459, %max3A_461 : vector<16xf32>
        %bitcast3A_463 = vector.bitcast %max3A_462 : vector<16xf32> to vector<16xi32>
        %add3A_464 = arith.constant 4913933 : i32
        %add3A_465 = vector.broadcast %add3A_464 : i32 to vector<16xi32>
        %add3A_466 = arith.addi %bitcast3A_463, %add3A_465 : vector<16xi32>
        %shift_right_logical3A_467 = arith.constant 23 : i32
        %shift_right_logical3A_468 = vector.broadcast %shift_right_logical3A_467 : i32 to vector<16xi32>
        %shift_right_logical3A_469 = arith.shrui %add3A_466, %shift_right_logical3A_468 : vector<16xi32>
        %sub3A_470 = arith.constant 127 : i32
        %sub3A_471 = vector.broadcast %sub3A_470 : i32 to vector<16xi32>
        %sub3A_472 = arith.subi %shift_right_logical3A_469, %sub3A_471 : vector<16xi32>
        %and3A_473 = arith.constant 8388607 : i32
        %and3A_474 = vector.broadcast %and3A_473 : i32 to vector<16xi32>
        %and3A_475 = arith.andi %add3A_466, %and3A_474 : vector<16xi32>
        %add3A_476 = arith.constant 1060439283 : i32
        %add3A_477 = vector.broadcast %add3A_476 : i32 to vector<16xi32>
        %add3A_478 = arith.addi %and3A_475, %add3A_477 : vector<16xi32>
        %bitcast3A_479 = vector.bitcast %add3A_478 : vector<16xi32> to vector<16xf32>
        %sub3A_480 = arith.constant 1.000000e+00 : f32
        %sub3A_481 = vector.broadcast %sub3A_480 : f32 to vector<16xf32>
        %sub3A_482 = arith.subf %bitcast3A_479, %sub3A_481 : vector<16xf32>
        %add3A_483 = arith.constant 2.000000e+00 : f32
        %add3A_484 = vector.broadcast %add3A_483 : f32 to vector<16xf32>
        %add3A_485 = arith.addf %add3A_484, %sub3A_482 : vector<16xf32>
        %div3A_486 = arith.divf %sub3A_482, %add3A_485 : vector<16xf32>
        %mul3A_487 = arith.mulf %div3A_486, %div3A_486 : vector<16xf32>
        %mul3A_488 = arith.mulf %mul3A_487, %mul3A_487 : vector<16xf32>
        %mul3A_489 = arith.constant 0.242790788 : f32
        %mul3A_490 = vector.broadcast %mul3A_489 : f32 to vector<16xf32>
        %mul3A_491 = arith.mulf %mul3A_488, %mul3A_490 : vector<16xf32>
        %add3A_492 = arith.constant 0.400009722 : f32
        %add3A_493 = vector.broadcast %add3A_492 : f32 to vector<16xf32>
        %add3A_494 = arith.addf %add3A_493, %mul3A_491 : vector<16xf32>
        %mul3A_495 = arith.mulf %mul3A_488, %add3A_494 : vector<16xf32>
        %mul3A_496 = arith.constant 0.284987867 : f32
        %mul3A_497 = vector.broadcast %mul3A_496 : f32 to vector<16xf32>
        %mul3A_498 = arith.mulf %mul3A_488, %mul3A_497 : vector<16xf32>
        %add3A_499 = arith.constant 0.666666627 : f32
        %add3A_500 = vector.broadcast %add3A_499 : f32 to vector<16xf32>
        %add3A_501 = arith.addf %add3A_500, %mul3A_498 : vector<16xf32>
        %mul3A_502 = arith.mulf %mul3A_487, %add3A_501 : vector<16xf32>
        %add3A_503 = arith.addf %mul3A_502, %mul3A_495 : vector<16xf32>
        %mul3A_504 = arith.constant 5.000000e-01 : f32
        %mul3A_505 = vector.broadcast %mul3A_504 : f32 to vector<16xf32>
        %mul3A_506 = arith.mulf %mul3A_505, %sub3A_482 : vector<16xf32>
        %mul3A_507 = arith.mulf %mul3A_506, %sub3A_482 : vector<16xf32>
        %convert_element_type3A_508 = arith.sitofp %sub3A_472 : vector<16xi32> to vector<16xf32>
        %mul3A_509 = arith.constant 0.693138123 : f32
        %mul3A_510 = vector.broadcast %mul3A_509 : f32 to vector<16xf32>
        %mul3A_511 = arith.mulf %convert_element_type3A_508, %mul3A_510 : vector<16xf32>
        %sub3A_512 = arith.subf %sub3A_482, %mul3A_507 : vector<16xf32>
        %add3A_513 = arith.addf %mul3A_507, %add3A_503 : vector<16xf32>
        %mul3A_514 = arith.mulf %div3A_486, %add3A_513 : vector<16xf32>
        %mul3A_515 = arith.constant 9.05800061E-6 : f32
        %mul3A_516 = vector.broadcast %mul3A_515 : f32 to vector<16xf32>
        %mul3A_517 = arith.mulf %convert_element_type3A_508, %mul3A_516 : vector<16xf32>
        %add3A_518 = arith.addf %mul3A_514, %mul3A_517 : vector<16xf32>
        %add3A_519 = arith.addf %sub3A_512, %add3A_518 : vector<16xf32>
        %add3A_520 = arith.addf %mul3A_511, %add3A_519 : vector<16xf32>
        %le3A_521 = arith.constant 0.000000e+00 : f32
        %le3A_522 = vector.broadcast %le3A_521 : f32 to vector<16xf32>
        %le3A_523 = arith.cmpf ole, %max3A_462, %le3A_522 : vector<16xf32>
        %jit3A_524 = arith.constant 0xFF800000 : f32
        %broadcast_in_dim3A_525 = vector.broadcast %jit3A_524 : f32 to vector<16xf32>
        %select_n3A_526 = arith.select %le3A_523, %broadcast_in_dim3A_525, %add3A_520 : vector<16xi1>, vector<16xf32>
        %add3A_527 = arith.addf %add3A_444, %select_n3A_526 : vector<16xf32>
        %get3A_528 = arith.index_cast %scan3A_118 : i32 to index
        %get3A_529 = arith.constant 80 : index
        %get3A_530 = tpu.vector_load %arg13[%get3A_528, %get3A_529] {strides = array<i32>} : memref<20x128xf32, #tpu.memory_space<vmem>>, vector<16xf32>,
        %neg3A_531 = arith.constant 0.000000e+00 : f32
        %neg3A_532 = vector.broadcast %neg3A_531 : f32 to vector<16xf32>
        %neg3A_533 = arith.subf %neg3A_532, %get3A_530 : vector<16xf32>
        %exp3A_534 = math.exp %neg3A_533 : vector<16xf32>
        %add3A_535 = arith.constant 1.000000e+00 : f32
        %add3A_536 = vector.broadcast %add3A_535 : f32 to vector<16xf32>
        %add3A_537 = arith.addf %exp3A_534, %add3A_536 : vector<16xf32>
        %div3A_538 = arith.constant 1.000000e+00 : f32
        %div3A_539 = vector.broadcast %div3A_538 : f32 to vector<16xf32>
        %div3A_540 = arith.divf %div3A_539, %add3A_537 : vector<16xf32>
        %mul3A_541 = arith.mulf %add3A_50, %div3A_540 : vector<16xf32>
        %add3A_542 = arith.addf %mul3A_541, %add3A_55 : vector<16xf32>
        %max3A_543 = arith.constant 0.000000e+00 : f32
        %max3A_544 = vector.broadcast %max3A_543 : f32 to vector<16xf32>
        %max3A_545 = arith.maximumf %add3A_542, %max3A_544 : vector<16xf32>
        %bitcast3A_546 = vector.bitcast %max3A_545 : vector<16xf32> to vector<16xi32>
        %add3A_547 = arith.constant 4913933 : i32
        %add3A_548 = vector.broadcast %add3A_547 : i32 to vector<16xi32>
        %add3A_549 = arith.addi %bitcast3A_546, %add3A_548 : vector<16xi32>
        %shift_right_logical3A_550 = arith.constant 23 : i32
        %shift_right_logical3A_551 = vector.broadcast %shift_right_logical3A_550 : i32 to vector<16xi32>
        %shift_right_logical3A_552 = arith.shrui %add3A_549, %shift_right_logical3A_551 : vector<16xi32>
        %sub3A_553 = arith.constant 127 : i32
        %sub3A_554 = vector.broadcast %sub3A_553 : i32 to vector<16xi32>
        %sub3A_555 = arith.subi %shift_right_logical3A_552, %sub3A_554 : vector<16xi32>
        %and3A_556 = arith.constant 8388607 : i32
        %and3A_557 = vector.broadcast %and3A_556 : i32 to vector<16xi32>
        %and3A_558 = arith.andi %add3A_549, %and3A_557 : vector<16xi32>
        %add3A_559 = arith.constant 1060439283 : i32
        %add3A_560 = vector.broadcast %add3A_559 : i32 to vector<16xi32>
        %add3A_561 = arith.addi %and3A_558, %add3A_560 : vector<16xi32>
        %bitcast3A_562 = vector.bitcast %add3A_561 : vector<16xi32> to vector<16xf32>
        %sub3A_563 = arith.constant 1.000000e+00 : f32
        %sub3A_564 = vector.broadcast %sub3A_563 : f32 to vector<16xf32>
        %sub3A_565 = arith.subf %bitcast3A_562, %sub3A_564 : vector<16xf32>
        %add3A_566 = arith.constant 2.000000e+00 : f32
        %add3A_567 = vector.broadcast %add3A_566 : f32 to vector<16xf32>
        %add3A_568 = arith.addf %add3A_567, %sub3A_565 : vector<16xf32>
        %div3A_569 = arith.divf %sub3A_565, %add3A_568 : vector<16xf32>
        %mul3A_570 = arith.mulf %div3A_569, %div3A_569 : vector<16xf32>
        %mul3A_571 = arith.mulf %mul3A_570, %mul3A_570 : vector<16xf32>
        %mul3A_572 = arith.constant 0.242790788 : f32
        %mul3A_573 = vector.broadcast %mul3A_572 : f32 to vector<16xf32>
        %mul3A_574 = arith.mulf %mul3A_571, %mul3A_573 : vector<16xf32>
        %add3A_575 = arith.constant 0.400009722 : f32
        %add3A_576 = vector.broadcast %add3A_575 : f32 to vector<16xf32>
        %add3A_577 = arith.addf %add3A_576, %mul3A_574 : vector<16xf32>
        %mul3A_578 = arith.mulf %mul3A_571, %add3A_577 : vector<16xf32>
        %mul3A_579 = arith.constant 0.284987867 : f32
        %mul3A_580 = vector.broadcast %mul3A_579 : f32 to vector<16xf32>
        %mul3A_581 = arith.mulf %mul3A_571, %mul3A_580 : vector<16xf32>
        %add3A_582 = arith.constant 0.666666627 : f32
        %add3A_583 = vector.broadcast %add3A_582 : f32 to vector<16xf32>
        %add3A_584 = arith.addf %add3A_583, %mul3A_581 : vector<16xf32>
        %mul3A_585 = arith.mulf %mul3A_570, %add3A_584 : vector<16xf32>
        %add3A_586 = arith.addf %mul3A_585, %mul3A_578 : vector<16xf32>
        %mul3A_587 = arith.constant 5.000000e-01 : f32
        %mul3A_588 = vector.broadcast %mul3A_587 : f32 to vector<16xf32>
        %mul3A_589 = arith.mulf %mul3A_588, %sub3A_565 : vector<16xf32>
        %mul3A_590 = arith.mulf %mul3A_589, %sub3A_565 : vector<16xf32>
        %convert_element_type3A_591 = arith.sitofp %sub3A_555 : vector<16xi32> to vector<16xf32>
        %mul3A_592 = arith.constant 0.693138123 : f32
        %mul3A_593 = vector.broadcast %mul3A_592 : f32 to vector<16xf32>
        %mul3A_594 = arith.mulf %convert_element_type3A_591, %mul3A_593 : vector<16xf32>
        %sub3A_595 = arith.subf %sub3A_565, %mul3A_590 : vector<16xf32>
        %add3A_596 = arith.addf %mul3A_590, %add3A_586 : vector<16xf32>
        %mul3A_597 = arith.mulf %div3A_569, %add3A_596 : vector<16xf32>
        %mul3A_598 = arith.constant 9.05800061E-6 : f32
        %mul3A_599 = vector.broadcast %mul3A_598 : f32 to vector<16xf32>
        %mul3A_600 = arith.mulf %convert_element_type3A_591, %mul3A_599 : vector<16xf32>
        %add3A_601 = arith.addf %mul3A_597, %mul3A_600 : vector<16xf32>
        %add3A_602 = arith.addf %sub3A_595, %add3A_601 : vector<16xf32>
        %add3A_603 = arith.addf %mul3A_594, %add3A_602 : vector<16xf32>
        %le3A_604 = arith.constant 0.000000e+00 : f32
        %le3A_605 = vector.broadcast %le3A_604 : f32 to vector<16xf32>
        %le3A_606 = arith.cmpf ole, %max3A_545, %le3A_605 : vector<16xf32>
        %jit3A_607 = arith.constant 0xFF800000 : f32
        %broadcast_in_dim3A_608 = vector.broadcast %jit3A_607 : f32 to vector<16xf32>
        %select_n3A_609 = arith.select %le3A_606, %broadcast_in_dim3A_608, %add3A_603 : vector<16xi1>, vector<16xf32>
        %add3A_610 = arith.addf %add3A_527, %select_n3A_609 : vector<16xf32>
        %get3A_611 = arith.index_cast %scan3A_118 : i32 to index
        %get3A_612 = arith.constant 96 : index
        %get3A_613 = tpu.vector_load %arg13[%get3A_611, %get3A_612] {strides = array<i32>} : memref<20x128xf32, #tpu.memory_space<vmem>>, vector<16xf32>,
        %neg3A_614 = arith.constant 0.000000e+00 : f32
        %neg3A_615 = vector.broadcast %neg3A_614 : f32 to vector<16xf32>
        %neg3A_616 = arith.subf %neg3A_615, %get3A_613 : vector<16xf32>
        %exp3A_617 = math.exp %neg3A_616 : vector<16xf32>
        %add3A_618 = arith.constant 1.000000e+00 : f32
        %add3A_619 = vector.broadcast %add3A_618 : f32 to vector<16xf32>
        %add3A_620 = arith.addf %exp3A_617, %add3A_619 : vector<16xf32>
        %div3A_621 = arith.constant 1.000000e+00 : f32
        %div3A_622 = vector.broadcast %div3A_621 : f32 to vector<16xf32>
        %div3A_623 = arith.divf %div3A_622, %add3A_620 : vector<16xf32>
        %mul3A_624 = arith.mulf %add3A_50, %div3A_623 : vector<16xf32>
        %add3A_625 = arith.addf %mul3A_624, %add3A_55 : vector<16xf32>
        %max3A_626 = arith.constant 0.000000e+00 : f32
        %max3A_627 = vector.broadcast %max3A_626 : f32 to vector<16xf32>
        %max3A_628 = arith.maximumf %add3A_625, %max3A_627 : vector<16xf32>
        %bitcast3A_629 = vector.bitcast %max3A_628 : vector<16xf32> to vector<16xi32>
        %add3A_630 = arith.constant 4913933 : i32
        %add3A_631 = vector.broadcast %add3A_630 : i32 to vector<16xi32>
        %add3A_632 = arith.addi %bitcast3A_629, %add3A_631 : vector<16xi32>
        %shift_right_logical3A_633 = arith.constant 23 : i32
        %shift_right_logical3A_634 = vector.broadcast %shift_right_logical3A_633 : i32 to vector<16xi32>
        %shift_right_logical3A_635 = arith.shrui %add3A_632, %shift_right_logical3A_634 : vector<16xi32>
        %sub3A_636 = arith.constant 127 : i32
        %sub3A_637 = vector.broadcast %sub3A_636 : i32 to vector<16xi32>
        %sub3A_638 = arith.subi %shift_right_logical3A_635, %sub3A_637 : vector<16xi32>
        %and3A_639 = arith.constant 8388607 : i32
        %and3A_640 = vector.broadcast %and3A_639 : i32 to vector<16xi32>
        %and3A_641 = arith.andi %add3A_632, %and3A_640 : vector<16xi32>
        %add3A_642 = arith.constant 1060439283 : i32
        %add3A_643 = vector.broadcast %add3A_642 : i32 to vector<16xi32>
        %add3A_644 = arith.addi %and3A_641, %add3A_643 : vector<16xi32>
        %bitcast3A_645 = vector.bitcast %add3A_644 : vector<16xi32> to vector<16xf32>
        %sub3A_646 = arith.constant 1.000000e+00 : f32
        %sub3A_647 = vector.broadcast %sub3A_646 : f32 to vector<16xf32>
        %sub3A_648 = arith.subf %bitcast3A_645, %sub3A_647 : vector<16xf32>
        %add3A_649 = arith.constant 2.000000e+00 : f32
        %add3A_650 = vector.broadcast %add3A_649 : f32 to vector<16xf32>
        %add3A_651 = arith.addf %add3A_650, %sub3A_648 : vector<16xf32>
        %div3A_652 = arith.divf %sub3A_648, %add3A_651 : vector<16xf32>
        %mul3A_653 = arith.mulf %div3A_652, %div3A_652 : vector<16xf32>
        %mul3A_654 = arith.mulf %mul3A_653, %mul3A_653 : vector<16xf32>
        %mul3A_655 = arith.constant 0.242790788 : f32
        %mul3A_656 = vector.broadcast %mul3A_655 : f32 to vector<16xf32>
        %mul3A_657 = arith.mulf %mul3A_654, %mul3A_656 : vector<16xf32>
        %add3A_658 = arith.constant 0.400009722 : f32
        %add3A_659 = vector.broadcast %add3A_658 : f32 to vector<16xf32>
        %add3A_660 = arith.addf %add3A_659, %mul3A_657 : vector<16xf32>
        %mul3A_661 = arith.mulf %mul3A_654, %add3A_660 : vector<16xf32>
        %mul3A_662 = arith.constant 0.284987867 : f32
        %mul3A_663 = vector.broadcast %mul3A_662 : f32 to vector<16xf32>
        %mul3A_664 = arith.mulf %mul3A_654, %mul3A_663 : vector<16xf32>
        %add3A_665 = arith.constant 0.666666627 : f32
        %add3A_666 = vector.broadcast %add3A_665 : f32 to vector<16xf32>
        %add3A_667 = arith.addf %add3A_666, %mul3A_664 : vector<16xf32>
        %mul3A_668 = arith.mulf %mul3A_653, %add3A_667 : vector<16xf32>
        %add3A_669 = arith.addf %mul3A_668, %mul3A_661 : vector<16xf32>
        %mul3A_670 = arith.constant 5.000000e-01 : f32
        %mul3A_671 = vector.broadcast %mul3A_670 : f32 to vector<16xf32>
        %mul3A_672 = arith.mulf %mul3A_671, %sub3A_648 : vector<16xf32>
        %mul3A_673 = arith.mulf %mul3A_672, %sub3A_648 : vector<16xf32>
        %convert_element_type3A_674 = arith.sitofp %sub3A_638 : vector<16xi32> to vector<16xf32>
        %mul3A_675 = arith.constant 0.693138123 : f32
        %mul3A_676 = vector.broadcast %mul3A_675 : f32 to vector<16xf32>
        %mul3A_677 = arith.mulf %convert_element_type3A_674, %mul3A_676 : vector<16xf32>
        %sub3A_678 = arith.subf %sub3A_648, %mul3A_673 : vector<16xf32>
        %add3A_679 = arith.addf %mul3A_673, %add3A_669 : vector<16xf32>
        %mul3A_680 = arith.mulf %div3A_652, %add3A_679 : vector<16xf32>
        %mul3A_681 = arith.constant 9.05800061E-6 : f32
        %mul3A_682 = vector.broadcast %mul3A_681 : f32 to vector<16xf32>
        %mul3A_683 = arith.mulf %convert_element_type3A_674, %mul3A_682 : vector<16xf32>
        %add3A_684 = arith.addf %mul3A_680, %mul3A_683 : vector<16xf32>
        %add3A_685 = arith.addf %sub3A_678, %add3A_684 : vector<16xf32>
        %add3A_686 = arith.addf %mul3A_677, %add3A_685 : vector<16xf32>
        %le3A_687 = arith.constant 0.000000e+00 : f32
        %le3A_688 = vector.broadcast %le3A_687 : f32 to vector<16xf32>
        %le3A_689 = arith.cmpf ole, %max3A_628, %le3A_688 : vector<16xf32>
        %jit3A_690 = arith.constant 0xFF800000 : f32
        %broadcast_in_dim3A_691 = vector.broadcast %jit3A_690 : f32 to vector<16xf32>
        %select_n3A_692 = arith.select %le3A_689, %broadcast_in_dim3A_691, %add3A_686 : vector<16xi1>, vector<16xf32>
        %add3A_693 = arith.addf %add3A_610, %select_n3A_692 : vector<16xf32>
        %get3A_694 = arith.index_cast %scan3A_118 : i32 to index
        %get3A_695 = arith.constant 112 : index
        %get3A_696 = tpu.vector_load %arg13[%get3A_694, %get3A_695] {strides = array<i32>} : memref<20x128xf32, #tpu.memory_space<vmem>>, vector<16xf32>,
        %neg3A_697 = arith.constant 0.000000e+00 : f32
        %neg3A_698 = vector.broadcast %neg3A_697 : f32 to vector<16xf32>
        %neg3A_699 = arith.subf %neg3A_698, %get3A_696 : vector<16xf32>
        %exp3A_700 = math.exp %neg3A_699 : vector<16xf32>
        %add3A_701 = arith.constant 1.000000e+00 : f32
        %add3A_702 = vector.broadcast %add3A_701 : f32 to vector<16xf32>
        %add3A_703 = arith.addf %exp3A_700, %add3A_702 : vector<16xf32>
        %div3A_704 = arith.constant 1.000000e+00 : f32
        %div3A_705 = vector.broadcast %div3A_704 : f32 to vector<16xf32>
        %div3A_706 = arith.divf %div3A_705, %add3A_703 : vector<16xf32>
        %mul3A_707 = arith.mulf %add3A_50, %div3A_706 : vector<16xf32>
        %add3A_708 = arith.addf %mul3A_707, %add3A_55 : vector<16xf32>
        %max3A_709 = arith.constant 0.000000e+00 : f32
        %max3A_710 = vector.broadcast %max3A_709 : f32 to vector<16xf32>
        %max3A_711 = arith.maximumf %add3A_708, %max3A_710 : vector<16xf32>
        %bitcast3A_712 = vector.bitcast %max3A_711 : vector<16xf32> to vector<16xi32>
        %add3A_713 = arith.constant 4913933 : i32
        %add3A_714 = vector.broadcast %add3A_713 : i32 to vector<16xi32>
        %add3A_715 = arith.addi %bitcast3A_712, %add3A_714 : vector<16xi32>
        %shift_right_logical3A_716 = arith.constant 23 : i32
        %shift_right_logical3A_717 = vector.broadcast %shift_right_logical3A_716 : i32 to vector<16xi32>
        %shift_right_logical3A_718 = arith.shrui %add3A_715, %shift_right_logical3A_717 : vector<16xi32>
        %sub3A_719 = arith.constant 127 : i32
        %sub3A_720 = vector.broadcast %sub3A_719 : i32 to vector<16xi32>
        %sub3A_721 = arith.subi %shift_right_logical3A_718, %sub3A_720 : vector<16xi32>
        %and3A_722 = arith.constant 8388607 : i32
        %and3A_723 = vector.broadcast %and3A_722 : i32 to vector<16xi32>
        %and3A_724 = arith.andi %add3A_715, %and3A_723 : vector<16xi32>
        %add3A_725 = arith.constant 1060439283 : i32
        %add3A_726 = vector.broadcast %add3A_725 : i32 to vector<16xi32>
        %add3A_727 = arith.addi %and3A_724, %add3A_726 : vector<16xi32>
        %bitcast3A_728 = vector.bitcast %add3A_727 : vector<16xi32> to vector<16xf32>
        %sub3A_729 = arith.constant 1.000000e+00 : f32
        %sub3A_730 = vector.broadcast %sub3A_729 : f32 to vector<16xf32>
        %sub3A_731 = arith.subf %bitcast3A_728, %sub3A_730 : vector<16xf32>
        %add3A_732 = arith.constant 2.000000e+00 : f32
        %add3A_733 = vector.broadcast %add3A_732 : f32 to vector<16xf32>
        %add3A_734 = arith.addf %add3A_733, %sub3A_731 : vector<16xf32>
        %div3A_735 = arith.divf %sub3A_731, %add3A_734 : vector<16xf32>
        %mul3A_736 = arith.mulf %div3A_735, %div3A_735 : vector<16xf32>
        %mul3A_737 = arith.mulf %mul3A_736, %mul3A_736 : vector<16xf32>
        %mul3A_738 = arith.constant 0.242790788 : f32
        %mul3A_739 = vector.broadcast %mul3A_738 : f32 to vector<16xf32>
        %mul3A_740 = arith.mulf %mul3A_737, %mul3A_739 : vector<16xf32>
        %add3A_741 = arith.constant 0.400009722 : f32
        %add3A_742 = vector.broadcast %add3A_741 : f32 to vector<16xf32>
        %add3A_743 = arith.addf %add3A_742, %mul3A_740 : vector<16xf32>
        %mul3A_744 = arith.mulf %mul3A_737, %add3A_743 : vector<16xf32>
        %mul3A_745 = arith.constant 0.284987867 : f32
        %mul3A_746 = vector.broadcast %mul3A_745 : f32 to vector<16xf32>
        %mul3A_747 = arith.mulf %mul3A_737, %mul3A_746 : vector<16xf32>
        %add3A_748 = arith.constant 0.666666627 : f32
        %add3A_749 = vector.broadcast %add3A_748 : f32 to vector<16xf32>
        %add3A_750 = arith.addf %add3A_749, %mul3A_747 : vector<16xf32>
        %mul3A_751 = arith.mulf %mul3A_736, %add3A_750 : vector<16xf32>
        %add3A_752 = arith.addf %mul3A_751, %mul3A_744 : vector<16xf32>
        %mul3A_753 = arith.constant 5.000000e-01 : f32
        %mul3A_754 = vector.broadcast %mul3A_753 : f32 to vector<16xf32>
        %mul3A_755 = arith.mulf %mul3A_754, %sub3A_731 : vector<16xf32>
        %mul3A_756 = arith.mulf %mul3A_755, %sub3A_731 : vector<16xf32>
        %convert_element_type3A_757 = arith.sitofp %sub3A_721 : vector<16xi32> to vector<16xf32>
        %mul3A_758 = arith.constant 0.693138123 : f32
        %mul3A_759 = vector.broadcast %mul3A_758 : f32 to vector<16xf32>
        %mul3A_760 = arith.mulf %convert_element_type3A_757, %mul3A_759 : vector<16xf32>
        %sub3A_761 = arith.subf %sub3A_731, %mul3A_756 : vector<16xf32>
        %add3A_762 = arith.addf %mul3A_756, %add3A_752 : vector<16xf32>
        %mul3A_763 = arith.mulf %div3A_735, %add3A_762 : vector<16xf32>
        %mul3A_764 = arith.constant 9.05800061E-6 : f32
        %mul3A_765 = vector.broadcast %mul3A_764 : f32 to vector<16xf32>
        %mul3A_766 = arith.mulf %convert_element_type3A_757, %mul3A_765 : vector<16xf32>
        %add3A_767 = arith.addf %mul3A_763, %mul3A_766 : vector<16xf32>
        %add3A_768 = arith.addf %sub3A_761, %add3A_767 : vector<16xf32>
        %add3A_769 = arith.addf %mul3A_760, %add3A_768 : vector<16xf32>
        %le3A_770 = arith.constant 0.000000e+00 : f32
        %le3A_771 = vector.broadcast %le3A_770 : f32 to vector<16xf32>
        %le3A_772 = arith.cmpf ole, %max3A_711, %le3A_771 : vector<16xf32>
        %jit3A_773 = arith.constant 0xFF800000 : f32
        %broadcast_in_dim3A_774 = vector.broadcast %jit3A_773 : f32 to vector<16xf32>
        %select_n3A_775 = arith.select %le3A_772, %broadcast_in_dim3A_774, %add3A_769 : vector<16xi1>, vector<16xf32>
        %add3A_776 = arith.addf %add3A_693, %select_n3A_775 : vector<16xf32>
        %select_n3A_777 = arith.select %lt3A_123, %add3A_776, %broadcast_in_dim3A_46 : vector<16xf32>
        %add3A_778 = arith.addf %scan3A_119, %select_n3A_777 : vector<16xf32>
        %scan3A_779 = arith.constant 1 : i32
        %scan3A_780 = arith.addi %scan3A_118, %scan3A_779 : i32
        %mul3A_781 = arith.constant 20 : i32
        %mul3A_782 = arith.muli %scan3A_107, %mul3A_781 : i32
        %add3A_783 = arith.addi %mul3A_782, %scan3A_780 : i32
        %lt3A_784 = arith.cmpi slt, %add3A_783, %select_n3A_99 : i32
        %get3A_785 = arith.index_cast %scan3A_780 : i32 to index
        %get3A_786 = arith.constant 0 : index
        %get3A_787 = tpu.vector_load %arg13[%get3A_785, %get3A_786] {strides = array<i32>} : memref<20x128xf32, #tpu.memory_space<vmem>>, vector<16xf32>,
        %neg3A_788 = arith.constant 0.000000e+00 : f32
        %neg3A_789 = vector.broadcast %neg3A_788 : f32 to vector<16xf32>
        %neg3A_790 = arith.subf %neg3A_789, %get3A_787 : vector<16xf32>
        %exp3A_791 = math.exp %neg3A_790 : vector<16xf32>
        %add3A_792 = arith.constant 1.000000e+00 : f32
        %add3A_793 = vector.broadcast %add3A_792 : f32 to vector<16xf32>
        %add3A_794 = arith.addf %exp3A_791, %add3A_793 : vector<16xf32>
        %div3A_795 = arith.constant 1.000000e+00 : f32
        %div3A_796 = vector.broadcast %div3A_795 : f32 to vector<16xf32>
        %div3A_797 = arith.divf %div3A_796, %add3A_794 : vector<16xf32>
        %mul3A_798 = arith.mulf %add3A_50, %div3A_797 : vector<16xf32>
        %add3A_799 = arith.addf %mul3A_798, %add3A_55 : vector<16xf32>
        %max3A_800 = arith.constant 0.000000e+00 : f32
        %max3A_801 = vector.broadcast %max3A_800 : f32 to vector<16xf32>
        %max3A_802 = arith.maximumf %add3A_799, %max3A_801 : vector<16xf32>
        %bitcast3A_803 = vector.bitcast %max3A_802 : vector<16xf32> to vector<16xi32>
        %add3A_804 = arith.constant 4913933 : i32
        %add3A_805 = vector.broadcast %add3A_804 : i32 to vector<16xi32>
        %add3A_806 = arith.addi %bitcast3A_803, %add3A_805 : vector<16xi32>
        %shift_right_logical3A_807 = arith.constant 23 : i32
        %shift_right_logical3A_808 = vector.broadcast %shift_right_logical3A_807 : i32 to vector<16xi32>
        %shift_right_logical3A_809 = arith.shrui %add3A_806, %shift_right_logical3A_808 : vector<16xi32>
        %sub3A_810 = arith.constant 127 : i32
        %sub3A_811 = vector.broadcast %sub3A_810 : i32 to vector<16xi32>
        %sub3A_812 = arith.subi %shift_right_logical3A_809, %sub3A_811 : vector<16xi32>
        %and3A_813 = arith.constant 8388607 : i32
        %and3A_814 = vector.broadcast %and3A_813 : i32 to vector<16xi32>
        %and3A_815 = arith.andi %add3A_806, %and3A_814 : vector<16xi32>
        %add3A_816 = arith.constant 1060439283 : i32
        %add3A_817 = vector.broadcast %add3A_816 : i32 to vector<16xi32>
        %add3A_818 = arith.addi %and3A_815, %add3A_817 : vector<16xi32>
        %bitcast3A_819 = vector.bitcast %add3A_818 : vector<16xi32> to vector<16xf32>
        %sub3A_820 = arith.constant 1.000000e+00 : f32
        %sub3A_821 = vector.broadcast %sub3A_820 : f32 to vector<16xf32>
        %sub3A_822 = arith.subf %bitcast3A_819, %sub3A_821 : vector<16xf32>
        %add3A_823 = arith.constant 2.000000e+00 : f32
        %add3A_824 = vector.broadcast %add3A_823 : f32 to vector<16xf32>
        %add3A_825 = arith.addf %add3A_824, %sub3A_822 : vector<16xf32>
        %div3A_826 = arith.divf %sub3A_822, %add3A_825 : vector<16xf32>
        %mul3A_827 = arith.mulf %div3A_826, %div3A_826 : vector<16xf32>
        %mul3A_828 = arith.mulf %mul3A_827, %mul3A_827 : vector<16xf32>
        %mul3A_829 = arith.constant 0.242790788 : f32
        %mul3A_830 = vector.broadcast %mul3A_829 : f32 to vector<16xf32>
        %mul3A_831 = arith.mulf %mul3A_828, %mul3A_830 : vector<16xf32>
        %add3A_832 = arith.constant 0.400009722 : f32
        %add3A_833 = vector.broadcast %add3A_832 : f32 to vector<16xf32>
        %add3A_834 = arith.addf %add3A_833, %mul3A_831 : vector<16xf32>
        %mul3A_835 = arith.mulf %mul3A_828, %add3A_834 : vector<16xf32>
        %mul3A_836 = arith.constant 0.284987867 : f32
        %mul3A_837 = vector.broadcast %mul3A_836 : f32 to vector<16xf32>
        %mul3A_838 = arith.mulf %mul3A_828, %mul3A_837 : vector<16xf32>
        %add3A_839 = arith.constant 0.666666627 : f32
        %add3A_840 = vector.broadcast %add3A_839 : f32 to vector<16xf32>
        %add3A_841 = arith.addf %add3A_840, %mul3A_838 : vector<16xf32>
        %mul3A_842 = arith.mulf %mul3A_827, %add3A_841 : vector<16xf32>
        %add3A_843 = arith.addf %mul3A_842, %mul3A_835 : vector<16xf32>
        %mul3A_844 = arith.constant 5.000000e-01 : f32
        %mul3A_845 = vector.broadcast %mul3A_844 : f32 to vector<16xf32>
        %mul3A_846 = arith.mulf %mul3A_845, %sub3A_822 : vector<16xf32>
        %mul3A_847 = arith.mulf %mul3A_846, %sub3A_822 : vector<16xf32>
        %convert_element_type3A_848 = arith.sitofp %sub3A_812 : vector<16xi32> to vector<16xf32>
        %mul3A_849 = arith.constant 0.693138123 : f32
        %mul3A_850 = vector.broadcast %mul3A_849 : f32 to vector<16xf32>
        %mul3A_851 = arith.mulf %convert_element_type3A_848, %mul3A_850 : vector<16xf32>
        %sub3A_852 = arith.subf %sub3A_822, %mul3A_847 : vector<16xf32>
        %add3A_853 = arith.addf %mul3A_847, %add3A_843 : vector<16xf32>
        %mul3A_854 = arith.mulf %div3A_826, %add3A_853 : vector<16xf32>
        %mul3A_855 = arith.constant 9.05800061E-6 : f32
        %mul3A_856 = vector.broadcast %mul3A_855 : f32 to vector<16xf32>
        %mul3A_857 = arith.mulf %convert_element_type3A_848, %mul3A_856 : vector<16xf32>
        %add3A_858 = arith.addf %mul3A_854, %mul3A_857 : vector<16xf32>
        %add3A_859 = arith.addf %sub3A_852, %add3A_858 : vector<16xf32>
        %add3A_860 = arith.addf %mul3A_851, %add3A_859 : vector<16xf32>
        %le3A_861 = arith.constant 0.000000e+00 : f32
        %le3A_862 = vector.broadcast %le3A_861 : f32 to vector<16xf32>
        %le3A_863 = arith.cmpf ole, %max3A_802, %le3A_862 : vector<16xf32>
        %jit3A_864 = arith.constant 0xFF800000 : f32
        %broadcast_in_dim3A_865 = vector.broadcast %jit3A_864 : f32 to vector<16xf32>
        %select_n3A_866 = arith.select %le3A_863, %broadcast_in_dim3A_865, %add3A_860 : vector<16xi1>, vector<16xf32>
        %add3A_867 = arith.addf %broadcast_in_dim3A_46, %select_n3A_866 : vector<16xf32>
        %get3A_868 = arith.index_cast %scan3A_780 : i32 to index
        %get3A_869 = arith.constant 16 : index
        %get3A_870 = tpu.vector_load %arg13[%get3A_868, %get3A_869] {strides = array<i32>} : memref<20x128xf32, #tpu.memory_space<vmem>>, vector<16xf32>,
        %neg3A_871 = arith.constant 0.000000e+00 : f32
        %neg3A_872 = vector.broadcast %neg3A_871 : f32 to vector<16xf32>
        %neg3A_873 = arith.subf %neg3A_872, %get3A_870 : vector<16xf32>
        %exp3A_874 = math.exp %neg3A_873 : vector<16xf32>
        %add3A_875 = arith.constant 1.000000e+00 : f32
        %add3A_876 = vector.broadcast %add3A_875 : f32 to vector<16xf32>
        %add3A_877 = arith.addf %exp3A_874, %add3A_876 : vector<16xf32>
        %div3A_878 = arith.constant 1.000000e+00 : f32
        %div3A_879 = vector.broadcast %div3A_878 : f32 to vector<16xf32>
        %div3A_880 = arith.divf %div3A_879, %add3A_877 : vector<16xf32>
        %mul3A_881 = arith.mulf %add3A_50, %div3A_880 : vector<16xf32>
        %add3A_882 = arith.addf %mul3A_881, %add3A_55 : vector<16xf32>
        %max3A_883 = arith.constant 0.000000e+00 : f32
        %max3A_884 = vector.broadcast %max3A_883 : f32 to vector<16xf32>
        %max3A_885 = arith.maximumf %add3A_882, %max3A_884 : vector<16xf32>
        %bitcast3A_886 = vector.bitcast %max3A_885 : vector<16xf32> to vector<16xi32>
        %add3A_887 = arith.constant 4913933 : i32
        %add3A_888 = vector.broadcast %add3A_887 : i32 to vector<16xi32>
        %add3A_889 = arith.addi %bitcast3A_886, %add3A_888 : vector<16xi32>
        %shift_right_logical3A_890 = arith.constant 23 : i32
        %shift_right_logical3A_891 = vector.broadcast %shift_right_logical3A_890 : i32 to vector<16xi32>
        %shift_right_logical3A_892 = arith.shrui %add3A_889, %shift_right_logical3A_891 : vector<16xi32>
        %sub3A_893 = arith.constant 127 : i32
        %sub3A_894 = vector.broadcast %sub3A_893 : i32 to vector<16xi32>
        %sub3A_895 = arith.subi %shift_right_logical3A_892, %sub3A_894 : vector<16xi32>
        %and3A_896 = arith.constant 8388607 : i32
        %and3A_897 = vector.broadcast %and3A_896 : i32 to vector<16xi32>
        %and3A_898 = arith.andi %add3A_889, %and3A_897 : vector<16xi32>
        %add3A_899 = arith.constant 1060439283 : i32
        %add3A_900 = vector.broadcast %add3A_899 : i32 to vector<16xi32>
        %add3A_901 = arith.addi %and3A_898, %add3A_900 : vector<16xi32>
        %bitcast3A_902 = vector.bitcast %add3A_901 : vector<16xi32> to vector<16xf32>
        %sub3A_903 = arith.constant 1.000000e+00 : f32
        %sub3A_904 = vector.broadcast %sub3A_903 : f32 to vector<16xf32>
        %sub3A_905 = arith.subf %bitcast3A_902, %sub3A_904 : vector<16xf32>
        %add3A_906 = arith.constant 2.000000e+00 : f32
        %add3A_907 = vector.broadcast %add3A_906 : f32 to vector<16xf32>
        %add3A_908 = arith.addf %add3A_907, %sub3A_905 : vector<16xf32>
        %div3A_909 = arith.divf %sub3A_905, %add3A_908 : vector<16xf32>
        %mul3A_910 = arith.mulf %div3A_909, %div3A_909 : vector<16xf32>
        %mul3A_911 = arith.mulf %mul3A_910, %mul3A_910 : vector<16xf32>
        %mul3A_912 = arith.constant 0.242790788 : f32
        %mul3A_913 = vector.broadcast %mul3A_912 : f32 to vector<16xf32>
        %mul3A_914 = arith.mulf %mul3A_911, %mul3A_913 : vector<16xf32>
        %add3A_915 = arith.constant 0.400009722 : f32
        %add3A_916 = vector.broadcast %add3A_915 : f32 to vector<16xf32>
        %add3A_917 = arith.addf %add3A_916, %mul3A_914 : vector<16xf32>
        %mul3A_918 = arith.mulf %mul3A_911, %add3A_917 : vector<16xf32>
        %mul3A_919 = arith.constant 0.284987867 : f32
        %mul3A_920 = vector.broadcast %mul3A_919 : f32 to vector<16xf32>
        %mul3A_921 = arith.mulf %mul3A_911, %mul3A_920 : vector<16xf32>
        %add3A_922 = arith.constant 0.666666627 : f32
        %add3A_923 = vector.broadcast %add3A_922 : f32 to vector<16xf32>
        %add3A_924 = arith.addf %add3A_923, %mul3A_921 : vector<16xf32>
        %mul3A_925 = arith.mulf %mul3A_910, %add3A_924 : vector<16xf32>
        %add3A_926 = arith.addf %mul3A_925, %mul3A_918 : vector<16xf32>
        %mul3A_927 = arith.constant 5.000000e-01 : f32
        %mul3A_928 = vector.broadcast %mul3A_927 : f32 to vector<16xf32>
        %mul3A_929 = arith.mulf %mul3A_928, %sub3A_905 : vector<16xf32>
        %mul3A_930 = arith.mulf %mul3A_929, %sub3A_905 : vector<16xf32>
        %convert_element_type3A_931 = arith.sitofp %sub3A_895 : vector<16xi32> to vector<16xf32>
        %mul3A_932 = arith.constant 0.693138123 : f32
        %mul3A_933 = vector.broadcast %mul3A_932 : f32 to vector<16xf32>
        %mul3A_934 = arith.mulf %convert_element_type3A_931, %mul3A_933 : vector<16xf32>
        %sub3A_935 = arith.subf %sub3A_905, %mul3A_930 : vector<16xf32>
        %add3A_936 = arith.addf %mul3A_930, %add3A_926 : vector<16xf32>
        %mul3A_937 = arith.mulf %div3A_909, %add3A_936 : vector<16xf32>
        %mul3A_938 = arith.constant 9.05800061E-6 : f32
        %mul3A_939 = vector.broadcast %mul3A_938 : f32 to vector<16xf32>
        %mul3A_940 = arith.mulf %convert_element_type3A_931, %mul3A_939 : vector<16xf32>
        %add3A_941 = arith.addf %mul3A_937, %mul3A_940 : vector<16xf32>
        %add3A_942 = arith.addf %sub3A_935, %add3A_941 : vector<16xf32>
        %add3A_943 = arith.addf %mul3A_934, %add3A_942 : vector<16xf32>
        %le3A_944 = arith.constant 0.000000e+00 : f32
        %le3A_945 = vector.broadcast %le3A_944 : f32 to vector<16xf32>
        %le3A_946 = arith.cmpf ole, %max3A_885, %le3A_945 : vector<16xf32>
        %jit3A_947 = arith.constant 0xFF800000 : f32
        %broadcast_in_dim3A_948 = vector.broadcast %jit3A_947 : f32 to vector<16xf32>
        %select_n3A_949 = arith.select %le3A_946, %broadcast_in_dim3A_948, %add3A_943 : vector<16xi1>, vector<16xf32>
        %add3A_950 = arith.addf %add3A_867, %select_n3A_949 : vector<16xf32>
        %get3A_951 = arith.index_cast %scan3A_780 : i32 to index
        %get3A_952 = arith.constant 32 : index
        %get3A_953 = tpu.vector_load %arg13[%get3A_951, %get3A_952] {strides = array<i32>} : memref<20x128xf32, #tpu.memory_space<vmem>>, vector<16xf32>,
        %neg3A_954 = arith.constant 0.000000e+00 : f32
        %neg3A_955 = vector.broadcast %neg3A_954 : f32 to vector<16xf32>
        %neg3A_956 = arith.subf %neg3A_955, %get3A_953 : vector<16xf32>
        %exp3A_957 = math.exp %neg3A_956 : vector<16xf32>
        %add3A_958 = arith.constant 1.000000e+00 : f32
        %add3A_959 = vector.broadcast %add3A_958 : f32 to vector<16xf32>
        %add3A_960 = arith.addf %exp3A_957, %add3A_959 : vector<16xf32>
        %div3A_961 = arith.constant 1.000000e+00 : f32
        %div3A_962 = vector.broadcast %div3A_961 : f32 to vector<16xf32>
        %div3A_963 = arith.divf %div3A_962, %add3A_960 : vector<16xf32>
        %mul3A_964 = arith.mulf %add3A_50, %div3A_963 : vector<16xf32>
        %add3A_965 = arith.addf %mul3A_964, %add3A_55 : vector<16xf32>
        %max3A_966 = arith.constant 0.000000e+00 : f32
        %max3A_967 = vector.broadcast %max3A_966 : f32 to vector<16xf32>
        %max3A_968 = arith.maximumf %add3A_965, %max3A_967 : vector<16xf32>
        %bitcast3A_969 = vector.bitcast %max3A_968 : vector<16xf32> to vector<16xi32>
        %add3A_970 = arith.constant 4913933 : i32
        %add3A_971 = vector.broadcast %add3A_970 : i32 to vector<16xi32>
        %add3A_972 = arith.addi %bitcast3A_969, %add3A_971 : vector<16xi32>
        %shift_right_logical3A_973 = arith.constant 23 : i32
        %shift_right_logical3A_974 = vector.broadcast %shift_right_logical3A_973 : i32 to vector<16xi32>
        %shift_right_logical3A_975 = arith.shrui %add3A_972, %shift_right_logical3A_974 : vector<16xi32>
        %sub3A_976 = arith.constant 127 : i32
        %sub3A_977 = vector.broadcast %sub3A_976 : i32 to vector<16xi32>
        %sub3A_978 = arith.subi %shift_right_logical3A_975, %sub3A_977 : vector<16xi32>
        %and3A_979 = arith.constant 8388607 : i32
        %and3A_980 = vector.broadcast %and3A_979 : i32 to vector<16xi32>
        %and3A_981 = arith.andi %add3A_972, %and3A_980 : vector<16xi32>
        %add3A_982 = arith.constant 1060439283 : i32
        %add3A_983 = vector.broadcast %add3A_982 : i32 to vector<16xi32>
        %add3A_984 = arith.addi %and3A_981, %add3A_983 : vector<16xi32>
        %bitcast3A_985 = vector.bitcast %add3A_984 : vector<16xi32> to vector<16xf32>
        %sub3A_986 = arith.constant 1.000000e+00 : f32
        %sub3A_987 = vector.broadcast %sub3A_986 : f32 to vector<16xf32>
        %sub3A_988 = arith.subf %bitcast3A_985, %sub3A_987 : vector<16xf32>
        %add3A_989 = arith.constant 2.000000e+00 : f32
        %add3A_990 = vector.broadcast %add3A_989 : f32 to vector<16xf32>
        %add3A_991 = arith.addf %add3A_990, %sub3A_988 : vector<16xf32>
        %div3A_992 = arith.divf %sub3A_988, %add3A_991 : vector<16xf32>
        %mul3A_993 = arith.mulf %div3A_992, %div3A_992 : vector<16xf32>
        %mul3A_994 = arith.mulf %mul3A_993, %mul3A_993 : vector<16xf32>
        %mul3A_995 = arith.constant 0.242790788 : f32
        %mul3A_996 = vector.broadcast %mul3A_995 : f32 to vector<16xf32>
        %mul3A_997 = arith.mulf %mul3A_994, %mul3A_996 : vector<16xf32>
        %add3A_998 = arith.constant 0.400009722 : f32
        %add3A_999 = vector.broadcast %add3A_998 : f32 to vector<16xf32>
        %add3A_1000 = arith.addf %add3A_999, %mul3A_997 : vector<16xf32>
        %mul3A_1001 = arith.mulf %mul3A_994, %add3A_1000 : vector<16xf32>
        %mul3A_1002 = arith.constant 0.284987867 : f32
        %mul3A_1003 = vector.broadcast %mul3A_1002 : f32 to vector<16xf32>
        %mul3A_1004 = arith.mulf %mul3A_994, %mul3A_1003 : vector<16xf32>
        %add3A_1005 = arith.constant 0.666666627 : f32
        %add3A_1006 = vector.broadcast %add3A_1005 : f32 to vector<16xf32>
        %add3A_1007 = arith.addf %add3A_1006, %mul3A_1004 : vector<16xf32>
        %mul3A_1008 = arith.mulf %mul3A_993, %add3A_1007 : vector<16xf32>
        %add3A_1009 = arith.addf %mul3A_1008, %mul3A_1001 : vector<16xf32>
        %mul3A_1010 = arith.constant 5.000000e-01 : f32
        %mul3A_1011 = vector.broadcast %mul3A_1010 : f32 to vector<16xf32>
        %mul3A_1012 = arith.mulf %mul3A_1011, %sub3A_988 : vector<16xf32>
        %mul3A_1013 = arith.mulf %mul3A_1012, %sub3A_988 : vector<16xf32>
        %convert_element_type3A_1014 = arith.sitofp %sub3A_978 : vector<16xi32> to vector<16xf32>
        %mul3A_1015 = arith.constant 0.693138123 : f32
        %mul3A_1016 = vector.broadcast %mul3A_1015 : f32 to vector<16xf32>
        %mul3A_1017 = arith.mulf %convert_element_type3A_1014, %mul3A_1016 : vector<16xf32>
        %sub3A_1018 = arith.subf %sub3A_988, %mul3A_1013 : vector<16xf32>
        %add3A_1019 = arith.addf %mul3A_1013, %add3A_1009 : vector<16xf32>
        %mul3A_1020 = arith.mulf %div3A_992, %add3A_1019 : vector<16xf32>
        %mul3A_1021 = arith.constant 9.05800061E-6 : f32
        %mul3A_1022 = vector.broadcast %mul3A_1021 : f32 to vector<16xf32>
        %mul3A_1023 = arith.mulf %convert_element_type3A_1014, %mul3A_1022 : vector<16xf32>
        %add3A_1024 = arith.addf %mul3A_1020, %mul3A_1023 : vector<16xf32>
        %add3A_1025 = arith.addf %sub3A_1018, %add3A_1024 : vector<16xf32>
        %add3A_1026 = arith.addf %mul3A_1017, %add3A_1025 : vector<16xf32>
        %le3A_1027 = arith.constant 0.000000e+00 : f32
        %le3A_1028 = vector.broadcast %le3A_1027 : f32 to vector<16xf32>
        %le3A_1029 = arith.cmpf ole, %max3A_968, %le3A_1028 : vector<16xf32>
        %jit3A_1030 = arith.constant 0xFF800000 : f32
        %broadcast_in_dim3A_1031 = vector.broadcast %jit3A_1030 : f32 to vector<16xf32>
        %select_n3A_1032 = arith.select %le3A_1029, %broadcast_in_dim3A_1031, %add3A_1026 : vector<16xi1>, vector<16xf32>
        %add3A_1033 = arith.addf %add3A_950, %select_n3A_1032 : vector<16xf32>
        %get3A_1034 = arith.index_cast %scan3A_780 : i32 to index
        %get3A_1035 = arith.constant 48 : index
        %get3A_1036 = tpu.vector_load %arg13[%get3A_1034, %get3A_1035] {strides = array<i32>} : memref<20x128xf32, #tpu.memory_space<vmem>>, vector<16xf32>,
        %neg3A_1037 = arith.constant 0.000000e+00 : f32
        %neg3A_1038 = vector.broadcast %neg3A_1037 : f32 to vector<16xf32>
        %neg3A_1039 = arith.subf %neg3A_1038, %get3A_1036 : vector<16xf32>
        %exp3A_1040 = math.exp %neg3A_1039 : vector<16xf32>
        %add3A_1041 = arith.constant 1.000000e+00 : f32
        %add3A_1042 = vector.broadcast %add3A_1041 : f32 to vector<16xf32>
        %add3A_1043 = arith.addf %exp3A_1040, %add3A_1042 : vector<16xf32>
        %div3A_1044 = arith.constant 1.000000e+00 : f32
        %div3A_1045 = vector.broadcast %div3A_1044 : f32 to vector<16xf32>
        %div3A_1046 = arith.divf %div3A_1045, %add3A_1043 : vector<16xf32>
        %mul3A_1047 = arith.mulf %add3A_50, %div3A_1046 : vector<16xf32>
        %add3A_1048 = arith.addf %mul3A_1047, %add3A_55 : vector<16xf32>
        %max3A_1049 = arith.constant 0.000000e+00 : f32
        %max3A_1050 = vector.broadcast %max3A_1049 : f32 to vector<16xf32>
        %max3A_1051 = arith.maximumf %add3A_1048, %max3A_1050 : vector<16xf32>
        %bitcast3A_1052 = vector.bitcast %max3A_1051 : vector<16xf32> to vector<16xi32>
        %add3A_1053 = arith.constant 4913933 : i32
        %add3A_1054 = vector.broadcast %add3A_1053 : i32 to vector<16xi32>
        %add3A_1055 = arith.addi %bitcast3A_1052, %add3A_1054 : vector<16xi32>
        %shift_right_logical3A_1056 = arith.constant 23 : i32
        %shift_right_logical3A_1057 = vector.broadcast %shift_right_logical3A_1056 : i32 to vector<16xi32>
        %shift_right_logical3A_1058 = arith.shrui %add3A_1055, %shift_right_logical3A_1057 : vector<16xi32>
        %sub3A_1059 = arith.constant 127 : i32
        %sub3A_1060 = vector.broadcast %sub3A_1059 : i32 to vector<16xi32>
        %sub3A_1061 = arith.subi %shift_right_logical3A_1058, %sub3A_1060 : vector<16xi32>
        %and3A_1062 = arith.constant 8388607 : i32
        %and3A_1063 = vector.broadcast %and3A_1062 : i32 to vector<16xi32>
        %and3A_1064 = arith.andi %add3A_1055, %and3A_1063 : vector<16xi32>
        %add3A_1065 = arith.constant 1060439283 : i32
        %add3A_1066 = vector.broadcast %add3A_1065 : i32 to vector<16xi32>
        %add3A_1067 = arith.addi %and3A_1064, %add3A_1066 : vector<16xi32>
        %bitcast3A_1068 = vector.bitcast %add3A_1067 : vector<16xi32> to vector<16xf32>
        %sub3A_1069 = arith.constant 1.000000e+00 : f32
        %sub3A_1070 = vector.broadcast %sub3A_1069 : f32 to vector<16xf32>
        %sub3A_1071 = arith.subf %bitcast3A_1068, %sub3A_1070 : vector<16xf32>
        %add3A_1072 = arith.constant 2.000000e+00 : f32
        %add3A_1073 = vector.broadcast %add3A_1072 : f32 to vector<16xf32>
        %add3A_1074 = arith.addf %add3A_1073, %sub3A_1071 : vector<16xf32>
        %div3A_1075 = arith.divf %sub3A_1071, %add3A_1074 : vector<16xf32>
        %mul3A_1076 = arith.mulf %div3A_1075, %div3A_1075 : vector<16xf32>
        %mul3A_1077 = arith.mulf %mul3A_1076, %mul3A_1076 : vector<16xf32>
        %mul3A_1078 = arith.constant 0.242790788 : f32
        %mul3A_1079 = vector.broadcast %mul3A_1078 : f32 to vector<16xf32>
        %mul3A_1080 = arith.mulf %mul3A_1077, %mul3A_1079 : vector<16xf32>
        %add3A_1081 = arith.constant 0.400009722 : f32
        %add3A_1082 = vector.broadcast %add3A_1081 : f32 to vector<16xf32>
        %add3A_1083 = arith.addf %add3A_1082, %mul3A_1080 : vector<16xf32>
        %mul3A_1084 = arith.mulf %mul3A_1077, %add3A_1083 : vector<16xf32>
        %mul3A_1085 = arith.constant 0.284987867 : f32
        %mul3A_1086 = vector.broadcast %mul3A_1085 : f32 to vector<16xf32>
        %mul3A_1087 = arith.mulf %mul3A_1077, %mul3A_1086 : vector<16xf32>
        %add3A_1088 = arith.constant 0.666666627 : f32
        %add3A_1089 = vector.broadcast %add3A_1088 : f32 to vector<16xf32>
        %add3A_1090 = arith.addf %add3A_1089, %mul3A_1087 : vector<16xf32>
        %mul3A_1091 = arith.mulf %mul3A_1076, %add3A_1090 : vector<16xf32>
        %add3A_1092 = arith.addf %mul3A_1091, %mul3A_1084 : vector<16xf32>
        %mul3A_1093 = arith.constant 5.000000e-01 : f32
        %mul3A_1094 = vector.broadcast %mul3A_1093 : f32 to vector<16xf32>
        %mul3A_1095 = arith.mulf %mul3A_1094, %sub3A_1071 : vector<16xf32>
        %mul3A_1096 = arith.mulf %mul3A_1095, %sub3A_1071 : vector<16xf32>
        %convert_element_type3A_1097 = arith.sitofp %sub3A_1061 : vector<16xi32> to vector<16xf32>
        %mul3A_1098 = arith.constant 0.693138123 : f32
        %mul3A_1099 = vector.broadcast %mul3A_1098 : f32 to vector<16xf32>
        %mul3A_1100 = arith.mulf %convert_element_type3A_1097, %mul3A_1099 : vector<16xf32>
        %sub3A_1101 = arith.subf %sub3A_1071, %mul3A_1096 : vector<16xf32>
        %add3A_1102 = arith.addf %mul3A_1096, %add3A_1092 : vector<16xf32>
        %mul3A_1103 = arith.mulf %div3A_1075, %add3A_1102 : vector<16xf32>
        %mul3A_1104 = arith.constant 9.05800061E-6 : f32
        %mul3A_1105 = vector.broadcast %mul3A_1104 : f32 to vector<16xf32>
        %mul3A_1106 = arith.mulf %convert_element_type3A_1097, %mul3A_1105 : vector<16xf32>
        %add3A_1107 = arith.addf %mul3A_1103, %mul3A_1106 : vector<16xf32>
        %add3A_1108 = arith.addf %sub3A_1101, %add3A_1107 : vector<16xf32>
        %add3A_1109 = arith.addf %mul3A_1100, %add3A_1108 : vector<16xf32>
        %le3A_1110 = arith.constant 0.000000e+00 : f32
        %le3A_1111 = vector.broadcast %le3A_1110 : f32 to vector<16xf32>
        %le3A_1112 = arith.cmpf ole, %max3A_1051, %le3A_1111 : vector<16xf32>
        %jit3A_1113 = arith.constant 0xFF800000 : f32
        %broadcast_in_dim3A_1114 = vector.broadcast %jit3A_1113 : f32 to vector<16xf32>
        %select_n3A_1115 = arith.select %le3A_1112, %broadcast_in_dim3A_1114, %add3A_1109 : vector<16xi1>, vector<16xf32>
        %add3A_1116 = arith.addf %add3A_1033, %select_n3A_1115 : vector<16xf32>
        %get3A_1117 = arith.index_cast %scan3A_780 : i32 to index
        %get3A_1118 = arith.constant 64 : index
        %get3A_1119 = tpu.vector_load %arg13[%get3A_1117, %get3A_1118] {strides = array<i32>} : memref<20x128xf32, #tpu.memory_space<vmem>>, vector<16xf32>,
        %neg3A_1120 = arith.constant 0.000000e+00 : f32
        %neg3A_1121 = vector.broadcast %neg3A_1120 : f32 to vector<16xf32>
        %neg3A_1122 = arith.subf %neg3A_1121, %get3A_1119 : vector<16xf32>
        %exp3A_1123 = math.exp %neg3A_1122 : vector<16xf32>
        %add3A_1124 = arith.constant 1.000000e+00 : f32
        %add3A_1125 = vector.broadcast %add3A_1124 : f32 to vector<16xf32>
        %add3A_1126 = arith.addf %exp3A_1123, %add3A_1125 : vector<16xf32>
        %div3A_1127 = arith.constant 1.000000e+00 : f32
        %div3A_1128 = vector.broadcast %div3A_1127 : f32 to vector<16xf32>
        %div3A_1129 = arith.divf %div3A_1128, %add3A_1126 : vector<16xf32>
        %mul3A_1130 = arith.mulf %add3A_50, %div3A_1129 : vector<16xf32>
        %add3A_1131 = arith.addf %mul3A_1130, %add3A_55 : vector<16xf32>
        %max3A_1132 = arith.constant 0.000000e+00 : f32
        %max3A_1133 = vector.broadcast %max3A_1132 : f32 to vector<16xf32>
        %max3A_1134 = arith.maximumf %add3A_1131, %max3A_1133 : vector<16xf32>
        %bitcast3A_1135 = vector.bitcast %max3A_1134 : vector<16xf32> to vector<16xi32>
        %add3A_1136 = arith.constant 4913933 : i32
        %add3A_1137 = vector.broadcast %add3A_1136 : i32 to vector<16xi32>
        %add3A_1138 = arith.addi %bitcast3A_1135, %add3A_1137 : vector<16xi32>
        %shift_right_logical3A_1139 = arith.constant 23 : i32
        %shift_right_logical3A_1140 = vector.broadcast %shift_right_logical3A_1139 : i32 to vector<16xi32>
        %shift_right_logical3A_1141 = arith.shrui %add3A_1138, %shift_right_logical3A_1140 : vector<16xi32>
        %sub3A_1142 = arith.constant 127 : i32
        %sub3A_1143 = vector.broadcast %sub3A_1142 : i32 to vector<16xi32>
        %sub3A_1144 = arith.subi %shift_right_logical3A_1141, %sub3A_1143 : vector<16xi32>
        %and3A_1145 = arith.constant 8388607 : i32
        %and3A_1146 = vector.broadcast %and3A_1145 : i32 to vector<16xi32>
        %and3A_1147 = arith.andi %add3A_1138, %and3A_1146 : vector<16xi32>
        %add3A_1148 = arith.constant 1060439283 : i32
        %add3A_1149 = vector.broadcast %add3A_1148 : i32 to vector<16xi32>
        %add3A_1150 = arith.addi %and3A_1147, %add3A_1149 : vector<16xi32>
        %bitcast3A_1151 = vector.bitcast %add3A_1150 : vector<16xi32> to vector<16xf32>
        %sub3A_1152 = arith.constant 1.000000e+00 : f32
        %sub3A_1153 = vector.broadcast %sub3A_1152 : f32 to vector<16xf32>
        %sub3A_1154 = arith.subf %bitcast3A_1151, %sub3A_1153 : vector<16xf32>
        %add3A_1155 = arith.constant 2.000000e+00 : f32
        %add3A_1156 = vector.broadcast %add3A_1155 : f32 to vector<16xf32>
        %add3A_1157 = arith.addf %add3A_1156, %sub3A_1154 : vector<16xf32>
        %div3A_1158 = arith.divf %sub3A_1154, %add3A_1157 : vector<16xf32>
        %mul3A_1159 = arith.mulf %div3A_1158, %div3A_1158 : vector<16xf32>
        %mul3A_1160 = arith.mulf %mul3A_1159, %mul3A_1159 : vector<16xf32>
        %mul3A_1161 = arith.constant 0.242790788 : f32
        %mul3A_1162 = vector.broadcast %mul3A_1161 : f32 to vector<16xf32>
        %mul3A_1163 = arith.mulf %mul3A_1160, %mul3A_1162 : vector<16xf32>
        %add3A_1164 = arith.constant 0.400009722 : f32
        %add3A_1165 = vector.broadcast %add3A_1164 : f32 to vector<16xf32>
        %add3A_1166 = arith.addf %add3A_1165, %mul3A_1163 : vector<16xf32>
        %mul3A_1167 = arith.mulf %mul3A_1160, %add3A_1166 : vector<16xf32>
        %mul3A_1168 = arith.constant 0.284987867 : f32
        %mul3A_1169 = vector.broadcast %mul3A_1168 : f32 to vector<16xf32>
        %mul3A_1170 = arith.mulf %mul3A_1160, %mul3A_1169 : vector<16xf32>
        %add3A_1171 = arith.constant 0.666666627 : f32
        %add3A_1172 = vector.broadcast %add3A_1171 : f32 to vector<16xf32>
        %add3A_1173 = arith.addf %add3A_1172, %mul3A_1170 : vector<16xf32>
        %mul3A_1174 = arith.mulf %mul3A_1159, %add3A_1173 : vector<16xf32>
        %add3A_1175 = arith.addf %mul3A_1174, %mul3A_1167 : vector<16xf32>
        %mul3A_1176 = arith.constant 5.000000e-01 : f32
        %mul3A_1177 = vector.broadcast %mul3A_1176 : f32 to vector<16xf32>
        %mul3A_1178 = arith.mulf %mul3A_1177, %sub3A_1154 : vector<16xf32>
        %mul3A_1179 = arith.mulf %mul3A_1178, %sub3A_1154 : vector<16xf32>
        %convert_element_type3A_1180 = arith.sitofp %sub3A_1144 : vector<16xi32> to vector<16xf32>
        %mul3A_1181 = arith.constant 0.693138123 : f32
        %mul3A_1182 = vector.broadcast %mul3A_1181 : f32 to vector<16xf32>
        %mul3A_1183 = arith.mulf %convert_element_type3A_1180, %mul3A_1182 : vector<16xf32>
        %sub3A_1184 = arith.subf %sub3A_1154, %mul3A_1179 : vector<16xf32>
        %add3A_1185 = arith.addf %mul3A_1179, %add3A_1175 : vector<16xf32>
        %mul3A_1186 = arith.mulf %div3A_1158, %add3A_1185 : vector<16xf32>
        %mul3A_1187 = arith.constant 9.05800061E-6 : f32
        %mul3A_1188 = vector.broadcast %mul3A_1187 : f32 to vector<16xf32>
        %mul3A_1189 = arith.mulf %convert_element_type3A_1180, %mul3A_1188 : vector<16xf32>
        %add3A_1190 = arith.addf %mul3A_1186, %mul3A_1189 : vector<16xf32>
        %add3A_1191 = arith.addf %sub3A_1184, %add3A_1190 : vector<16xf32>
        %add3A_1192 = arith.addf %mul3A_1183, %add3A_1191 : vector<16xf32>
        %le3A_1193 = arith.constant 0.000000e+00 : f32
        %le3A_1194 = vector.broadcast %le3A_1193 : f32 to vector<16xf32>
        %le3A_1195 = arith.cmpf ole, %max3A_1134, %le3A_1194 : vector<16xf32>
        %jit3A_1196 = arith.constant 0xFF800000 : f32
        %broadcast_in_dim3A_1197 = vector.broadcast %jit3A_1196 : f32 to vector<16xf32>
        %select_n3A_1198 = arith.select %le3A_1195, %broadcast_in_dim3A_1197, %add3A_1192 : vector<16xi1>, vector<16xf32>
        %add3A_1199 = arith.addf %add3A_1116, %select_n3A_1198 : vector<16xf32>
        %get3A_1200 = arith.index_cast %scan3A_780 : i32 to index
        %get3A_1201 = arith.constant 80 : index
        %get3A_1202 = tpu.vector_load %arg13[%get3A_1200, %get3A_1201] {strides = array<i32>} : memref<20x128xf32, #tpu.memory_space<vmem>>, vector<16xf32>,
        %neg3A_1203 = arith.constant 0.000000e+00 : f32
        %neg3A_1204 = vector.broadcast %neg3A_1203 : f32 to vector<16xf32>
        %neg3A_1205 = arith.subf %neg3A_1204, %get3A_1202 : vector<16xf32>
        %exp3A_1206 = math.exp %neg3A_1205 : vector<16xf32>
        %add3A_1207 = arith.constant 1.000000e+00 : f32
        %add3A_1208 = vector.broadcast %add3A_1207 : f32 to vector<16xf32>
        %add3A_1209 = arith.addf %exp3A_1206, %add3A_1208 : vector<16xf32>
        %div3A_1210 = arith.constant 1.000000e+00 : f32
        %div3A_1211 = vector.broadcast %div3A_1210 : f32 to vector<16xf32>
        %div3A_1212 = arith.divf %div3A_1211, %add3A_1209 : vector<16xf32>
        %mul3A_1213 = arith.mulf %add3A_50, %div3A_1212 : vector<16xf32>
        %add3A_1214 = arith.addf %mul3A_1213, %add3A_55 : vector<16xf32>
        %max3A_1215 = arith.constant 0.000000e+00 : f32
        %max3A_1216 = vector.broadcast %max3A_1215 : f32 to vector<16xf32>
        %max3A_1217 = arith.maximumf %add3A_1214, %max3A_1216 : vector<16xf32>
        %bitcast3A_1218 = vector.bitcast %max3A_1217 : vector<16xf32> to vector<16xi32>
        %add3A_1219 = arith.constant 4913933 : i32
        %add3A_1220 = vector.broadcast %add3A_1219 : i32 to vector<16xi32>
        %add3A_1221 = arith.addi %bitcast3A_1218, %add3A_1220 : vector<16xi32>
        %shift_right_logical3A_1222 = arith.constant 23 : i32
        %shift_right_logical3A_1223 = vector.broadcast %shift_right_logical3A_1222 : i32 to vector<16xi32>
        %shift_right_logical3A_1224 = arith.shrui %add3A_1221, %shift_right_logical3A_1223 : vector<16xi32>
        %sub3A_1225 = arith.constant 127 : i32
        %sub3A_1226 = vector.broadcast %sub3A_1225 : i32 to vector<16xi32>
        %sub3A_1227 = arith.subi %shift_right_logical3A_1224, %sub3A_1226 : vector<16xi32>
        %and3A_1228 = arith.constant 8388607 : i32
        %and3A_1229 = vector.broadcast %and3A_1228 : i32 to vector<16xi32>
        %and3A_1230 = arith.andi %add3A_1221, %and3A_1229 : vector<16xi32>
        %add3A_1231 = arith.constant 1060439283 : i32
        %add3A_1232 = vector.broadcast %add3A_1231 : i32 to vector<16xi32>
        %add3A_1233 = arith.addi %and3A_1230, %add3A_1232 : vector<16xi32>
        %bitcast3A_1234 = vector.bitcast %add3A_1233 : vector<16xi32> to vector<16xf32>
        %sub3A_1235 = arith.constant 1.000000e+00 : f32
        %sub3A_1236 = vector.broadcast %sub3A_1235 : f32 to vector<16xf32>
        %sub3A_1237 = arith.subf %bitcast3A_1234, %sub3A_1236 : vector<16xf32>
        %add3A_1238 = arith.constant 2.000000e+00 : f32
        %add3A_1239 = vector.broadcast %add3A_1238 : f32 to vector<16xf32>
        %add3A_1240 = arith.addf %add3A_1239, %sub3A_1237 : vector<16xf32>
        %div3A_1241 = arith.divf %sub3A_1237, %add3A_1240 : vector<16xf32>
        %mul3A_1242 = arith.mulf %div3A_1241, %div3A_1241 : vector<16xf32>
        %mul3A_1243 = arith.mulf %mul3A_1242, %mul3A_1242 : vector<16xf32>
        %mul3A_1244 = arith.constant 0.242790788 : f32
        %mul3A_1245 = vector.broadcast %mul3A_1244 : f32 to vector<16xf32>
        %mul3A_1246 = arith.mulf %mul3A_1243, %mul3A_1245 : vector<16xf32>
        %add3A_1247 = arith.constant 0.400009722 : f32
        %add3A_1248 = vector.broadcast %add3A_1247 : f32 to vector<16xf32>
        %add3A_1249 = arith.addf %add3A_1248, %mul3A_1246 : vector<16xf32>
        %mul3A_1250 = arith.mulf %mul3A_1243, %add3A_1249 : vector<16xf32>
        %mul3A_1251 = arith.constant 0.284987867 : f32
        %mul3A_1252 = vector.broadcast %mul3A_1251 : f32 to vector<16xf32>
        %mul3A_1253 = arith.mulf %mul3A_1243, %mul3A_1252 : vector<16xf32>
        %add3A_1254 = arith.constant 0.666666627 : f32
        %add3A_1255 = vector.broadcast %add3A_1254 : f32 to vector<16xf32>
        %add3A_1256 = arith.addf %add3A_1255, %mul3A_1253 : vector<16xf32>
        %mul3A_1257 = arith.mulf %mul3A_1242, %add3A_1256 : vector<16xf32>
        %add3A_1258 = arith.addf %mul3A_1257, %mul3A_1250 : vector<16xf32>
        %mul3A_1259 = arith.constant 5.000000e-01 : f32
        %mul3A_1260 = vector.broadcast %mul3A_1259 : f32 to vector<16xf32>
        %mul3A_1261 = arith.mulf %mul3A_1260, %sub3A_1237 : vector<16xf32>
        %mul3A_1262 = arith.mulf %mul3A_1261, %sub3A_1237 : vector<16xf32>
        %convert_element_type3A_1263 = arith.sitofp %sub3A_1227 : vector<16xi32> to vector<16xf32>
        %mul3A_1264 = arith.constant 0.693138123 : f32
        %mul3A_1265 = vector.broadcast %mul3A_1264 : f32 to vector<16xf32>
        %mul3A_1266 = arith.mulf %convert_element_type3A_1263, %mul3A_1265 : vector<16xf32>
        %sub3A_1267 = arith.subf %sub3A_1237, %mul3A_1262 : vector<16xf32>
        %add3A_1268 = arith.addf %mul3A_1262, %add3A_1258 : vector<16xf32>
        %mul3A_1269 = arith.mulf %div3A_1241, %add3A_1268 : vector<16xf32>
        %mul3A_1270 = arith.constant 9.05800061E-6 : f32
        %mul3A_1271 = vector.broadcast %mul3A_1270 : f32 to vector<16xf32>
        %mul3A_1272 = arith.mulf %convert_element_type3A_1263, %mul3A_1271 : vector<16xf32>
        %add3A_1273 = arith.addf %mul3A_1269, %mul3A_1272 : vector<16xf32>
        %add3A_1274 = arith.addf %sub3A_1267, %add3A_1273 : vector<16xf32>
        %add3A_1275 = arith.addf %mul3A_1266, %add3A_1274 : vector<16xf32>
        %le3A_1276 = arith.constant 0.000000e+00 : f32
        %le3A_1277 = vector.broadcast %le3A_1276 : f32 to vector<16xf32>
        %le3A_1278 = arith.cmpf ole, %max3A_1217, %le3A_1277 : vector<16xf32>
        %jit3A_1279 = arith.constant 0xFF800000 : f32
        %broadcast_in_dim3A_1280 = vector.broadcast %jit3A_1279 : f32 to vector<16xf32>
        %select_n3A_1281 = arith.select %le3A_1278, %broadcast_in_dim3A_1280, %add3A_1275 : vector<16xi1>, vector<16xf32>
        %add3A_1282 = arith.addf %add3A_1199, %select_n3A_1281 : vector<16xf32>
        %get3A_1283 = arith.index_cast %scan3A_780 : i32 to index
        %get3A_1284 = arith.constant 96 : index
        %get3A_1285 = tpu.vector_load %arg13[%get3A_1283, %get3A_1284] {strides = array<i32>} : memref<20x128xf32, #tpu.memory_space<vmem>>, vector<16xf32>,
        %neg3A_1286 = arith.constant 0.000000e+00 : f32
        %neg3A_1287 = vector.broadcast %neg3A_1286 : f32 to vector<16xf32>
        %neg3A_1288 = arith.subf %neg3A_1287, %get3A_1285 : vector<16xf32>
        %exp3A_1289 = math.exp %neg3A_1288 : vector<16xf32>
        %add3A_1290 = arith.constant 1.000000e+00 : f32
        %add3A_1291 = vector.broadcast %add3A_1290 : f32 to vector<16xf32>
        %add3A_1292 = arith.addf %exp3A_1289, %add3A_1291 : vector<16xf32>
        %div3A_1293 = arith.constant 1.000000e+00 : f32
        %div3A_1294 = vector.broadcast %div3A_1293 : f32 to vector<16xf32>
        %div3A_1295 = arith.divf %div3A_1294, %add3A_1292 : vector<16xf32>
        %mul3A_1296 = arith.mulf %add3A_50, %div3A_1295 : vector<16xf32>
        %add3A_1297 = arith.addf %mul3A_1296, %add3A_55 : vector<16xf32>
        %max3A_1298 = arith.constant 0.000000e+00 : f32
        %max3A_1299 = vector.broadcast %max3A_1298 : f32 to vector<16xf32>
        %max3A_1300 = arith.maximumf %add3A_1297, %max3A_1299 : vector<16xf32>
        %bitcast3A_1301 = vector.bitcast %max3A_1300 : vector<16xf32> to vector<16xi32>
        %add3A_1302 = arith.constant 4913933 : i32
        %add3A_1303 = vector.broadcast %add3A_1302 : i32 to vector<16xi32>
        %add3A_1304 = arith.addi %bitcast3A_1301, %add3A_1303 : vector<16xi32>
        %shift_right_logical3A_1305 = arith.constant 23 : i32
        %shift_right_logical3A_1306 = vector.broadcast %shift_right_logical3A_1305 : i32 to vector<16xi32>
        %shift_right_logical3A_1307 = arith.shrui %add3A_1304, %shift_right_logical3A_1306 : vector<16xi32>
        %sub3A_1308 = arith.constant 127 : i32
        %sub3A_1309 = vector.broadcast %sub3A_1308 : i32 to vector<16xi32>
        %sub3A_1310 = arith.subi %shift_right_logical3A_1307, %sub3A_1309 : vector<16xi32>
        %and3A_1311 = arith.constant 8388607 : i32
        %and3A_1312 = vector.broadcast %and3A_1311 : i32 to vector<16xi32>
        %and3A_1313 = arith.andi %add3A_1304, %and3A_1312 : vector<16xi32>
        %add3A_1314 = arith.constant 1060439283 : i32
        %add3A_1315 = vector.broadcast %add3A_1314 : i32 to vector<16xi32>
        %add3A_1316 = arith.addi %and3A_1313, %add3A_1315 : vector<16xi32>
        %bitcast3A_1317 = vector.bitcast %add3A_1316 : vector<16xi32> to vector<16xf32>
        %sub3A_1318 = arith.constant 1.000000e+00 : f32
        %sub3A_1319 = vector.broadcast %sub3A_1318 : f32 to vector<16xf32>
        %sub3A_1320 = arith.subf %bitcast3A_1317, %sub3A_1319 : vector<16xf32>
        %add3A_1321 = arith.constant 2.000000e+00 : f32
        %add3A_1322 = vector.broadcast %add3A_1321 : f32 to vector<16xf32>
        %add3A_1323 = arith.addf %add3A_1322, %sub3A_1320 : vector<16xf32>
        %div3A_1324 = arith.divf %sub3A_1320, %add3A_1323 : vector<16xf32>
        %mul3A_1325 = arith.mulf %div3A_1324, %div3A_1324 : vector<16xf32>
        %mul3A_1326 = arith.mulf %mul3A_1325, %mul3A_1325 : vector<16xf32>
        %mul3A_1327 = arith.constant 0.242790788 : f32
        %mul3A_1328 = vector.broadcast %mul3A_1327 : f32 to vector<16xf32>
        %mul3A_1329 = arith.mulf %mul3A_1326, %mul3A_1328 : vector<16xf32>
        %add3A_1330 = arith.constant 0.400009722 : f32
        %add3A_1331 = vector.broadcast %add3A_1330 : f32 to vector<16xf32>
        %add3A_1332 = arith.addf %add3A_1331, %mul3A_1329 : vector<16xf32>
        %mul3A_1333 = arith.mulf %mul3A_1326, %add3A_1332 : vector<16xf32>
        %mul3A_1334 = arith.constant 0.284987867 : f32
        %mul3A_1335 = vector.broadcast %mul3A_1334 : f32 to vector<16xf32>
        %mul3A_1336 = arith.mulf %mul3A_1326, %mul3A_1335 : vector<16xf32>
        %add3A_1337 = arith.constant 0.666666627 : f32
        %add3A_1338 = vector.broadcast %add3A_1337 : f32 to vector<16xf32>
        %add3A_1339 = arith.addf %add3A_1338, %mul3A_1336 : vector<16xf32>
        %mul3A_1340 = arith.mulf %mul3A_1325, %add3A_1339 : vector<16xf32>
        %add3A_1341 = arith.addf %mul3A_1340, %mul3A_1333 : vector<16xf32>
        %mul3A_1342 = arith.constant 5.000000e-01 : f32
        %mul3A_1343 = vector.broadcast %mul3A_1342 : f32 to vector<16xf32>
        %mul3A_1344 = arith.mulf %mul3A_1343, %sub3A_1320 : vector<16xf32>
        %mul3A_1345 = arith.mulf %mul3A_1344, %sub3A_1320 : vector<16xf32>
        %convert_element_type3A_1346 = arith.sitofp %sub3A_1310 : vector<16xi32> to vector<16xf32>
        %mul3A_1347 = arith.constant 0.693138123 : f32
        %mul3A_1348 = vector.broadcast %mul3A_1347 : f32 to vector<16xf32>
        %mul3A_1349 = arith.mulf %convert_element_type3A_1346, %mul3A_1348 : vector<16xf32>
        %sub3A_1350 = arith.subf %sub3A_1320, %mul3A_1345 : vector<16xf32>
        %add3A_1351 = arith.addf %mul3A_1345, %add3A_1341 : vector<16xf32>
        %mul3A_1352 = arith.mulf %div3A_1324, %add3A_1351 : vector<16xf32>
        %mul3A_1353 = arith.constant 9.05800061E-6 : f32
        %mul3A_1354 = vector.broadcast %mul3A_1353 : f32 to vector<16xf32>
        %mul3A_1355 = arith.mulf %convert_element_type3A_1346, %mul3A_1354 : vector<16xf32>
        %add3A_1356 = arith.addf %mul3A_1352, %mul3A_1355 : vector<16xf32>
        %add3A_1357 = arith.addf %sub3A_1350, %add3A_1356 : vector<16xf32>
        %add3A_1358 = arith.addf %mul3A_1349, %add3A_1357 : vector<16xf32>
        %le3A_1359 = arith.constant 0.000000e+00 : f32
        %le3A_1360 = vector.broadcast %le3A_1359 : f32 to vector<16xf32>
        %le3A_1361 = arith.cmpf ole, %max3A_1300, %le3A_1360 : vector<16xf32>
        %jit3A_1362 = arith.constant 0xFF800000 : f32
        %broadcast_in_dim3A_1363 = vector.broadcast %jit3A_1362 : f32 to vector<16xf32>
        %select_n3A_1364 = arith.select %le3A_1361, %broadcast_in_dim3A_1363, %add3A_1358 : vector<16xi1>, vector<16xf32>
        %add3A_1365 = arith.addf %add3A_1282, %select_n3A_1364 : vector<16xf32>
        %get3A_1366 = arith.index_cast %scan3A_780 : i32 to index
        %get3A_1367 = arith.constant 112 : index
        %get3A_1368 = tpu.vector_load %arg13[%get3A_1366, %get3A_1367] {strides = array<i32>} : memref<20x128xf32, #tpu.memory_space<vmem>>, vector<16xf32>,
        %neg3A_1369 = arith.constant 0.000000e+00 : f32
        %neg3A_1370 = vector.broadcast %neg3A_1369 : f32 to vector<16xf32>
        %neg3A_1371 = arith.subf %neg3A_1370, %get3A_1368 : vector<16xf32>
        %exp3A_1372 = math.exp %neg3A_1371 : vector<16xf32>
        %add3A_1373 = arith.constant 1.000000e+00 : f32
        %add3A_1374 = vector.broadcast %add3A_1373 : f32 to vector<16xf32>
        %add3A_1375 = arith.addf %exp3A_1372, %add3A_1374 : vector<16xf32>
        %div3A_1376 = arith.constant 1.000000e+00 : f32
        %div3A_1377 = vector.broadcast %div3A_1376 : f32 to vector<16xf32>
        %div3A_1378 = arith.divf %div3A_1377, %add3A_1375 : vector<16xf32>
        %mul3A_1379 = arith.mulf %add3A_50, %div3A_1378 : vector<16xf32>
        %add3A_1380 = arith.addf %mul3A_1379, %add3A_55 : vector<16xf32>
        %max3A_1381 = arith.constant 0.000000e+00 : f32
        %max3A_1382 = vector.broadcast %max3A_1381 : f32 to vector<16xf32>
        %max3A_1383 = arith.maximumf %add3A_1380, %max3A_1382 : vector<16xf32>
        %bitcast3A_1384 = vector.bitcast %max3A_1383 : vector<16xf32> to vector<16xi32>
        %add3A_1385 = arith.constant 4913933 : i32
        %add3A_1386 = vector.broadcast %add3A_1385 : i32 to vector<16xi32>
        %add3A_1387 = arith.addi %bitcast3A_1384, %add3A_1386 : vector<16xi32>
        %shift_right_logical3A_1388 = arith.constant 23 : i32
        %shift_right_logical3A_1389 = vector.broadcast %shift_right_logical3A_1388 : i32 to vector<16xi32>
        %shift_right_logical3A_1390 = arith.shrui %add3A_1387, %shift_right_logical3A_1389 : vector<16xi32>
        %sub3A_1391 = arith.constant 127 : i32
        %sub3A_1392 = vector.broadcast %sub3A_1391 : i32 to vector<16xi32>
        %sub3A_1393 = arith.subi %shift_right_logical3A_1390, %sub3A_1392 : vector<16xi32>
        %and3A_1394 = arith.constant 8388607 : i32
        %and3A_1395 = vector.broadcast %and3A_1394 : i32 to vector<16xi32>
        %and3A_1396 = arith.andi %add3A_1387, %and3A_1395 : vector<16xi32>
        %add3A_1397 = arith.constant 1060439283 : i32
        %add3A_1398 = vector.broadcast %add3A_1397 : i32 to vector<16xi32>
        %add3A_1399 = arith.addi %and3A_1396, %add3A_1398 : vector<16xi32>
        %bitcast3A_1400 = vector.bitcast %add3A_1399 : vector<16xi32> to vector<16xf32>
        %sub3A_1401 = arith.constant 1.000000e+00 : f32
        %sub3A_1402 = vector.broadcast %sub3A_1401 : f32 to vector<16xf32>
        %sub3A_1403 = arith.subf %bitcast3A_1400, %sub3A_1402 : vector<16xf32>
        %add3A_1404 = arith.constant 2.000000e+00 : f32
        %add3A_1405 = vector.broadcast %add3A_1404 : f32 to vector<16xf32>
        %add3A_1406 = arith.addf %add3A_1405, %sub3A_1403 : vector<16xf32>
        %div3A_1407 = arith.divf %sub3A_1403, %add3A_1406 : vector<16xf32>
        %mul3A_1408 = arith.mulf %div3A_1407, %div3A_1407 : vector<16xf32>
        %mul3A_1409 = arith.mulf %mul3A_1408, %mul3A_1408 : vector<16xf32>
        %mul3A_1410 = arith.constant 0.242790788 : f32
        %mul3A_1411 = vector.broadcast %mul3A_1410 : f32 to vector<16xf32>
        %mul3A_1412 = arith.mulf %mul3A_1409, %mul3A_1411 : vector<16xf32>
        %add3A_1413 = arith.constant 0.400009722 : f32
        %add3A_1414 = vector.broadcast %add3A_1413 : f32 to vector<16xf32>
        %add3A_1415 = arith.addf %add3A_1414, %mul3A_1412 : vector<16xf32>
        %mul3A_1416 = arith.mulf %mul3A_1409, %add3A_1415 : vector<16xf32>
        %mul3A_1417 = arith.constant 0.284987867 : f32
        %mul3A_1418 = vector.broadcast %mul3A_1417 : f32 to vector<16xf32>
        %mul3A_1419 = arith.mulf %mul3A_1409, %mul3A_1418 : vector<16xf32>
        %add3A_1420 = arith.constant 0.666666627 : f32
        %add3A_1421 = vector.broadcast %add3A_1420 : f32 to vector<16xf32>
        %add3A_1422 = arith.addf %add3A_1421, %mul3A_1419 : vector<16xf32>
        %mul3A_1423 = arith.mulf %mul3A_1408, %add3A_1422 : vector<16xf32>
        %add3A_1424 = arith.addf %mul3A_1423, %mul3A_1416 : vector<16xf32>
        %mul3A_1425 = arith.constant 5.000000e-01 : f32
        %mul3A_1426 = vector.broadcast %mul3A_1425 : f32 to vector<16xf32>
        %mul3A_1427 = arith.mulf %mul3A_1426, %sub3A_1403 : vector<16xf32>
        %mul3A_1428 = arith.mulf %mul3A_1427, %sub3A_1403 : vector<16xf32>
        %convert_element_type3A_1429 = arith.sitofp %sub3A_1393 : vector<16xi32> to vector<16xf32>
        %mul3A_1430 = arith.constant 0.693138123 : f32
        %mul3A_1431 = vector.broadcast %mul3A_1430 : f32 to vector<16xf32>
        %mul3A_1432 = arith.mulf %convert_element_type3A_1429, %mul3A_1431 : vector<16xf32>
        %sub3A_1433 = arith.subf %sub3A_1403, %mul3A_1428 : vector<16xf32>
        %add3A_1434 = arith.addf %mul3A_1428, %add3A_1424 : vector<16xf32>
        %mul3A_1435 = arith.mulf %div3A_1407, %add3A_1434 : vector<16xf32>
        %mul3A_1436 = arith.constant 9.05800061E-6 : f32
        %mul3A_1437 = vector.broadcast %mul3A_1436 : f32 to vector<16xf32>
        %mul3A_1438 = arith.mulf %convert_element_type3A_1429, %mul3A_1437 : vector<16xf32>
        %add3A_1439 = arith.addf %mul3A_1435, %mul3A_1438 : vector<16xf32>
        %add3A_1440 = arith.addf %sub3A_1433, %add3A_1439 : vector<16xf32>
        %add3A_1441 = arith.addf %mul3A_1432, %add3A_1440 : vector<16xf32>
        %le3A_1442 = arith.constant 0.000000e+00 : f32
        %le3A_1443 = vector.broadcast %le3A_1442 : f32 to vector<16xf32>
        %le3A_1444 = arith.cmpf ole, %max3A_1383, %le3A_1443 : vector<16xf32>
        %jit3A_1445 = arith.constant 0xFF800000 : f32
        %broadcast_in_dim3A_1446 = vector.broadcast %jit3A_1445 : f32 to vector<16xf32>
        %select_n3A_1447 = arith.select %le3A_1444, %broadcast_in_dim3A_1446, %add3A_1441 : vector<16xi1>, vector<16xf32>
        %add3A_1448 = arith.addf %add3A_1365, %select_n3A_1447 : vector<16xf32>
        %select_n3A_1449 = arith.select %lt3A_784, %add3A_1448, %broadcast_in_dim3A_46 : vector<16xf32>
        %add3A_1450 = arith.addf %add3A_778, %select_n3A_1449 : vector<16xf32>
        scf.yield %add3A_1450 : vector<16xf32>
      }
      %scan3A_117 = arith.constant 20 : i32
      scf.yield %scan3A_116 : vector<16xf32>
    }
    %scan3A_105 = arith.constant 8 : i32
    %swap3A = arith.constant 0 : index
    %swap3A_106 = tpu.vector_load %arg14[%swap3A] {strides = array<i32>} : memref<16xf32, #tpu.memory_space<vmem>>, vector<16xf32>,
    tpu.vector_store %arg14[%swap3A], %scan3A_104 {strides = array<i32>} : memref<16xf32, #tpu.memory_space<vmem>>, vector<16xf32>,
    "tpu.region"() ({
      %run_scoped3A = tpu.sem_alloc : memref<!tpu.dma_semaphore, #tpu.memory_space<semaphore_mem>>
      %dma_start3A_107 = arith.constant 0 : i32
      %dma_start3A_108 = tpu.memref_slice %arg6[%arg0, %arg1, %dma_start3A_107] : memref<2x16x16xf32, #tpu.memory_space<hbm>> -> memref<1x1x16xf32, #tpu.memory_space<hbm>>
      %dma_start3A_109 = tpu.memref_squeeze %dma_start3A_108 : memref<1x1x16xf32, #tpu.memory_space<hbm>> -> memref<16xf32, #tpu.memory_space<hbm>>
      %dma_start3A_110 = arith.constant 0 : i32
      %dma_start3A_111 = tpu.memref_slice %arg6[%arg0, %arg1, %dma_start3A_110] : memref<2x16x16xf32, #tpu.memory_space<hbm>> -> memref<1x1x16xf32, #tpu.memory_space<hbm>>
      %dma_start3A_112 = tpu.memref_squeeze %dma_start3A_111 : memref<1x1x16xf32, #tpu.memory_space<hbm>> -> memref<16xf32, #tpu.memory_space<hbm>>
      tpu.enqueue_dma source(%arg14 : memref<16xf32, #tpu.memory_space<vmem>>) target(%dma_start3A_112 : memref<16xf32, #tpu.memory_space<hbm>>) target_semaphore(%run_scoped3A : memref<!tpu.dma_semaphore, #tpu.memory_space<semaphore_mem>>)
      %dma_wait3A_113 = arith.constant 0 : i32
      %dma_wait3A_114 = tpu.memref_slice %arg6[%arg0, %arg1, %dma_wait3A_113] : memref<2x16x16xf32, #tpu.memory_space<hbm>> -> memref<1x1x16xf32, #tpu.memory_space<hbm>>
      %dma_wait3A_115 = tpu.memref_squeeze %dma_wait3A_114 : memref<1x1x16xf32, #tpu.memory_space<hbm>> -> memref<16xf32, #tpu.memory_space<hbm>>
      %dma_wait3A_116 = arith.constant 0 : i32
      %dma_wait3A_117 = tpu.memref_slice %arg6[%arg0, %arg1, %dma_wait3A_116] : memref<2x16x16xf32, #tpu.memory_space<hbm>> -> memref<1x1x16xf32, #tpu.memory_space<hbm>>
      %dma_wait3A_118 = tpu.memref_squeeze %dma_wait3A_117 : memref<1x1x16xf32, #tpu.memory_space<hbm>> -> memref<16xf32, #tpu.memory_space<hbm>>
      tpu.wait_dma2 semaphore(%run_scoped3A : memref<!tpu.dma_semaphore, #tpu.memory_space<semaphore_mem>>) src(%arg14 : memref<16xf32, #tpu.memory_space<vmem>>) dst(%dma_wait3A_118 : memref<16xf32, #tpu.memory_space<hbm>>)
      tpu.yield
    }) : () -> ()
    return
  }
}

</mosaic_0001>

<sc_bundles>
// kernel: kernel.3.cloned.1.call-start
scs
__scs_entry_jumppad:
0x0: {  	(pc) =	sbr.rel $0x88, $3  }
0x1: {  	(tag) =	ssettag $0x0;
	lr =	simm.s32 $0x1  }
0x2: {  	[smem:$0x3F9E] =	sst lr;
	_ =	strace $0xD0000000  }
0x3: {  	_ = 	snop  }
0x4: {  	_ = 	snop  }
0x5: {  	_ = 	snop  }
0x6: {  	_ = 	snop  }
0x7: {  	_ = 	snop  }
__scs_overlays_trampoline_lowered:
0x8: {  	[smem:$0x3FAD] =	sst s0  }
0x9: {  	[smem:$0x3FAE] =	sst s1  }
0xa: {  	[smem:$0x3FAF] =	sst s2  }
0xb: {  	[smem:$0x3FB0] =	sst s3  }
0xc: {  	[smem:$0x3FB1] =	sst s4  }
0xd: {  	[smem:$0x3FB2] =	sst s5  }
0xe: {  	[smem:$0x3FB3] =	sst s6  }
0xf: {  	[smem:$0x3FB4] =	sst s7  }
0x10: {  	[smem:$0x3FB5] =	sst s8  }
0x11: {  	[smem:$0x3FB6] =	sst s9;
	s0 =	simm.s32 @!p0 $0x0  }
0x12: {  	s1 =	sld [smem:$0x3F9C];
	s0 =	simm.s32 @p0 $0x1  }
0x13: {  	[smem:$0x3FB7] =	sst s0;
	s0 =	simm.s32 @!p1 $0x0  }
0x14: {  	s2 =	sld [smem:$0x3F9B];
	s0 =	simm.s32 @p1 $0x1  }
0x15: {  	[smem:$0x3FB8] =	sst s0;
	s0 =	simm.s32 @!p2 $0x0  }
0x16: {  	s3 =	sld [smem:$0x3FDB];
	s0 =	simm.s32 @p2 $0x1  }
0x17: {  	s4 =	simm.s32 $0x1BF5;
	[smem:$0x3FBA] =	sst s0  }
0x18: {  	s0 =	sld [smem:$0x3F9D];
	_ =	swait.ge [sflag:s4], $0x0  }
0x19: {  	s7 =	sld [smem:$0x3F9E]  }
0x1a: {  	s8 =	sadd.s32 $0xFFFFE003, lr  }
0x1b: {  	s9 =	sadd.s32 $0xFFFFFEF7, lr;
	s5 =	simm.s32 $0xFFFFFFFF;
	p2 =	slt.u32 s8, $0xFFFFF086  }
0x1c: {  	p1 =	slt.u32 s9, $0xF7A;
	s5 =	simm.s32 @!p2 $0x0  }
0x1d: {  	s5 =	simm.s32 @p1 $0x1;
	p0 =	seq.s32 s7, s2  }
0x1e: {  	s7 =	smul.u32 @!p0 $0xF7A, s2;
	p2 =	seq.s32 @!p0 s5, $0x0  }
0x1f: {  	s9 =	smul.u32 $0xF7A, s1;
	s8 =	simm.s32 @!p0 $0x1BF5;
	p2 =	por !p2, p0  }
0x20: {  	[sflag:s8] =	ssyncset.s32 @!p0 $0xFFFFF086;
	s6 =	sadd.s32 @!p0 s3, s7;
	s7 =	simm.s32 @!p0 $0x108  }
0x21: {  	s3 =	sadd.s32 s3, s9;
	s6 =	sadd.s32 @!p0 $0x88, s6;
	s7 =	simm.s32 @p2 $0x1082  }
0x22: {  	[simem:s7], [sflag:s8] =	dma.local @!p0 [hbm:s6], $0xF7A  }
0x23: {  	s9 =	sor.u32 $0xD0000000, s2;
	s6 =	simm.s32 $0x108;
	_ =	swait.ge @!p0 [sflag:s8], $0x0  }
0x24: {  	s3 =	sadd.s32 $0x88, s3;
	s6 =	simm.s32 @!p1 $0x1082;
	[sflag:s4] =	ssyncset.s32 $0xFFFFF086  }
0x25: {  	[simem:s6], [sflag:s4] =	dma.local [hbm:s3], $0xF7A  }
0x26: {  	[smem:$0x3F9E] =	sst s1;
	(tag) =	ssettag s2;
	_ =	strace s9  }
0x27: {  	s1 =	sld [smem:$0x3FAE]  }
0x28: {  	s2 =	sld [smem:$0x3FAF]  }
0x29: {  	s4 =	sld [smem:$0x3FB1]  }
0x2a: {  	p0 =	seq.s32 s5, $0x0;
	s5 =	sld [smem:$0x3FB2]  }
0x2b: {  	s6 =	sld [smem:$0x3FB3]  }
0x2c: {  	s7 =	sld [smem:$0x3FB4]  }
0x2d: {  	s3 =	simm.s32 $0x108;
	s8 =	sld [smem:$0x3FB5]  }
0x2e: {  	s3 =	simm.s32 @!p0 $0x1082;
	s9 =	sld [smem:$0x3FB6]  }
0x2f: {  	lr =	sadd.s32 s0, s3;
	s0 =	sld [smem:$0x3FAD]  }
0x30: {  	s3 =	sld [smem:$0x3FB0]  }
0x31: {  	[smem:$0x3FB9] =	sst s10  }
0x32: {  	s10 =	sld [smem:$0x3FB7];
	_ =	sdelay $0x3  }
0x33: {  	p0 =	seq.s32 s10, $0x1;
	s10 =	sld [smem:$0x3FB9];
	_ =	sdelay $0x3  }
0x34: {  	[smem:$0x3FB9] =	sst s10  }
0x35: {  	s10 =	sld [smem:$0x3FB8];
	_ =	sdelay $0x3  }
0x36: {  	p1 =	seq.s32 s10, $0x1;
	s10 =	sld [smem:$0x3FB9];
	_ =	sdelay $0x3  }
0x37: {  	[smem:$0x3FB9] =	sst s10  }
0x38: {  	s10 =	sld [smem:$0x3FBA]  }
0x39: {  	_ = 	snop;
	(pc) =	sbr.ind lr, $3  }
0x3a: {  	_ = 	snop  }
0x3b: {  	_ = 	snop  }
0x3c: {  	p2 =	seq.s32 s10, $0x1;
	s10 =	sld [smem:$0x3FB9]  }
0x3d: {  	_ =	shalt  }
0x3e: {  	_ =	shalt  }
0x3f: {  	_ =	shalt  }
0x40: {  	_ =	shalt  }
0x41: {  	_ =	shalt  }
0x42: {  	_ =	shalt  }
0x43: {  	_ =	shalt  }
0x44: {  	_ =	shalt  }
0x45: {  	_ =	shalt  }
0x46: {  	_ =	shalt  }
0x47: {  	_ =	shalt  }
0x48: {  	_ =	shalt  }
0x49: {  	_ =	shalt  }
0x4a: {  	_ =	shalt  }
0x4b: {  	_ =	shalt  }
0x4c: {  	_ =	shalt  }
0x4d: {  	_ =	shalt  }
0x4e: {  	_ =	shalt  }
0x4f: {  	_ =	shalt  }
0x50: {  	_ =	shalt  }
0x51: {  	_ =	shalt  }
0x52: {  	_ =	shalt  }
0x53: {  	_ =	shalt  }
0x54: {  	_ =	shalt  }
0x55: {  	_ =	shalt  }
0x56: {  	_ =	shalt  }
0x57: {  	_ =	shalt  }
0x58: {  	_ =	shalt  }
0x59: {  	_ =	shalt  }
0x5a: {  	_ =	shalt  }
0x5b: {  	_ =	shalt  }
0x5c: {  	_ =	shalt  }
0x5d: {  	_ =	shalt  }
0x5e: {  	_ =	shalt  }
0x5f: {  	_ =	shalt  }
0x60: {  	_ =	shalt  }
0x61: {  	_ =	shalt  }
0x62: {  	_ =	shalt  }
0x63: {  	_ =	shalt  }
0x64: {  	_ =	shalt  }
0x65: {  	_ =	shalt  }
0x66: {  	_ =	shalt  }
0x67: {  	_ =	shalt  }
0x68: {  	_ =	shalt  }
0x69: {  	_ =	shalt  }
0x6a: {  	_ =	shalt  }
0x6b: {  	_ =	shalt  }
0x6c: {  	_ =	shalt  }
0x6d: {  	_ =	shalt  }
0x6e: {  	_ =	shalt  }
0x6f: {  	_ =	shalt  }
0x70: {  	_ =	shalt  }
0x71: {  	_ =	shalt  }
0x72: {  	_ =	shalt  }
0x73: {  	_ =	shalt  }
0x74: {  	_ =	shalt  }
0x75: {  	_ =	shalt  }
0x76: {  	_ =	shalt  }
0x77: {  	_ =	shalt  }
0x78: {  	_ =	shalt  }
0x79: {  	_ =	shalt  }
0x7a: {  	_ =	shalt  }
0x7b: {  	_ =	shalt  }
0x7c: {  	_ =	shalt  }
0x7d: {  	_ =	shalt  }
0x7e: {  	_ =	shalt  }
0x7f: {  	_ =	shalt  }
0x80: {  	_ =	shalt  }
0x81: {  	_ =	shalt  }
0x82: {  	_ =	shalt  }
0x83: {  	_ =	shalt  }
0x84: {  	_ =	shalt  }
0x85: {  	_ =	shalt  }
0x86: {  	_ =	shalt  }
0x87: {  	_ =	shalt  }
.Lfunc_end0:
.L_simem_size_0:
called_computation_lowered:
.L_overlay_start_0:
0x88: {  	s2 =	sld [smem:$0x3FD9]  }
0x89: {  	s3 =	sld [smem:$0x3FFE];
	_ =	sdelay $0x1  }
0x8a: {  	s1 =	srdreg.scid  }
0x8b: {  	s0 =	sand.u32 $0x1, s1  }
0x8c: {  	s16 =	sshll.u32 s0, $0xA;
	s2 =	sadd.s32 s3, s2  }
0x8d: {  	s2 =	sadd.s32 s2, s16  }
0x8e: {  	[smem:$0x3FC5] =	sst s2  }
0x8f: {  	_ = 	snop  }
0x90: {  	(tm) =	ssettm $0x1  }
0x91: {  	s17 =	sld [smem:$0x3FFB];
	_ =	sdelay $0x3  }
0x92: {  	_ =	strace s17  }
0x93: {  	s2 =	sld [smem:$0x3FFC];
	_ =	sdelay $0x3  }
0x94: {  	_ =	strace s2  }
0x95: {  	s2 =	sld [smem:$0x3FFD];
	_ =	sdelay $0x3  }
0x96: {  	_ =	strace s2  }
0x97: {  	_ =	strace $0x8FFFFFFF  }
0x98: {  	s18 =	sld [smem:$0x3FDB];
	_ =	sdelay $0x1  }
0x99: {  	s19 =	simm.s32 $_scs_section_size  }
0x9a: {  	s4 =	simm.s32 $_size__tile_overlayer_lowered;
	s5 =	simm.s32 $_tile_overlayer_lowered  }
0x9b: {  	s22 =	simm.s32 $0x1BFF;
	s21 =	sshll.u32 s5, $0x1;
	s2 =	sadd.s32 s19, s18  }
0x9c: {  	s6 =	simm.s32 $0x0;
	s20 =	sshll.u32 s4, $0x1;
	s4 =	sadd.s32 s21, s2  }
0x9d: {  	[timem:s6], [sflag:s22] =	dma.local [hbm:s4], s20  }
0x9e: {  	_ =	swait.ge [sflag:s22], s20  }
0x9f: {  	s3 =	ssub.s32 $0x0, s20;
	[sflag:s22] =	ssyncset.done $0x0  }
0xa0: {  	[sflag:s22] =	ssyncadd.s32 s3;
	_ =	sdelay $0x1  }
0xa1: {  	s23 =	simm.s32 $0x1B8B  }
0xa2: {  	_ =	swait.ge [sflag:s23], $0x1  }
0xa3: {  	[sflag:s23] =	ssyncset.done $0x0  }
0xa4: {  	s25 =	simm.s32 $0x1B8E;
	s24 =	sld [smem:$0x3FFE];
	[sflag:s23] =	ssyncadd.s32 $0xFFFFFFFF  }
0xa5: {  	s26 =	simm.s32 $execute0_lowered;
	[smem:$0x3FD2] =	sst s25  }
0xa6: {  	s4 =	sshll.u32 s26, $0x1;
	_ =	strace $0x80000046;
	[dreg:$0x1] =	wrdreg $0xFFFFFFFF  }
0xa7: {  	s28 =	simm.s32 $_size_execute0_lowered;
	s2 =	sadd.s32 s2, s4;
	[dreg:$0x0] =	wrdreg $0x0  }
0xa8: {  	s4 =	sshll.u32 s28, $0x1;
	[dreg:$0x2] =	wrdreg s2  }
0xa9: {  	[dreg:$0x3] =	wrdreg s4  }
0xaa: {  	[dreg:$0x4] =	wrdreg $0xC0  }
0xab: {  	_ =	task [dreg:s6], $0x5FFFF  }
0xac: {  	[dreg:$0x1] =	wrdreg $0xFFFFFFFF  }
0xad: {  	[dreg:$0x0] =	wrdreg $0x60  }
0xae: {  	[dreg:$0x2] =	wrdreg s24  }
0xaf: {  	[dreg:$0x3] =	wrdreg $0x10D000  }
0xb0: {  	[dreg:$0x4] =	wrdreg $0x9  }
0xb1: {  	_ =	task.clear_ibuf [dreg:s6], $0x5FFFF;
	_ =	strace $0x90000046  }
0xb2: {  	s29 =	simm.s32 $0x9;
	_ =	strace $0x80000048  }
0xb3: {  	_ =	swait.ge [sflag:s29], $0x1  }
0xb4: {  	[sflag:s29] =	ssyncadd.s32 $0xFFFFFFFF  }
0xb5: {  	_ =	strace $0x90000048  }
0xb6: {  	_ =	sfence  }
0xb7: {  	s30 =	sld [smem:$0x0];
	_ =	sdelay $0x2  }
0xb8: {  	s31 =	sshll.u32 s1, $0xD;
	s1 =	sshrl.u32 s1, $0x2  }
0xb9: {  	s3 =	sand.u32 $0x4000, s31;
	s1 =	sadd.s32 s1, s30  }
0xba: {  	s0 =	sor.u32 s3, s0;
	s1 =	sshll.u32 s1, $0x11  }
0xbb: {  	s0 =	sor.u32 s1, s0  }
0xbc: {  	s0 =	sadd.s32 $0x8F2B, s0  }
0xbd: {  	[sflag:s0] =	ssyncadd.remote.s32 $0x1  }
0xbe: {  	_ =	sfence.sel $0xFFFF  }
0xbf: {  	[dreg:$0x0] =	wrdreg $0xFFFFFFFF;
	(pc) =	sbr.abs _section_cstart, $3  }
0xc0: {  	[dreg:$0x1] =	wrdreg $0xFFFFFFFF  }
0xc1: {  	_ =	task.clear_ibuf [dreg:s6], $0x2FFFF;
	_ =	strace $0x9FFFFFFF  }
0xc2: {  	(tm) =	ssettm $0x7FFFFFFF  }
0xc3: {  	_ =	shalt  }
tec
execute0_lowered:
.L_overlay_start_1:
0x0: {  	(tag) =	ssettag $0x1  }
0x1: {  	s0 =	rddreg [dreg:$0x0]  }
0x2: {  	s1 =	rddreg [dreg:$0x1];
	s3 =	simm.s32 $0x0  }
0x3: {  	s2 =	srdreg.scid;
	s21 =	stileid.u32;
	s20 =	simm.f32 $1.000000000e-15  }
0x4: {  	s28 =	simm.s32 $0xC380;
	s29 =	simm.s32 $0xD780;
	s30 =	simm.s32 $0x1  }
0x5: {  	s31 =	simm.s32 $0x3;
	[smem:$0x7FF] =	sst s3;
	s2 =	sand.u32 $0x1, s2  }
0x6: {  	s6 =	sshrl.u32 s21, $0x3;
	s5 =	sshll.u32 s21, $0x7;
	s10 =	smul.u32 $0x14000, s21  }
0x7: {  	s4 =	sadd.s32 $0x18800, s0;
	s14 =	smul.u32 $0x5000, s21;
	_ =	strace $0x80000047  }
0x8: {  	s7 =	sshll.u32 s2, $0xB;
	s8 =	sshll.u32 s6, $0xA;
	s9 =	sand.u32 $0x380, s5  }
0x9: {  	s5 =	sadd.s32 $0x2C200, s0;
	s24 =	smul.u32 $0x61C00, s6;
	s6 =	sadd.s32 $0x3FC00, s0  }
0xa: {  	s11 =	ssub.s32 $0x2, s2;
	p0 =	seq.s32 s2, $0x0;
	s7 =	sor.u32 s7, s8  }
0xb: {  	s25 =	sshrl.u32 s11, $0x1;
	s10 =	sshrl.u32 s10, $0x2;
	s20 =	simm.s32 @!p0 $0x3F800000  }
0xc: {  	s7 =	sor.u32 s9, s7;
	s8 =	sor.u32 s9, s24;
	s11 =	ssub.s32 s11, s25  }
0xd: {  	s9 =	smul.u32 $0x4E200, s2;
	s2 =	simm.f32 $1.000000000e+00;
	s7 =	sshrl.u32 s7, $0x3  }
0xe: {  	s8 =	sshrl.u32 s8, $0x3;
	s2 =	simm.s32 @!p0 $0xBF800000;
	p0 =	slt.u32 s21, $0x4  }
0xf: {  	s23 =	smax.u32 s11, $0x1;
	s11 =	simm.s32 $0x0;
	s7 =	sadd.s32 s7, s0  }
0x10: {  	s0 =	sadd.s32 s0, s8;
	s8 =	sadd.s32 s10, s1;
	s13 =	sadd.s32 s14, s9  }
0x11: {  	s10 =	sshll.u32 s21, $0x3;
	s14 =	smul.u32 $0x9C, s21;
	[dreg:$0x7] =	wrdreg s23  }
0x12: {  	v0 =	vmov s2;
	s2 =	simm.s32 $0xCD80;
	[dreg:$0x3] =	wrdreg s0;
	s26 =	sadd.s32 $0xA00, s8  }
0x13: {  	s12 =	sadd.s32 $0x1400, s8;
	s13 =	sshrl.u32 s13, $0x3;
	s7 =	sadd.s32 $0x3FE00, s7  }
0x14: {  	s15 =	sadd.s32 $0x1E00, s8;
	s22 =	sadd.s32 s4, s13;
	[dreg:$0x6] =	wrdreg s7  }
0x15: {  	s16 =	sadd.s32 $0x2800, s8;
	s13 =	sadd.s32 s5, s13;
	[dreg:$0x4] =	wrdreg s22  }
0x16: {  	s17 =	sadd.s32 $0x3200, s8;
	s0 =	sshrl.u32 s26, $0x3;
	[dreg:$0x5] =	wrdreg s13  }
0x17: {  	s18 =	sadd.s32 $0x3C00, s8;
	s24 =	sshrl.u32 s12, $0x3;
	[dreg:$0x8] =	wrdreg s0  }
0x18: {  	s19 =	sadd.s32 $0x4600, s8;
	s25 =	sshrl.u32 s15, $0x3;
	[dreg:$0x9] =	wrdreg s24  }
0x19: {  	s26 =	sshrl.u32 s16, $0x3;
	s23 =	sshrl.u32 s19, $0x3;
	[dreg:$0xa] =	wrdreg s25  }
0x1a: {  	s7 =	simm.s32 $0xE180;
	s22 =	smin.u32 s21, $0x4;
	[dreg:$0xb] =	wrdreg s26  }
0x1b: {  	v63 =	vmov s20;
	s21 =	sshrl.u32 s17, $0x3;
	s26 =	simm.s32 $0x5;
	s0 =	simm.s32 $0x2  }
0x1c: {  	[tilespmem:$0x1FFF0] =	vst v63;
	s24 =	simm.s32 $0x10080;
	s13 =	sadd.s32 s22, s14;
	s14 =	simm.s32 $0x9D  }
0x1d: {  	[tilespmem:$0x1FFE0] =	vst v0;
	s25 =	simm.s32 $0x4;
	s22 =	sshrl.u32 s18, $0x3;
	s14 =	simm.s32 @!p0 $0x9C  }
.LBB2_1:
0x1e: {  	s12 =	rddreg [dreg:$0x3];
	s15 =	simm.s32 $0x80;
	s16 =	simm.s32 $0x400  }
0x1f: {  	[tilespmem:s3], [sflag:$0x5] =	stream.strided.gather [hbm4b:s12+s15], $0xC380, s16, s15, $0x38;
	[tilespmem:$0x15D00] =	vst v63  }
0x20: {  	s18 =	stileid.u32;
	_ =	swait.ge [sflag:s26], $0xC380  }
0x21: {  	s12 =	sshll.u32 s18, $0x6;
	[sflag:s26] =	ssyncset.done $0x0  }
0x22: {  	s19 =	sshrl.u32 s8, $0x3;
	s12 =	sor.u32 $0x1C05, s12;
	[sflag:s26] =	ssyncadd.s32 $0xFFFF3C80  }
0x23: {  	[spmem:s19], [sflag:s12] =	dma.local [hbm:s6], $0x140  }
0x24: {  	_ =	swait.ge [sflag:s26], $0x140  }
0x25: {  	[sflag:s26] =	ssyncset.done $0x0  }
0x26: {  	s20 =	rddreg [dreg:$0x8];
	[sflag:s26] =	ssyncadd.s32 $0xFFFFFEC0  }
0x27: {  	[spmem:s20], [sflag:s12] =	dma.local [hbm:s6], $0x140  }
0x28: {  	_ =	swait.ge [sflag:s26], $0x140  }
0x29: {  	[sflag:s26] =	ssyncset.done $0x0  }
0x2a: {  	s16 =	rddreg [dreg:$0x9];
	[sflag:s26] =	ssyncadd.s32 $0xFFFFFEC0  }
0x2b: {  	[spmem:s16], [sflag:s12] =	dma.local [hbm:s6], $0x140  }
0x2c: {  	_ =	swait.ge [sflag:s26], $0x140  }
0x2d: {  	[sflag:s26] =	ssyncset.done $0x0  }
0x2e: {  	s17 =	rddreg [dreg:$0xa];
	[sflag:s26] =	ssyncadd.s32 $0xFFFFFEC0  }
0x2f: {  	[spmem:s17], [sflag:s12] =	dma.local [hbm:s6], $0x140  }
0x30: {  	_ =	swait.ge [sflag:s26], $0x140  }
0x31: {  	[sflag:s26] =	ssyncset.done $0x0  }
0x32: {  	s18 =	rddreg [dreg:$0xb];
	[sflag:s26] =	ssyncadd.s32 $0xFFFFFEC0  }
0x33: {  	[spmem:s18], [sflag:s12] =	dma.local [hbm:s6], $0x140  }
0x34: {  	_ =	swait.ge [sflag:s26], $0x140  }
0x35: {  	[sflag:s26] =	ssyncset.done $0x0  }
0x36: {  	[sflag:s26] =	ssyncadd.s32 $0xFFFFFEC0  }
0x37: {  	[spmem:s21], [sflag:s12] =	dma.local [hbm:s6], $0x140  }
0x38: {  	_ =	swait.ge [sflag:s26], $0x140  }
0x39: {  	[sflag:s26] =	ssyncset.done $0x0  }
0x3a: {  	[sflag:s26] =	ssyncadd.s32 $0xFFFFFEC0  }
0x3b: {  	[spmem:s22], [sflag:s12] =	dma.local [hbm:s6], $0x140  }
0x3c: {  	_ =	swait.ge [sflag:s26], $0x140  }
0x3d: {  	[sflag:s26] =	ssyncset.done $0x0  }
0x3e: {  	[sflag:s26] =	ssyncadd.s32 $0xFFFFFEC0  }
0x3f: {  	[spmem:s23], [sflag:s12] =	dma.local [hbm:s6], $0x140  }
0x40: {  	_ =	swait.ge [sflag:s26], $0x140  }
0x41: {  	[sflag:s26] =	ssyncset.done $0x0  }
0x42: {  	[sflag:s26] =	ssyncadd.s32 $0xFFFFFEC0  }
0x43: {  	[bflag:$0x0] =	sbarrier.arrive $0xFFFF  }
0x44: {  	s19 =	rddreg [dreg:$0x4]  }
0x45: {  	[tilespmem:s28], [sflag:$0x3] =	stream.linear.gather [hbm4b:s19+s3], $0xA00, $0x38;
	[tilespmem:$0x15D00] =	vst v63  }
0x46: {  	p0 =	por $0x0, $0x0;
	s16 =	simm.s32 $0x0;
	s20 =	rddreg [dreg:$0x5]  }
0x47: {  	[tilespmem:s29], [sflag:$0x3] =	stream.linear.gather [hbm4b:s20+s3], $0xA00, $0x38;
	[tilespmem:$0x15D00] =	vst v63  }
.LBB2_2:
0x48: {  	p1 =	seq.s32 s16, $0x7C  }
.Ltmp0:
0x49: {  	_ = 	snop;
	(pc) =	sbr.rel @p1 .LBB2_6-.Ltmp0, $2  }
0x4a: {  	_ =	sdelay $0x2  }
0x4b: {  	s12 =	sadd.s32 $0x1, s16  }
0x4c: {  	s15 =	sadd.s32 s10, s12  }
0x4d: {  	s17 =	smulhi.u32 $0x10624DD3, s15;
	_ =	sdelay $0x1  }
0x4e: {  	s17 =	sshrl.u32 s17, $0x3  }
0x4f: {  	s17 =	smul.u32 $0x7D, s17;
	_ =	sdelay $0x1  }
0x50: {  	s15 =	ssub.s32 s15, s17  }
0x51: {  	s17 =	smul.u32 $0xA00, s15;
	s15 =	sand.u32 $0x1, s16  }
0x52: {  	p1 =	seq.s32 s15, $0x0  }
.Ltmp1:
0x53: {  	_ = 	snop;
	(pc) =	sbr.rel @!p1 .LBB2_5-.Ltmp1, $4  }
0x54: {  	_ = 	snop  }
0x55: {  	s17 =	sadd.s32 s9, s17  }
0x56: {  	s18 =	sshrl.u32 s17, $0x3  }
0x57: {  	s17 =	sadd.s32 s4, s18;
	s18 =	sadd.s32 s5, s18  }
.Ltmp2:
0x58: {  	(pc) =	sbr.rel @p1 .LBB2_6-.Ltmp2, $4  }
0x59: {  	_ = 	snop  }
0x5a: {  	[tilespmem:s2], [sflag:$0x4] =	stream.linear.gather [hbm4b:s17+s3], $0xA00, $0x38;
	[tilespmem:$0x15D00] =	vst v63  }
0x5b: {  	_ = 	snop  }
0x5c: {  	[tilespmem:s7], [sflag:$0x4] =	stream.linear.gather [hbm4b:s18+s3], $0xA00, $0x38;
	[tilespmem:$0x15D00] =	vst v63  }
.LBB2_5:
0x5d: {  	p1 =	sne.s32 s15, $0x0  }
.Ltmp3:
0x5e: {  	_ = 	snop;
	(pc) =	sbr.rel @p1 .LBB2_7-.Ltmp3, $4  }
0x5f: {  	_ = 	snop  }
0x60: {  	[tilespmem:s28], [sflag:$0x3] =	stream.linear.gather [hbm4b:s17+s3], $0xA00, $0x38;
	[tilespmem:$0x15D00] =	vst v63  }
0x61: {  	_ = 	snop  }
0x62: {  	[tilespmem:s29], [sflag:$0x3] =	stream.linear.gather [hbm4b:s18+s3], $0xA00, $0x38;
	[tilespmem:$0x15D00] =	vst v63  }
.LBB2_6:
0x63: {  	_ =	swait.ge [sflag:s31], $0xA00;
	p2 =	sgt.u32 s16, $0x1  }
.Ltmp4:
0x64: {  	[sflag:s31] =	ssyncset.done $0x0;
	(pc) =	sbr.rel @!p2 .LBB2_9-.Ltmp4, $4  }
0x65: {  	[sflag:s31] =	ssyncadd.s32 $0xFFFFF600  }
0x66: {  	_ =	swait.ge [sflag:s31], $0xA00  }
0x67: {  	[sflag:s31] =	ssyncset.done $0x0  }
0x68: {  	p1 =	por $0x1, $0x1;
	s15 =	simm.s32 $0x1;
	[sflag:s31] =	ssyncadd.s32 $0xFFFFF600  }
.LBB2_8:
0x69: {  	_ =	swait.ge [sflag:s15], $0xA00  }
0x6a: {  	[sflag:s15] =	ssyncset.done $0x0  }
0x6b: {  	[sflag:s15] =	ssyncadd.s32 $0xFFFFF600  }
.LBB2_9:
0x6c: {  	s15 =	simm.s32 $0x1  }
0x6d: {  	s15 =	simm.s32 @!p0 $0x0  }
0x6e: {  	s15 =	smul.u32 $0x2800, s15;
	_ =	sdelay $0x1  }
0x6f: {  	s17 =	sshrl.u32 s15, $0x2  }
0x70: {  	s19 =	sadd.s32 $0xC3C0, s17  }
0x71: {  	s15 =	sadd.s32 $0xD7C0, s17;
	v1 =	vld [tilespmem:s19+$0x30]  }
0x72: {  	v2 =	vld [tilespmem:s15+$0x30]  }
0x73: {  	v11 =	vld [tilespmem:s15+$0xFFFFFFC0]  }
0x74: {  	v7 =	vld [tilespmem:s15+$0xFFFFFFD0]  }
0x75: {  	v4 =	vld [tilespmem:s19+$0xFFFFFFE0]  }
0x76: {  	v5 =	vld [tilespmem:s15+$0xFFFFFFE0]  }
0x77: {  	v0 =	vld [tilespmem:s19+$0xFFFFFFF0]  }
0x78: {  	v13 =	vld [tilespmem:s19+$0xFFFFFFD0]  }
0x79: {  	v10 =	vld.idx.msk [tilespmem:v1+s3+$0x0], $0xffff  }
0x7a: {  	v12 =	vld.idx.msk [tilespmem:v2+s3+$0x0], $0xffff  }
0x7b: {  	v3 =	vadd.s32 $0x3, v1;
	v38 =	vld.idx.msk [tilespmem:v11+s3+$0x0], $0xffff  }
0x7c: {  	v6 =	vadd.s32 $0x3, v2;
	v54 =	vld.idx.msk [tilespmem:v7+s3+$0x0], $0xffff  }
0x7d: {  	v8 =	vadd.s32 $0x2, v1;
	v55 =	vld.idx.msk [tilespmem:v4+s3+$0x0], $0xffff  }
0x7e: {  	v9 =	vadd.s32 $0x1, v2;
	v57 =	vld.idx.msk [tilespmem:v5+s3+$0x0], $0xffff  }
0x7f: {  	v1 =	vadd.s32 $0x1, v1;
	v58 =	vld.idx.msk [tilespmem:v0+s3+$0x0], $0xffff  }
0x80: {  	v20 =	vadd.s32 $0x1, v11;
	v14 =	vld.idx.msk [tilespmem:v3+s3+$0x0], $0xffff  }
0x81: {  	v21 =	vadd.s32 $0x1, v13;
	v15 =	vld.idx.msk [tilespmem:v6+s3+$0x0], $0xffff  }
0x82: {  	v22 =	vadd.s32 $0x1, v7;
	v16 =	vld.idx.msk [tilespmem:v8+s3+$0x0], $0xffff  }
0x83: {  	v23 =	vadd.s32 $0x1, v4;
	v24 =	vadd.s32 $0x1, v5;
	v18 =	vld.idx.msk [tilespmem:v9+s3+$0x0], $0xffff  }
0x84: {  	v25 =	vadd.s32 $0x1, v0;
	v2 =	vadd.s32 $0x2, v2;
	v17 =	vld.idx.msk [tilespmem:v1+s3+$0x0], $0xffff;
	v1 =	vshll.u32 v10, $0x10  }
0x85: {  	v20 =	vld.idx.msk [tilespmem:v20+s3+$0x0], $0xffff;
	v26 =	vshll.u32 v12, $0x10;
	v10 =	vand.u32 $0xFFFF0000, v10;
	v12 =	vand.u32 $0xFFFF0000, v12  }
0x86: {  	v21 =	vld.idx.msk [tilespmem:v21+s3+$0x0], $0xffff;
	v49 =	vshll.u32 v38, $0x10;
	v38 =	vand.u32 $0xFFFF0000, v38;
	v60 =	vshll.u32 v54, $0x10  }
0x87: {  	v22 =	vld.idx.msk [tilespmem:v22+s3+$0x0], $0xffff;
	v61 =	vshll.u32 v55, $0x10;
	v63 =	vshll.u32 v57, $0x10;
	v53 =	vshll.u32 v58, $0x10  }
0x88: {  	v24 =	vld.idx.msk [tilespmem:v24+s3+$0x0], $0xffff;
	v26 =	vmul.f32 v26, v1;
	v27 =	vmul.f32 v12, v10;
	v28 =	vshll.u32 v14, $0x10  }
0x89: {  	v25 =	vld.idx.msk [tilespmem:v25+s3+$0x0], $0xffff;
	v30 =	vshll.u32 v16, $0x10;
	v31 =	vshll.u32 v15, $0x10;
	v32 =	vshll.u32 v18, $0x10  }
0x8a: {  	v9 =	vld [tilespmem:s15+$0xFFFFFFF0];
	v18 =	vand.u32 $0xFFFF0000, v18;
	v16 =	vand.u32 $0xFFFF0000, v16;
	v14 =	vand.u32 $0xFFFF0000, v14  }
0x8b: {  	v3 =	vld [tilespmem:s15+$0x10];
	v15 =	vand.u32 $0xFFFF0000, v15;
	v34 =	vshll.u32 v20, $0x10;
	v20 =	vand.u32 $0xFFFF0000, v20  }
0x8c: {  	v48 =	vld.idx.msk [tilespmem:v13+s3+$0x0], $0xffff;
	v35 =	vshll.u32 v21, $0x10;
	v36 =	vshll.u32 v22, $0x10;
	v21 =	vand.u32 $0xFFFF0000, v21  }
0x8d: {  	v19 =	vld.idx.msk [tilespmem:v2+s3+$0x0], $0xffff;
	v22 =	vand.u32 $0xFFFF0000, v22;
	v39 =	vshll.u32 v24, $0x10;
	v24 =	vand.u32 $0xFFFF0000, v24  }
0x8e: {  	v1 =	vld [tilespmem:s19+$0xFFFFFFC0];
	v40 =	vshll.u32 v25, $0x10;
	v25 =	vand.u32 $0xFFFF0000, v25;
	v26 =	vadd.f32 v27, v26  }
0x8f: {  	v10 =	vld [tilespmem:s15+$0x20];
	v27 =	vadd.s32 $0x1, v9;
	v28 =	vmul.f32 v31, v28;
	v14 =	vmul.f32 v15, v14  }
0x90: {  	v8 =	vld [tilespmem:s19+$0x0];
	v15 =	vadd.s32 $0x1, v3;
	v31 =	vadd.s32 $0x2, v13;
	v21 =	vmul.f32 v22, v21  }
0x91: {  	v6 =	vld [tilespmem:s15+$0x0];
	v13 =	vadd.s32 $0x3, v13;
	v29 =	vshll.u32 v17, $0x10;
	v17 =	vand.u32 $0xFFFF0000, v17  }
0x92: {  	v2 =	vld [tilespmem:s19+$0x10];
	v14 =	vadd.f32 v14, v28;
	v29 =	vmul.f32 v32, v29;
	v17 =	vmul.f32 v18, v17  }
0x93: {  	v12 =	vld [tilespmem:s19+$0x20];
	v18 =	vshll.u32 v19, $0x10;
	v19 =	vand.u32 $0xFFFF0000, v19;
	v32 =	vadd.s32 $0x2, v7  }
0x94: {  	v28 =	vadd.s32 $0x2, v1;
	v33 =	vadd.s32 $0x1, v10;
	v16 =	vmul.f32 v19, v16;
	v19 =	vld.idx.msk [tilespmem:v23+s3+$0x0], $0xffff  }
0x95: {  	v7 =	vadd.s32 $0x3, v7;
	v18 =	vmul.f32 v18, v30;
	v17 =	vadd.f32 v17, v29;
	v15 =	vld.idx.msk [tilespmem:v15+s3+$0x0], $0xffff  }
0x96: {  	v23 =	vadd.s32 $0x1, v1;
	v30 =	vadd.s32 $0x1, v6;
	v29 =	vadd.s32 $0x1, v8  }
0x97: {  	v16 =	vadd.f32 v16, v18;
	v18 =	vld.idx.msk [tilespmem:v27+s3+$0x0], $0xffff;
	v27 =	vadd.s32 $0x2, v11;
	v17 =	vadd.f32 v17, v26  }
0x98: {  	v45 =	vld.idx.msk [tilespmem:v1+s3+$0x0], $0xffff;
	v1 =	vadd.s32 $0x3, v1;
	v11 =	vadd.s32 $0x3, v11;
	v26 =	vadd.s32 $0x1, v2  }
0x99: {  	v52 =	vld.idx.msk [tilespmem:v3+s3+$0x0], $0xffff;
	v16 =	vadd.f32 v16, v17;
	v17 =	vadd.s32 $0x1, v12;
	v37 =	vshll.u32 v19, $0x10  }
0x9a: {  	v62 =	vld.idx.msk [tilespmem:v2+s3+$0x0], $0xffff;
	v19 =	vand.u32 $0xFFFF0000, v19;
	v47 =	vshll.u32 v15, $0x10;
	v15 =	vand.u32 $0xFFFF0000, v15  }
0x9b: {  	v33 =	vld.idx.msk [tilespmem:v33+s3+$0x0], $0xffff;
	v37 =	vmul.f32 v39, v37;
	v19 =	vmul.f32 v24, v19;
	v24 =	vshll.u32 v48, $0x10  }
0x9c: {  	v23 =	vld.idx.msk [tilespmem:v23+s3+$0x0], $0xffff;
	v48 =	vand.u32 $0xFFFF0000, v48;
	v39 =	vand.u32 $0xFFFF0000, v57;
	v41 =	vshll.u32 v18, $0x10  }
0x9d: {  	v30 =	vld.idx.msk [tilespmem:v30+s3+$0x0], $0xffff;
	v18 =	vand.u32 $0xFFFF0000, v18;
	v22 =	vshll.u32 v45, $0x10;
	v45 =	vand.u32 $0xFFFF0000, v45  }
0x9e: {  	v24 =	vmul.f32 v60, v24;
	v60 =	vshll.u32 v52, $0x10;
	v40 =	vmul.f32 v41, v40  }
0x9f: {  	v29 =	vld.idx.msk [tilespmem:v29+s3+$0x0], $0xffff;
	v14 =	vadd.f32 v14, v16;
	v18 =	vmul.f32 v18, v25;
	v22 =	vmul.f32 v49, v22  }
0xa0: {  	v38 =	vmul.f32 v38, v45;
	v41 =	vand.u32 $0xFFFF0000, v58;
	v49 =	vand.u32 $0xFFFF0000, v62  }
0xa1: {  	v59 =	vld.idx.msk [tilespmem:v9+s3+$0x0], $0xffff;
	v19 =	vadd.f32 v19, v37;
	v56 =	vshll.u32 v33, $0x10;
	v33 =	vand.u32 $0xFFFF0000, v33  }
0xa2: {  	v42 =	vshll.u32 v23, $0x10;
	v23 =	vand.u32 $0xFFFF0000, v23;
	v44 =	vshll.u32 v30, $0x10  }
0xa3: {  	v30 =	vand.u32 $0xFFFF0000, v30;
	v18 =	vadd.f32 v18, v40;
	v22 =	vadd.f32 v38, v22  }
0xa4: {  	v28 =	vld.idx.msk [tilespmem:v28+s3+$0x0], $0xffff;
	v43 =	vshll.u32 v29, $0x10;
	v29 =	vand.u32 $0xFFFF0000, v29;
	v34 =	vmul.f32 v34, v42  }
0xa5: {  	v26 =	vld.idx.msk [tilespmem:v26+s3+$0x0], $0xffff;
	v20 =	vmul.f32 v20, v23;
	v23 =	vmul.f32 v36, v35;
	v42 =	vand.u32 $0xFFFF0000, v54  }
0xa6: {  	v35 =	vand.u32 $0xFFFF0000, v55;
	v55 =	vshll.u32 v59, $0x10;
	v25 =	vmul.f32 v44, v43  }
0xa7: {  	v27 =	vld.idx.msk [tilespmem:v27+s3+$0x0], $0xffff;
	v29 =	vmul.f32 v30, v29;
	v42 =	vmul.f32 v42, v48;
	v43 =	vand.u32 $0xFFFF0000, v59  }
0xa8: {  	v35 =	vmul.f32 v39, v35;
	v45 =	vmul.f32 v55, v53;
	v59 =	vshll.u32 v62, $0x10  }
0xa9: {  	v62 =	vadd.s32 $0x2, v4;
	v53 =	vshll.u32 v28, $0x10;
	v55 =	vadd.s32 $0x2, v9  }
0xaa: {  	v28 =	vand.u32 $0xFFFF0000, v28;
	v4 =	vadd.s32 $0x3, v4;
	v46 =	vshll.u32 v26, $0x10  }
0xab: {  	v31 =	vld.idx.msk [tilespmem:v31+s3+$0x0], $0xffff;
	v26 =	vand.u32 $0xFFFF0000, v26;
	v41 =	vmul.f32 v43, v41;
	v43 =	vmul.f32 v60, v59  }
0xac: {  	v17 =	vld.idx.msk [tilespmem:v17+s3+$0x0], $0xffff;
	v20 =	vadd.f32 v20, v34;
	v21 =	vadd.f32 v21, v23;
	v23 =	vshll.u32 v27, $0x10  }
0xad: {  	v27 =	vand.u32 $0xFFFF0000, v27;
	v59 =	vadd.s32 $0x2, v3;
	v46 =	vmul.f32 v47, v46  }
0xae: {  	v60 =	vadd.s32 $0x2, v12;
	v15 =	vmul.f32 v15, v26;
	v47 =	vmul.f32 v63, v61  }
0xaf: {  	v54 =	vld.idx.msk [tilespmem:v12+s3+$0x0], $0xffff;
	v12 =	vadd.s32 $0x3, v12;
	v23 =	vmul.f32 v23, v53;
	v27 =	vmul.f32 v27, v28  }
0xb0: {  	v30 =	vld.idx.msk [tilespmem:v8+s3+$0x0], $0xffff;
	v28 =	vadd.s32 $0x2, v6;
	v25 =	vadd.f32 v29, v25;
	v29 =	vshll.u32 v31, $0x10  }
0xb1: {  	v11 =	vld.idx.msk [tilespmem:v11+s3+$0x0], $0xffff;
	v24 =	vadd.f32 v42, v24;
	v31 =	vand.u32 $0xFFFF0000, v31;
	v50 =	vshll.u32 v17, $0x10  }
0xb2: {  	v26 =	vld.idx.msk [tilespmem:v6+s3+$0x0], $0xffff;
	v17 =	vand.u32 $0xFFFF0000, v17;
	v41 =	vadd.f32 v41, v45;
	v20 =	vadd.f32 v20, v22  }
0xb3: {  	v22 =	vadd.s32 $0x3, v9;
	v36 =	vmul.f32 v56, v50;
	v17 =	vmul.f32 v33, v17  }
0xb4: {  	v33 =	vand.u32 $0xFFFF0000, v52;
	v44 =	vand.u32 $0xFFFF0000, v54;
	v52 =	vadd.s32 $0x2, v5  }
0xb5: {  	v32 =	vld.idx.msk [tilespmem:v32+s3+$0x0], $0xffff;
	v15 =	vadd.f32 v15, v46;
	v35 =	vadd.f32 v35, v47;
	v57 =	vshll.u32 v30, $0x10  }
0xb6: {  	v56 =	vld.idx.msk [tilespmem:v10+s3+$0x0], $0xffff;
	v30 =	vand.u32 $0xFFFF0000, v30;
	v16 =	vmul.f32 v33, v49;
	v17 =	vadd.f32 v17, v36  }
0xb7: {  	v36 =	vld.idx.msk [tilespmem:v60+s3+$0x0], $0xffff;
	v60 =	vadd.s32 $0x3, v5;
	v5 =	vshll.u32 v11, $0x10;
	v58 =	vshll.u32 v26, $0x10  }
0xb8: {  	v33 =	vld.idx.msk [tilespmem:v62+s3+$0x0], $0xffff;
	v26 =	vand.u32 $0xFFFF0000, v26;
	v16 =	vadd.f32 v16, v43;
	v39 =	vmul.f32 v58, v57  }
0xb9: {  	v37 =	vld.idx.msk [tilespmem:v55+s3+$0x0], $0xffff;
	v26 =	vmul.f32 v26, v30;
	v30 =	vshll.u32 v54, $0x10;
	v54 =	vadd.s32 $0x2, v0  }
0xba: {  	v46 =	vld.idx.msk [tilespmem:v59+s3+$0x0], $0xffff;
	v57 =	vshll.u32 v32, $0x10;
	v58 =	vadd.s32 $0x2, v2;
	v32 =	vand.u32 $0xFFFF0000, v32  }
0xbb: {  	v61 =	vshll.u32 v56, $0x10;
	v63 =	vand.u32 $0xFFFF0000, v56;
	v29 =	vmul.f32 v57, v29  }
0xbc: {  	v28 =	vld.idx.msk [tilespmem:v28+s3+$0x0], $0xffff;
	v56 =	vadd.s32 $0x2, v8;
	v31 =	vmul.f32 v32, v31;
	v30 =	vmul.f32 v61, v30  }
0xbd: {  	v48 =	vld.idx.msk [tilespmem:v52+s3+$0x0], $0xffff;
	v44 =	vmul.f32 v63, v44;
	v61 =	vadd.s32 $0x2, v10;
	v62 =	vshll.u32 v33, $0x10  }
0xbe: {  	v55 =	vld.idx.msk [tilespmem:v1+s3+$0x0], $0xffff;
	v33 =	vand.u32 $0xFFFF0000, v33;
	v52 =	vshll.u32 v37, $0x10;
	v26 =	vadd.f32 v26, v39  }
0xbf: {  	v37 =	vand.u32 $0xFFFF0000, v37;
	v57 =	vand.u32 $0xFFFF0000, v46;
	v29 =	vadd.f32 v31, v29;
	v34 =	vld.idx.msk [tilespmem:v54+s3+$0x0], $0xffff  }
0xc0: {  	v30 =	vadd.f32 v44, v30;
	v9 =	vadd.f32 v25, v26;
	v25 =	vadd.s32 $0x3, v3;
	v38 =	vld.idx.msk [tilespmem:v58+s3+$0x0], $0xffff  }
0xc1: {  	v26 =	vadd.s32 $0x3, v10;
	v54 =	vshll.u32 v28, $0x10;
	v28 =	vand.u32 $0xFFFF0000, v28  }
0xc2: {  	v40 =	vld.idx.msk [tilespmem:v56+s3+$0x0], $0xffff;
	v63 =	vshll.u32 v48, $0x10;
	v48 =	vand.u32 $0xFFFF0000, v48;
	v56 =	vshll.u32 v46, $0x10  }
0xc3: {  	v32 =	vmul.f32 v63, v62;
	v33 =	vmul.f32 v48, v33;
	v42 =	vld.idx.msk [tilespmem:v61+s3+$0x0], $0xffff;
	v62 =	vadd.f32 v21, v24  }
0xc4: {  	v61 =	vld.idx.msk [tilespmem:v7+s3+$0x0], $0xffff;
	v21 =	vadd.s32 $0x3, v0;
	v0 =	vand.u32 $0xFFFF0000, v55;
	v7 =	vadd.f32 v19, v35  }
0xc5: {  	v51 =	vshll.u32 v34, $0x10;
	v34 =	vand.u32 $0xFFFF0000, v34;
	v1 =	vshll.u32 v38, $0x10  }
0xc6: {  	v13 =	vld.idx.msk [tilespmem:v13+s3+$0x0], $0xffff;
	v38 =	vand.u32 $0xFFFF0000, v38;
	v45 =	vmul.f32 v52, v51;
	v34 =	vmul.f32 v37, v34  }
0xc7: {  	v53 =	vshll.u32 v40, $0x10;
	v40 =	vand.u32 $0xFFFF0000, v40;
	v39 =	vmul.f32 v56, v1  }
0xc8: {  	v1 =	vshll.u32 v36, $0x10;
	v28 =	vmul.f32 v28, v40;
	v58 =	vshll.u32 v42, $0x10  }
0xc9: {  	v59 =	vand.u32 $0xFFFF0000, v42;
	v40 =	vmul.f32 v58, v1;
	v1 =	vand.u32 $0xFFFF0000, v36  }
0xca: {  	v19 =	vld.idx.msk [tilespmem:v4+s3+$0x0], $0xffff;
	v38 =	vmul.f32 v57, v38;
	v36 =	vmul.f32 v59, v1;
	v1 =	vshll.u32 v55, $0x10  }
0xcb: {  	v4 =	vshll.u32 v13, $0x10;
	v24 =	vld.idx.msk [tilespmem:v60+s3+$0x0], $0xffff;
	v37 =	vmul.f32 v54, v53;
	v1 =	vmul.f32 v5, v1  }
0xcc: {  	v5 =	vand.u32 $0xFFFF0000, v11;
	v11 =	vadd.s32 $0x3, v8;
	v8 =	vshll.u32 v61, $0x10  }
0xcd: {  	v31 =	vld.idx.msk [tilespmem:v26+s3+$0x0], $0xffff;
	v0 =	vmul.f32 v5, v0;
	v5 =	vadd.f32 v18, v41;
	v4 =	vmul.f32 v8, v4  }
0xce: {  	v18 =	vadd.s32 $0x3, v6;
	v8 =	vand.u32 $0xFFFF0000, v13;
	v13 =	vand.u32 $0xFFFF0000, v61  }
0xcf: {  	v6 =	vadd.f32 v15, v16;
	v15 =	vld.idx.msk [tilespmem:v21+s3+$0x0], $0xffff;
	v8 =	vmul.f32 v13, v8;
	v13 =	vadd.s32 $0x3, v2  }
0xd0: {  	v3 =	vshll.u32 v19, $0x10;
	v10 =	vshll.u32 v24, $0x10;
	v16 =	vadd.f32 v27, v23;
	v21 =	vld.idx.msk [tilespmem:v22+s3+$0x0], $0xffff  }
0xd1: {  	s18 =	sadd.s32 s10, s16;
	v3 =	vmul.f32 v10, v3;
	v22 =	vadd.f32 v34, v45;
	v2 =	vadd.f32 v17, v30;
	v30 =	vld.idx.msk [tilespmem:v12+s3+$0x0], $0xffff  }
0xd2: {  	s16 =	smulhi.u32 $0x10624DD3, s18;
	v26 =	vshll.u32 v31, $0x10;
	v23 =	vadd.f32 v28, v37;
	v27 =	vadd.f32 v36, v40;
	v63 =	vld.idx.msk [tilespmem:v11+s3+$0x0], $0xffff  }
0xd3: {  	v17 =	vadd.f32 v33, v32;
	v11 =	vand.u32 $0xFFFF0000, v19;
	v19 =	vand.u32 $0xFFFF0000, v24;
	v18 =	vld.idx.msk [tilespmem:v18+s3+$0x0], $0xffff  }
0xd4: {  	s16 =	sshrl.u32 s16, $0x3;
	v24 =	vadd.f32 v38, v39;
	v10 =	vmul.f32 v19, v11;
	v11 =	vshll.u32 v15, $0x10;
	v19 =	vld.idx.msk [tilespmem:v13+s3+$0x0], $0xffff  }
0xd5: {  	s20 =	smul.u32 $0x7D, s16;
	s16 =	sadd.s32 $0xEBC0, s17;
	v28 =	vld.idx.msk [tilespmem:v25+s3+$0x0], $0xffff;
	v12 =	vand.u32 $0xFFFF0000, v15;
	v15 =	vand.u32 $0xFFFF0000, v21;
	v13 =	vshll.u32 v21, $0x10  }
0xd6: {  	[tilespmem:s16+$0x30] =	vst v14;
	v21 =	vmul.f32 v15, v12;
	v15 =	vadd.f32 v29, v62;
	v14 =	vand.u32 $0xFFFF0000, v30  }
0xd7: {  	v11 =	vmul.f32 v13, v11;
	v13 =	vadd.f32 v16, v20;
	v25 =	vshll.u32 v63, $0x10  }
0xd8: {  	v12 =	vand.u32 $0xFFFF0000, v63;
	v16 =	vshll.u32 v18, $0x10;
	v18 =	vand.u32 $0xFFFF0000, v18  }
0xd9: {  	v16 =	vmul.f32 v16, v25;
	v20 =	vshll.u32 v19, $0x10;
	v25 =	vmul.f32 v18, v12  }
0xda: {  	v18 =	vshll.u32 v28, $0x10;
	v12 =	vand.u32 $0xFFFF0000, v19;
	v19 =	vand.u32 $0xFFFF0000, v28  }
0xdb: {  	s17 =	ssub.s32 s18, s20;
	s18 =	simm.s32 $0x0;
	s19 =	sadd.s32 $0x80, s19;
	v28 =	vmul.f32 v18, v20;
	v18 =	vshll.u32 v30, $0x10;
	v20 =	vand.u32 $0xFFFF0000, v31  }
.LBB2_10:
0xdc: {  	v29 =	vld [tilespmem:s19+$0x30];
	s15 =	sadd.s32 $0x80, s15  }
0xdd: {  	v17 =	vadd.f32 v17, v7;
	v7 =	vmul.f32 v19, v12;
	v19 =	vld [tilespmem:s15+$0x30]  }
0xde: {  	v12 =	vld [tilespmem:s15+$0xFFFFFFC0]  }
0xdf: {  	v18 =	vmul.f32 v26, v18;
	v26 =	vadd.f32 v22, v5;
	v22 =	vld [tilespmem:s19+$0xFFFFFFD0]  }
0xe0: {  	v0 =	vadd.f32 v0, v1;
	v30 =	vadd.f32 v23, v9;
	v1 =	vld [tilespmem:s15+$0xFFFFFFD0]  }
0xe1: {  	v5 =	vmul.f32 v20, v14;
	v14 =	vadd.f32 v24, v6;
	v24 =	vadd.f32 v27, v2;
	v20 =	vld [tilespmem:s19+$0xFFFFFFE0]  }
0xe2: {  	v32 =	vadd.f32 v21, v11;
	v16 =	vadd.f32 v25, v16;
	v21 =	vld [tilespmem:s15+$0xFFFFFFE0]  }
0xe3: {  	v27 =	vadd.f32 v8, v4;
	v31 =	vadd.f32 v10, v3;
	v23 =	vld [tilespmem:s19+$0xFFFFFFF0]  }
0xe4: {  	v0 =	vadd.f32 v0, v13;
	v16 =	vadd.f32 v16, v30;
	v30 =	vld [tilespmem:s15+$0xFFFFFFF0]  }
0xe5: {  	v15 =	vadd.f32 v27, v15;
	v17 =	vadd.f32 v31, v17;
	v31 =	vld [tilespmem:s19+$0x0]  }
0xe6: {  	v26 =	vadd.f32 v32, v26;
	v32 =	vld [tilespmem:s15+$0x0];
	[tilespmem:s16+$0xFFFFFFC0] =	vst v0;
	v2 =	vadd.s32 $0x3, v29  }
0xe7: {  	v25 =	vadd.f32 v7, v28;
	[tilespmem:s16+$0xFFFFFFD0] =	vst v15;
	v4 =	vadd.s32 $0x2, v12;
	v34 =	vld.idx.msk [tilespmem:v29+s3+$0x0], $0xffff  }
0xe8: {  	v18 =	vadd.f32 v5, v18;
	v3 =	vadd.s32 $0x3, v19;
	v0 =	vadd.s32 $0x2, v20;
	[tilespmem:$0x1FEF0] =	vst v4;
	v35 =	vld.idx.msk [tilespmem:v19+s3+$0x0], $0xffff  }
0xe9: {  	v28 =	vadd.s32 $0x1, v12;
	v36 =	vadd.s32 $0x1, v19;
	[tilespmem:$0x1FF10] =	vst v0;
	v0 =	vadd.s32 $0x3, v12;
	v52 =	vld.idx.msk [tilespmem:v12+s3+$0x0], $0xffff  }
0xea: {  	v33 =	vadd.s32 $0x1, v22;
	v5 =	vadd.s32 $0x2, v22;
	[tilespmem:$0x1FF30] =	vst v0;
	v0 =	vadd.s32 $0x3, v22;
	v22 =	vld.idx.msk [tilespmem:v22+s3+$0x0], $0xffff  }
0xeb: {  	v38 =	vadd.s32 $0x1, v1;
	v4 =	vadd.s32 $0x2, v29;
	[tilespmem:$0x1FF40] =	vst v0;
	v0 =	vadd.s32 $0x2, v23;
	v40 =	vld.idx.msk [tilespmem:v2+s3+$0x0], $0xffff  }
0xec: {  	v10 =	vadd.s32 $0x2, v1;
	v29 =	vadd.s32 $0x1, v29;
	[tilespmem:$0x1FF20] =	vst v0;
	v0 =	vadd.s32 $0x3, v1;
	v1 =	vld.idx.msk [tilespmem:v1+s3+$0x0], $0xffff  }
0xed: {  	v42 =	vld.idx.msk [tilespmem:v3+s3+$0x0], $0xffff  }
0xee: {  	v19 =	vadd.s32 $0x2, v19;
	v36 =	vld.idx.msk [tilespmem:v36+s3+$0x0], $0xffff  }
0xef: {  	v45 =	vld.idx.msk [tilespmem:v28+s3+$0x0], $0xffff  }
0xf0: {  	v14 =	vadd.f32 v25, v14;
	v15 =	vadd.f32 v18, v24;
	v44 =	vld.idx.msk [tilespmem:v4+s3+$0x0], $0xffff  }
0xf1: {  	v39 =	vadd.s32 $0x1, v20;
	v41 =	vadd.s32 $0x1, v21;
	v13 =	vadd.s32 $0x2, v21;
	v29 =	vld.idx.msk [tilespmem:v29+s3+$0x0], $0xffff  }
0xf2: {  	v43 =	vadd.s32 $0x1, v23;
	v62 =	vld.idx.msk [tilespmem:v33+s3+$0x0], $0xffff;
	v27 =	vshll.u32 v34, $0x10;
	v18 =	vshll.u32 v35, $0x10  }
0xf3: {  	[tilespmem:s16+$0xFFFFFFE0] =	vst v17;
	v24 =	vand.u32 $0xFFFF0000, v34;
	v19 =	vld.idx.msk [tilespmem:v19+s3+$0x0], $0xffff;
	v25 =	vand.u32 $0xFFFF0000, v35;
	v17 =	vmul.f32 v18, v27  }
0xf4: {  	[tilespmem:s16+$0xFFFFFFF0] =	vst v26;
	v63 =	vld.idx.msk [tilespmem:v38+s3+$0x0], $0xffff;
	v18 =	vmul.f32 v25, v24;
	v24 =	vshll.u32 v40, $0x10;
	v27 =	vshll.u32 v42, $0x10  }
0xf5: {  	[tilespmem:s16+$0x0] =	vst v16;
	v34 =	vld [tilespmem:s19+$0x10];
	v16 =	vshll.u32 v36, $0x10;
	v37 =	vand.u32 $0xFFFF0000, v36;
	v26 =	vshll.u32 v44, $0x10  }
0xf6: {  	v36 =	vld [tilespmem:s19+$0x20];
	[tilespmem:s16+$0x20] =	vst v15;
	v15 =	vadd.f32 v18, v17;
	v25 =	vshll.u32 v29, $0x10;
	v29 =	vand.u32 $0xFFFF0000, v29  }
0xf7: {  	v35 =	vld [tilespmem:s15+$0x10];
	[tilespmem:s16+$0x10] =	vst v14;
	v17 =	vand.u32 $0xFFFF0000, v44;
	v14 =	vmul.f32 v16, v25;
	v16 =	vmul.f32 v37, v29  }
0xf8: {  	v44 =	vld [tilespmem:s19+$0xFFFFFFC0];
	v24 =	vmul.f32 v27, v24;
	v25 =	vshll.u32 v19, $0x10;
	v18 =	vand.u32 $0xFFFF0000, v19  }
0xf9: {  	v39 =	vld.idx.msk [tilespmem:v39+s3+$0x0], $0xffff;
	v17 =	vmul.f32 v18, v17;
	v14 =	vadd.f32 v16, v14;
	v16 =	vmul.f32 v25, v26  }
0xfa: {  	v41 =	vld.idx.msk [tilespmem:v41+s3+$0x0], $0xffff;
	v47 =	vadd.s32 $0x1, v34;
	v19 =	vand.u32 $0xFFFF0000, v42;
	v18 =	vand.u32 $0xFFFF0000, v40  }
0xfb: {  	v43 =	vld.idx.msk [tilespmem:v43+s3+$0x0], $0xffff;
	v14 =	vadd.f32 v14, v15;
	v15 =	vadd.f32 v17, v16;
	v16 =	vmul.f32 v19, v18  }
0xfc: {  	[tilespmem:$0x1FF50] =	vst v0;
	v0 =	vadd.s32 $0x3, v20;
	v20 =	vld.idx.msk [tilespmem:v20+s3+$0x0], $0xffff;
	v48 =	vadd.s32 $0x1, v35  }
0xfd: {  	v10 =	vld.idx.msk [tilespmem:v10+s3+$0x0], $0xffff;
	v14 =	vadd.f32 v15, v14;
	v15 =	vadd.f32 v16, v24;
	v16 =	vadd.s32 $0x1, v44  }
0xfe: {  	[tilespmem:$0x1FF00] =	vst v5;
	v13 =	vld.idx.msk [tilespmem:v13+s3+$0x0], $0xffff  }
0xff: {  	v46 =	vadd.s32 $0x1, v32;
	[tilespmem:$0x1FF60] =	vst v0;
	v0 =	vadd.s32 $0x3, v21;
	v37 =	vld [tilespmem:s15+$0x20]  }
0x100: {  	[tilespmem:$0x1FF70] =	vst v0;
	v0 =	vadd.s32 $0x3, v23;
	v47 =	vld.idx.msk [tilespmem:v47+s3+$0x0], $0xffff  }
0x101: {  	v38 =	vadd.s32 $0x2, v30;
	v33 =	vadd.s32 $0x2, v31;
	[tilespmem:$0x1FF80] =	vst v0;
	v0 =	vadd.s32 $0x3, v32;
	v48 =	vld.idx.msk [tilespmem:v48+s3+$0x0], $0xffff  }
0x102: {  	v11 =	vshll.u32 v52, $0x10;
	v52 =	vand.u32 $0xFFFF0000, v52;
	[tilespmem:$0x1FF90] =	vst v0;
	v0 =	vadd.s32 $0x3, v34;
	v55 =	vld.idx.msk [tilespmem:v16+s3+$0x0], $0xffff  }
0x103: {  	v21 =	vld.idx.msk [tilespmem:v21+s3+$0x0], $0xffff;
	v5 =	vand.u32 $0xFFFF0000, v1;
	v56 =	vshll.u32 v45, $0x10;
	[tilespmem:$0x1FFA0] =	vst v0;
	v0 =	vadd.s32 $0x3, v35  }
0x104: {  	v46 =	vld.idx.msk [tilespmem:v46+s3+$0x0], $0xffff;
	v45 =	vand.u32 $0xFFFF0000, v45;
	v57 =	vshll.u32 v62, $0x10;
	[tilespmem:$0x1FFB0] =	vst v0;
	v0 =	vadd.s32 $0x3, v36  }
0x105: {  	v23 =	vld.idx.msk [tilespmem:v23+s3+$0x0], $0xffff;
	v58 =	vshll.u32 v63, $0x10;
	v59 =	vshll.u32 v39, $0x10;
	[tilespmem:$0x1FFC0] =	vst v0;
	v0 =	vadd.s32 $0x3, v37  }
0x106: {  	v38 =	vld.idx.msk [tilespmem:v38+s3+$0x0], $0xffff;
	v17 =	vadd.s32 $0x1, v30;
	[tilespmem:$0x1FFD0] =	vst v0;
	v8 =	vshll.u32 v47, $0x10;
	v0 =	vshll.u32 v48, $0x10  }
0x107: {  	v42 =	vand.u32 $0xFFFF0000, v63;
	v16 =	vmul.f32 v0, v8;
	v0 =	vld [tilespmem:$0x1FF10];
	v63 =	vshll.u32 v55, $0x10  }
0x108: {  	v19 =	vadd.s32 $0x1, v31;
	v55 =	vand.u32 $0xFFFF0000, v55;
	v56 =	vmul.f32 v56, v63;
	v63 =	vld.idx.msk [tilespmem:v30+s3+$0x0], $0xffff  }
0x109: {  	v18 =	vadd.s32 $0x3, v30;
	v30 =	vmul.f32 v45, v55;
	v55 =	vshll.u32 v1, $0x10;
	v1 =	vld [tilespmem:$0x1FEF0]  }
0x10a: {  	v60 =	vshll.u32 v41, $0x10;
	v39 =	vand.u32 $0xFFFF0000, v39;
	v29 =	vadd.s32 $0x2, v32;
	v32 =	vld.idx.msk [tilespmem:v32+s3+$0x0], $0xffff  }
0x10b: {  	v41 =	vand.u32 $0xFFFF0000, v41;
	v61 =	vshll.u32 v43, $0x10;
	v43 =	vand.u32 $0xFFFF0000, v43;
	v53 =	vld.idx.msk [tilespmem:v17+s3+$0x0], $0xffff  }
0x10c: {  	v57 =	vmul.f32 v58, v57;
	v49 =	vadd.s32 $0x1, v36;
	v25 =	vadd.s32 $0x2, v36;
	v36 =	vld.idx.msk [tilespmem:v36+s3+$0x0], $0xffff  }
0x10d: {  	v58 =	vshll.u32 v21, $0x10;
	v51 =	vadd.s32 $0x1, v37;
	v26 =	vadd.s32 $0x2, v37;
	v37 =	vld.idx.msk [tilespmem:v37+s3+$0x0], $0xffff  }
0x10e: {  	v21 =	vand.u32 $0xFFFF0000, v21;
	v59 =	vmul.f32 v60, v59;
	v39 =	vmul.f32 v41, v39;
	v54 =	vld.idx.msk [tilespmem:v19+s3+$0x0], $0xffff  }
0x10f: {  	v28 =	vadd.s32 $0x2, v34;
	v3 =	vshll.u32 v46, $0x10;
	v19 =	vadd.s32 $0x3, v31;
	v31 =	vld.idx.msk [tilespmem:v31+s3+$0x0], $0xffff  }
0x110: {  	v46 =	vand.u32 $0xFFFF0000, v46;
	v40 =	vand.u32 $0xFFFF0000, v62;
	v62 =	vshll.u32 v53, $0x10;
	v8 =	vld.idx.msk [tilespmem:v0+s3+$0x0], $0xffff  }
0x111: {  	v47 =	vand.u32 $0xFFFF0000, v47;
	v48 =	vand.u32 $0xFFFF0000, v48;
	v61 =	vmul.f32 v62, v61;
	v62 =	vld.idx.msk [tilespmem:v1+s3+$0x0], $0xffff  }
0x112: {  	v47 =	vmul.f32 v48, v47;
	v48 =	vshll.u32 v36, $0x10;
	v0 =	vshll.u32 v37, $0x10;
	v1 =	vld [tilespmem:$0x1FF00]  }
0x113: {  	v41 =	vshll.u32 v23, $0x10;
	v50 =	vadd.s32 $0x2, v44;
	v12 =	vmul.f32 v0, v48;
	v0 =	vld [tilespmem:$0x1FF30]  }
0x114: {  	v27 =	vadd.s32 $0x2, v35;
	v40 =	vmul.f32 v42, v40;
	v42 =	vshll.u32 v20, $0x10;
	v34 =	vld.idx.msk [tilespmem:v34+s3+$0x0], $0xffff  }
0x115: {  	v35 =	vld.idx.msk [tilespmem:v35+s3+$0x0], $0xffff;
	v2 =	vshll.u32 v32, $0x10;
	v32 =	vand.u32 $0xFFFF0000, v32;
	v24 =	vadd.s32 $0x3, v44  }
0x116: {  	v44 =	vld.idx.msk [tilespmem:v44+s3+$0x0], $0xffff;
	v36 =	vand.u32 $0xFFFF0000, v36;
	v53 =	vand.u32 $0xFFFF0000, v53;
	v4 =	vshll.u32 v54, $0x10  }
0x117: {  	v49 =	vld.idx.msk [tilespmem:v49+s3+$0x0], $0xffff;
	v54 =	vand.u32 $0xFFFF0000, v54;
	v43 =	vmul.f32 v53, v43;
	v53 =	vshll.u32 v31, $0x10  }
0x118: {  	v50 =	vld.idx.msk [tilespmem:v50+s3+$0x0], $0xffff;
	v31 =	vand.u32 $0xFFFF0000, v31;
	v17 =	vmul.f32 v3, v4;
	v46 =	vmul.f32 v46, v54  }
0x119: {  	v51 =	vld.idx.msk [tilespmem:v51+s3+$0x0], $0xffff;
	v54 =	vshll.u32 v34, $0x10;
	v34 =	vand.u32 $0xFFFF0000, v34;
	v31 =	vmul.f32 v32, v31  }
0x11a: {  	v37 =	vand.u32 $0xFFFF0000, v37;
	v4 =	vld.idx.msk [tilespmem:v1+s3+$0x0], $0xffff;
	v1 =	vshll.u32 v35, $0x10;
	v35 =	vand.u32 $0xFFFF0000, v35  }
0x11b: {  	v20 =	vand.u32 $0xFFFF0000, v20;
	v32 =	vmul.f32 v35, v34;
	v35 =	vmul.f32 v37, v36;
	v37 =	vld.idx.msk [tilespmem:v0+s3+$0x0], $0xffff  }
0x11c: {  	v23 =	vand.u32 $0xFFFF0000, v23;
	v20 =	vmul.f32 v21, v20;
	v14 =	vadd.f32 v15, v14;
	v0 =	vld [tilespmem:$0x1FF40]  }
0x11d: {  	s16 =	sadd.s32 $0x80, s16;
	v40 =	vadd.f32 v40, v57;
	v25 =	vld.idx.msk [tilespmem:v25+s3+$0x0], $0xffff;
	v6 =	vshll.u32 v44, $0x10;
	v44 =	vand.u32 $0xFFFF0000, v44  }
0x11e: {  	[tilespmem:s16+$0x30] =	vst v14;
	v9 =	vshll.u32 v49, $0x10;
	v49 =	vand.u32 $0xFFFF0000, v49;
	v14 =	vmul.f32 v11, v6;
	v3 =	vld [tilespmem:$0x1FF20]  }
0x11f: {  	v33 =	vld.idx.msk [tilespmem:v33+s3+$0x0], $0xffff;
	v44 =	vmul.f32 v52, v44;
	v52 =	vshll.u32 v10, $0x10;
	v10 =	vand.u32 $0xFFFF0000, v10  }
0x120: {  	v28 =	vld.idx.msk [tilespmem:v28+s3+$0x0], $0xffff;
	v16 =	vadd.f32 v47, v16;
	v7 =	vshll.u32 v51, $0x10;
	v51 =	vand.u32 $0xFFFF0000, v51  }
0x121: {  	v29 =	vld.idx.msk [tilespmem:v29+s3+$0x0], $0xffff;
	v15 =	vmul.f32 v7, v9;
	v9 =	vshll.u32 v50, $0x10;
	v49 =	vmul.f32 v51, v49  }
0x122: {  	v27 =	vld.idx.msk [tilespmem:v27+s3+$0x0], $0xffff;
	v50 =	vand.u32 $0xFFFF0000, v50;
	v7 =	vmul.f32 v2, v53;
	v53 =	vshll.u32 v38, $0x10  }
0x123: {  	v38 =	vand.u32 $0xFFFF0000, v38;
	v2 =	vshll.u32 v25, $0x10;
	v30 =	vadd.f32 v30, v56;
	v56 =	vld [tilespmem:$0x1FF80]  }
0x124: {  	v25 =	vand.u32 $0xFFFF0000, v25;
	v45 =	vshll.u32 v22, $0x10;
	v6 =	vmul.f32 v1, v54;
	v54 =	vld.idx.msk [tilespmem:v0+s3+$0x0], $0xffff  }
0x125: {  	v22 =	vand.u32 $0xFFFF0000, v22;
	v17 =	vadd.f32 v46, v17;
	v45 =	vmul.f32 v55, v45;
	v0 =	vld [tilespmem:$0x1FF50]  }
0x126: {  	v5 =	vmul.f32 v5, v22;
	v22 =	vmul.f32 v58, v42;
	v55 =	vshll.u32 v33, $0x10;
	v11 =	vld.idx.msk [tilespmem:v3+s3+$0x0], $0xffff  }
0x127: {  	v18 =	vld.idx.msk [tilespmem:v18+s3+$0x0], $0xffff;
	v58 =	vshll.u32 v29, $0x10;
	v33 =	vand.u32 $0xFFFF0000, v33;
	v29 =	vand.u32 $0xFFFF0000, v29  }
0x128: {  	v26 =	vld.idx.msk [tilespmem:v26+s3+$0x0], $0xffff;
	v15 =	vadd.f32 v49, v15;
	v31 =	vadd.f32 v31, v7;
	v60 =	vshll.u32 v63, $0x10  }
0x129: {  	v7 =	vld [tilespmem:$0x1FFC0];
	v29 =	vmul.f32 v29, v33;
	v63 =	vand.u32 $0xFFFF0000, v63;
	v21 =	vmul.f32 v60, v41  }
0x12a: {  	v24 =	vld.idx.msk [tilespmem:v24+s3+$0x0], $0xffff;
	v23 =	vmul.f32 v63, v23;
	v3 =	vshll.u32 v27, $0x10;
	v51 =	vshll.u32 v62, $0x10  }
0x12b: {  	v56 =	vld.idx.msk [tilespmem:v56+s3+$0x0], $0xffff;
	v48 =	vshll.u32 v11, $0x10;
	v51 =	vmul.f32 v51, v9;
	v9 =	vadd.f32 v39, v59  }
0x12c: {  	v11 =	vand.u32 $0xFFFF0000, v11;
	v39 =	vadd.f32 v43, v61;
	v43 =	vadd.f32 v44, v14;
	v14 =	vld [tilespmem:$0x1FF90]  }
0x12d: {  	v27 =	vand.u32 $0xFFFF0000, v27;
	v11 =	vmul.f32 v38, v11;
	v42 =	vand.u32 $0xFFFF0000, v62;
	v60 =	vld.idx.msk [tilespmem:v0+s3+$0x0], $0xffff  }
0x12e: {  	v62 =	vshll.u32 v28, $0x10;
	v28 =	vand.u32 $0xFFFF0000, v28;
	v42 =	vmul.f32 v42, v50;
	v0 =	vld [tilespmem:$0x1FF60]  }
0x12f: {  	v5 =	vadd.f32 v5, v45;
	v33 =	vmul.f32 v3, v62;
	v27 =	vmul.f32 v27, v28  }
0x130: {  	v59 =	vld [tilespmem:$0x1FFD0];
	v28 =	vshll.u32 v24, $0x10;
	v50 =	vshll.u32 v18, $0x10;
	v49 =	vshll.u32 v56, $0x10  }
0x131: {  	v7 =	vld.idx.msk [tilespmem:v7+s3+$0x0], $0xffff;
	v34 =	vshll.u32 v8, $0x10;
	v41 =	vshll.u32 v4, $0x10;
	v4 =	vand.u32 $0xFFFF0000, v4  }
0x132: {  	v36 =	vshll.u32 v13, $0x10;
	v10 =	vmul.f32 v10, v4;
	v4 =	vadd.f32 v20, v22;
	v20 =	vld [tilespmem:$0x1FFA0]  }
0x133: {  	v8 =	vand.u32 $0xFFFF0000, v8;
	v13 =	vand.u32 $0xFFFF0000, v13;
	v1 =	vshll.u32 v26, $0x10  }
0x134: {  	v26 =	vand.u32 $0xFFFF0000, v26;
	v13 =	vmul.f32 v13, v8;
	v8 =	vadd.f32 v23, v21;
	v21 =	vld [tilespmem:$0x1FFB0]  }
0x135: {  	v23 =	vmul.f32 v53, v48;
	v25 =	vmul.f32 v26, v25;
	v6 =	vadd.f32 v32, v6;
	v14 =	vld.idx.msk [tilespmem:v14+s3+$0x0], $0xffff  }
0x136: {  	v53 =	vand.u32 $0xFFFF0000, v18;
	v18 =	vshll.u32 v7, $0x10;
	v3 =	vadd.f32 v35, v12;
	v63 =	vld.idx.msk [tilespmem:v0+s3+$0x0], $0xffff  }
0x137: {  	v35 =	vmul.f32 v1, v2;
	v2 =	vand.u32 $0xFFFF0000, v24;
	v6 =	vadd.f32 v16, v6;
	v0 =	vld [tilespmem:$0x1FF70]  }
0x138: {  	v16 =	vadd.f32 v42, v51;
	v41 =	vmul.f32 v52, v41;
	v22 =	vmul.f32 v36, v34;
	v32 =	vld.idx.msk [tilespmem:v59+s3+$0x0], $0xffff  }
0x139: {  	v19 =	vld.idx.msk [tilespmem:v19+s3+$0x0], $0xffff;
	v34 =	vmul.f32 v58, v55;
	v1 =	vshll.u32 v37, $0x10;
	v24 =	vand.u32 $0xFFFF0000, v37  }
0x13a: {  	v52 =	vand.u32 $0xFFFF0000, v56;
	v1 =	vmul.f32 v1, v28;
	v28 =	vadd.f32 v40, v5;
	v20 =	vld.idx.msk [tilespmem:v20+s3+$0x0], $0xffff  }
0x13b: {  	v5 =	vadd.f32 v39, v8;
	v55 =	vshll.u32 v14, $0x10;
	v61 =	vand.u32 $0xFFFF0000, v14  }
0x13c: {  	v21 =	vld.idx.msk [tilespmem:v21+s3+$0x0], $0xffff;
	v14 =	vand.u32 $0xFFFF0000, v7;
	v7 =	vadd.f32 v9, v4;
	v9 =	vadd.f32 v17, v31  }
0x13d: {  	v26 =	vshll.u32 v32, $0x10;
	v17 =	vadd.f32 v13, v22;
	v22 =	vadd.f32 v11, v23  }
0x13e: {  	v23 =	vadd.f32 v29, v34;
	v11 =	vmul.f32 v50, v49;
	v36 =	vshll.u32 v54, $0x10  }
0x13f: {  	v38 =	vand.u32 $0xFFFF0000, v54;
	v54 =	vshll.u32 v19, $0x10;
	v62 =	vshll.u32 v20, $0x10;
	v0 =	vld.idx.msk [tilespmem:v0+s3+$0x0], $0xffff  }
0x140: {  	v12 =	vand.u32 $0xFFFF0000, v20;
	v37 =	vshll.u32 v60, $0x10;
	v44 =	vand.u32 $0xFFFF0000, v60  }
0x141: {  	v60 =	vand.u32 $0xFFFF0000, v19;
	v19 =	vand.u32 $0xFFFF0000, v21;
	v45 =	vshll.u32 v63, $0x10  }
0x142: {  	s18 =	sadd.s32 $0x8, s18;
	v47 =	vand.u32 $0xFFFF0000, v63;
	v63 =	vshll.u32 v21, $0x10;
	v21 =	vadd.f32 v30, v43  }
0x143: {  	p2 =	slt.u32 s18, $0x98;
	v20 =	vand.u32 $0xFFFF0000, v32;
	v4 =	vmul.f32 v37, v36;
	v8 =	vmul.f32 v44, v38  }
.Ltmp5:
0x144: {  	v13 =	vadd.f32 v16, v21;
	v21 =	vmul.f32 v53, v52;
	v46 =	vshll.u32 v0, $0x10;
	(pc) =	sbr.rel @p2 .LBB2_10-.Ltmp5, $4  }
0x145: {  	v48 =	vand.u32 $0xFFFF0000, v0;
	v0 =	vmul.f32 v24, v2;
	v2 =	vadd.f32 v15, v3  }
0x146: {  	v16 =	vmul.f32 v55, v54;
	v15 =	vadd.f32 v10, v41;
	v24 =	vadd.f32 v27, v33  }
0x147: {  	v27 =	vadd.f32 v25, v35;
	v25 =	vmul.f32 v61, v60;
	v3 =	vmul.f32 v46, v45  }
0x148: {  	s19 =	sadd.s32 $0x80, s19;
	v10 =	vmul.f32 v48, v47;
	v15 =	vadd.f32 v15, v28;
	v28 =	vmul.f32 v63, v62  }
0x149: {  	v7 =	vadd.f32 v17, v7  }
0x14a: {  	v5 =	vadd.f32 v22, v5;
	v9 =	vadd.f32 v23, v9  }
0x14b: {  	v6 =	vadd.f32 v24, v6;
	v0 =	vadd.f32 v0, v1  }
0x14c: {  	v50 =	vadd.f32 v27, v2;
	v51 =	vadd.f32 v8, v4  }
0x14d: {  	v52 =	vmul.f32 v19, v12;
	v54 =	vadd.f32 v21, v11;
	v0 =	vadd.f32 v0, v13  }
0x14e: {  	v53 =	vmul.f32 v26, v18;
	v56 =	vadd.f32 v25, v16;
	v2 =	vadd.f32 v51, v15  }
0x14f: {  	v55 =	vmul.f32 v20, v14;
	v3 =	vadd.f32 v10, v3;
	v59 =	vadd.f32 v54, v5;
	[tilespmem:s16+$0xFFFFFFC0] =	vst v0  }
0x150: {  	v58 =	vadd.f32 v52, v28;
	v61 =	vadd.f32 v56, v9;
	[tilespmem:s16+$0xFFFFFFD0] =	vst v2  }
0x151: {  	v60 =	vadd.f32 v55, v53;
	v57 =	vadd.f32 v3, v7;
	[tilespmem:s16+$0xFFFFFFF0] =	vst v59  }
0x152: {  	v62 =	vadd.f32 v58, v6;
	[tilespmem:s16+$0x0] =	vst v61  }
0x153: {  	s15 =	smul.u32 $0x14, s17;
	v1 =	vadd.f32 v60, v50;
	[tilespmem:s16+$0xFFFFFFE0] =	vst v57  }
0x154: {  	v63 =	vlaneseq.u32;
	[tilespmem:s16+$0x10] =	vst v62  }
0x155: {  	v0 =	vadd.s32 s15, v63;
	s15 =	sadd.s32 $0x4, s15;
	[tilespmem:s16+$0x20] =	vst v1  }
0x156: {  	v1 =	vadd.s32 s15, v63;
	[tilespmem:$0x10000] =	vst @!p1 v0  }
0x157: {  	s17 =	simm.s32 @!p1 $0xF580;
	s15 =	simm.s32 @!p1 $0x14;
	s16 =	simm.s32 @!p1 $0x10000;
	[tilespmem:$0x10004] =	vst @!p1 v1  }
0x158: {  	[spmem:s1] =	stream.indirect.scatter.add.f32 @!p1 [tilespmem:s17], [sflag:$0x2], $0x80, s16, s15, $0xb8;
	[tilespmem:$0x15D00] =	vst v63  }
0x159: {  	[tilespmem:$0xFF80] =	vst @p1 v0  }
0x15a: {  	s15 =	simm.s32 @p1 $0x14;
	s16 =	simm.s32 @p1 $0xFF80;
	s17 =	simm.s32 @p1 $0xEB80;
	[tilespmem:$0xFF84] =	vst @p1 v1  }
0x15b: {  	[spmem:s1] =	stream.indirect.scatter.add.f32 @p1 [tilespmem:s17], [sflag:$0x1], $0x80, s16, s15, $0xb8;
	[tilespmem:$0x15D00] =	vst v63  }
0x15c: {  	p1 =	sne.s32 s12, $0x7D  }
.Ltmp6:
0x15d: {  	_ = 	snop;
	(pc) =	sbr.rel @p1 .LBB2_2-.Ltmp6, $4  }
.Ltmp7:
0x15e: {  	_ = 	snop;
	(pc) =	sbr.rel @!p1 .LBB2_12-.Ltmp7, $4  }
0x15f: {  	_ = 	snop  }
0x160: {  	v16 =	vld [tilespmem:$0x1FFE0]  }
0x161: {  	p0 =	por !p0, !p0;
	v20 =	vld [tilespmem:$0x1FFF0];
	s16 =	smov.u32 s12  }
0x162: {  	_ = 	snop  }
.LBB2_7:
0x163: {  	_ =	swait.ge [sflag:s25], $0xA00;
	p2 =	slt.u32 s16, $0x2  }
.Ltmp8:
0x164: {  	[sflag:s25] =	ssyncset.done $0x0;
	(pc) =	sbr.rel @p2 .LBB2_9-.Ltmp8, $4  }
.Ltmp9:
0x165: {  	[sflag:s25] =	ssyncadd.s32 $0xFFFFF600;
	(pc) =	sbr.rel @!p2 .LBB2_8-.Ltmp9, $4  }
0x166: {  	_ =	swait.ge [sflag:s25], $0xA00  }
0x167: {  	[sflag:s25] =	ssyncset.done $0x0  }
0x168: {  	p1 =	por $0x0, $0x0;
	s15 =	simm.s32 $0x2;
	[sflag:s25] =	ssyncadd.s32 $0xFFFFF600  }
0x169: {  	_ = 	snop  }
.LBB2_12:
0x16a: {  	_ =	swait.ge [sflag:s30], $0xA00  }
0x16b: {  	[sflag:s30] =	ssyncset.done $0x0  }
0x16c: {  	[sflag:s30] =	ssyncadd.s32 $0xFFFFF600  }
0x16d: {  	_ =	swait.ge [sflag:s0], $0xA00  }
0x16e: {  	[sflag:s0] =	ssyncset.done $0x0  }
0x16f: {  	[sflag:s0] =	ssyncadd.s32 $0xFFFFF600  }
0x170: {  	v0 =	vimm.f32 $0.0e+00;
	s12 =	simm.s32 $0x0;
	s15 =	simm.s32 $0x0;
	[bflag:$0x0] =	sbarrier.arrive $0xFFFF  }
.LBB2_13:
0x171: {  	s16 =	smul.u32 $0x14, s15;
	_ =	sdelay $0x1  }
0x172: {  	s16 =	sadd.s32 s16, s13  }
0x173: {  	s16 =	sshll.u32 s16, $0x7  }
0x174: {  	s16 =	sand.u32 $0x3FFFFF80, s16  }
0x175: {  	[tilespmem:$0x1FCF0] =	vst v0;
	s16 =	sadd.s32 s16, s1  }
0x176: {  	[tilespmem:s24], [sflag:$0x5] =	stream.linear.gather [spmem:s16], $0xA00, $0x38;
	[tilespmem:$0x15D00] =	vst v63  }
0x177: {  	_ =	swait.ge [sflag:s26], $0xA00  }
0x178: {  	[sflag:s26] =	ssyncset.done $0x0  }
0x179: {  	s20 =	simm.s32 $0x10100;
	[sflag:s26] =	ssyncadd.s32 $0xFFFFF600  }
0x17a: {  	v0 =	vld [tilespmem:s20+$0x70]  }
0x17b: {  	v1 =	vld [tilespmem:s20+$0xFFFFFFF0]  }
0x17c: {  	v2 =	vld [tilespmem:s20+$0x60]  }
0x17d: {  	v3 =	vld [tilespmem:s20+$0xFFFFFFE0]  }
0x17e: {  	v4 =	vld [tilespmem:s20+$0x50]  }
0x17f: {  	v6 =	vld [tilespmem:s20+$0x40]  }
0x180: {  	v5 =	vld [tilespmem:s20+$0xFFFFFFD0]  }
0x181: {  	v8 =	vld [tilespmem:s20+$0x30];
	v0 =	vsub.f32 $0.0e+00, v0  }
0x182: {  	v7 =	vld [tilespmem:s20+$0xFFFFFFC0];
	v1 =	vsub.f32 $0.0e+00, v1;
	v2 =	vsub.f32 $0.0e+00, v2  }
0x183: {  	v3 =	vsub.f32 $0.0e+00, v3;
	v4 =	vsub.f32 $0.0e+00, v4;
	v0 =	vmul.f32 $1.442695020e+00, v0  }
0x184: {  	v9 =	vld [tilespmem:s20+$0xFFFFFFB0];
	v6 =	vsub.f32 $0.0e+00, v6;
	v1 =	vmul.f32 $1.442695020e+00, v1;
	v2 =	vmul.f32 $1.442695020e+00, v2  }
0x185: {  	v3 =	vmul.f32 $1.442695020e+00, v3;
	(erf) = vpow2.f32 v0;
	v0 =	vsub.f32 $0.0e+00, v5;
	v5 =	vld [tilespmem:s20+$0x20]  }
0x186: {  	v8 =	vsub.f32 $0.0e+00, v8;
	v4 =	vmul.f32 $1.442695020e+00, v4;
	(erf) = vpow2.f32 v1;
	v1 =	vld [tilespmem:s20+$0xFFFFFFA0]  }
0x187: {  	v6 =	vmul.f32 $1.442695020e+00, v6;
	(erf) = vpow2.f32 v2;
	v2 =	vsub.f32 $0.0e+00, v7;
	v7 =	vld [tilespmem:s20+$0x0]  }
0x188: {  	v0 =	vmul.f32 $1.442695020e+00, v0;
	(erf) = vpow2.f32 v3;
	v3 =	vld [tilespmem:s20+$0x10]  }
0x189: {  	v9 =	vsub.f32 $0.0e+00, v9;
	v8 =	vmul.f32 $1.442695020e+00, v8;
	(erf) = vpow2.f32 v4;
	v4 =	vld [tilespmem:s20+$0xFFFFFF80]  }
0x18a: {  	v2 =	vmul.f32 $1.442695020e+00, v2;
	(erf) = vpow2.f32 v0;
	v0 =	vld [tilespmem:s20+$0xFFFFFF90];
	v5 =	vsub.f32 $0.0e+00, v5  }
0x18b: {  	(erf) = vpow2.f32 v6;
	v1 =	vsub.f32 $0.0e+00, v1;
	v6 =	vmul.f32 $1.442695020e+00, v9  }
0x18c: {  	(erf) = vpow2.f32 v2;
	v2 =	vsub.f32 $0.0e+00, v7;
	v5 =	vmul.f32 $1.442695020e+00, v5  }
0x18d: {  	(erf) = vpow2.f32 v8;
	v1 =	vmul.f32 $1.442695020e+00, v1;
	v3 =	vsub.f32 $0.0e+00, v3  }
0x18e: {  	(erf) = vpow2.f32 v6;
	v4 =	vsub.f32 $0.0e+00, v4;
	v2 =	vmul.f32 $1.442695020e+00, v2  }
0x18f: {  	v6 =	vpop (erf);
	(erf) = vpow2.f32 v5;
	v0 =	vsub.f32 $0.0e+00, v0;
	v3 =	vmul.f32 $1.442695020e+00, v3  }
0x190: {  	v5 =	vpop (erf);
	(erf) = vpow2.f32 v1;
	v4 =	vmul.f32 $1.442695020e+00, v4  }
0x191: {  	v1 =	vpop (erf);
	(erf) = vpow2.f32 v2;
	v0 =	vmul.f32 $1.442695020e+00, v0  }
0x192: {  	v6 =	vadd.f32 $1.000000000e+00, v6;
	v2 =	vpop (erf);
	(erf) = vpow2.f32 v3  }
0x193: {  	v5 =	vadd.f32 $1.000000000e+00, v5;
	v3 =	vpop (erf);
	(erf) = vpow2.f32 v4  }
0x194: {  	v1 =	vadd.f32 $1.000000000e+00, v1;
	v4 =	vpop (erf);
	(erf) = vpow2.f32 v0  }
0x195: {  	v2 =	vadd.f32 $1.000000000e+00, v2;
	v0 =	vpop (erf);
	(erf) = vrcp.f32 v6  }
0x196: {  	v3 =	vadd.f32 $1.000000000e+00, v3;
	v6 =	vpop (erf);
	(erf) = vrcp.f32 v5  }
0x197: {  	v4 =	vadd.f32 $1.000000000e+00, v4;
	v5 =	vpop (erf);
	(erf) = vrcp.f32 v1  }
0x198: {  	v0 =	vadd.f32 $1.000000000e+00, v0;
	v1 =	vpop (erf);
	(erf) = vrcp.f32 v2  }
0x199: {  	v6 =	vadd.f32 $1.000000000e+00, v6;
	v2 =	vpop (erf);
	(erf) = vrcp.f32 v3  }
0x19a: {  	v5 =	vadd.f32 $1.000000000e+00, v5;
	v3 =	vpop (erf);
	(erf) = vrcp.f32 v4  }
0x19b: {  	v1 =	vadd.f32 $1.000000000e+00, v1;
	v4 =	vpop (erf);
	(erf) = vrcp.f32 v0  }
0x19c: {  	v2 =	vadd.f32 $1.000000000e+00, v2;
	v0 =	vpop (erf);
	(erf) = vrcp.f32 v6  }
0x19d: {  	v3 =	vadd.f32 $1.000000000e+00, v3;
	v6 =	vpop (erf);
	(erf) = vrcp.f32 v5  }
0x19e: {  	v4 =	vadd.f32 $1.000000000e+00, v4;
	v5 =	vpop (erf);
	(erf) = vrcp.f32 v1  }
0x19f: {  	v0 =	vadd.f32 $1.000000000e+00, v0;
	v1 =	vpop (erf);
	(erf) = vrcp.f32 v2  }
0x1a0: {  	v6 =	vadd.f32 $1.000000000e+00, v6;
	v2 =	vpop (erf);
	(erf) = vrcp.f32 v3;
	v1 =	vmul.f32 v1, v16  }
0x1a1: {  	v5 =	vadd.f32 $1.000000000e+00, v5;
	v3 =	vpop (erf);
	(erf) = vrcp.f32 v4;
	v2 =	vmul.f32 v2, v16  }
0x1a2: {  	v4 =	vpop (erf);
	(erf) = vrcp.f32 v0;
	v3 =	vmul.f32 v3, v16;
	v1 =	vadd.f32 v1, v20  }
0x1a3: {  	v0 =	vpop (erf);
	(erf) = vrcp.f32 v6;
	v4 =	vmul.f32 v4, v16;
	v2 =	vadd.f32 v2, v20  }
0x1a4: {  	v6 =	vpop (erf);
	(erf) = vrcp.f32 v5;
	v0 =	vmul.f32 v0, v16;
	v3 =	vadd.f32 v3, v20  }
0x1a5: {  	v1 =	vmax.f32 v1, $0.0e+00;
	v5 =	vpop (erf);
	v6 =	vmul.f32 v6, v16;
	v4 =	vadd.f32 v4, v20  }
0x1a6: {  	v49 =	vmax.f32 v2, $0.0e+00;
	[tilespmem:$0x1FD10] =	vst v1;
	v1 =	vadd.s32 $0x4AFB0D, v1;
	v5 =	vmul.f32 v5, v16  }
0x1a7: {  	v7 =	vpop (erf);
	v0 =	vadd.f32 v0, v20;
	v2 =	vmax.f32 v3, $0.0e+00;
	v52 =	vadd.s32 $0x4AFB0D, v49  }
0x1a8: {  	[tilespmem:$0x1FD70] =	vst v1;
	v1 =	vand.u32 $0x7FFFFF, v1;
	v7 =	vmul.f32 v7, v16;
	v6 =	vadd.f32 v6, v20  }
0x1a9: {  	v8 =	vpop (erf);
	v36 =	vmax.f32 v4, $0.0e+00;
	v53 =	vadd.s32 $0x4AFB0D, v2;
	v1 =	vadd.s32 $0x3F3504F3, v1  }
0x1aa: {  	v9 =	vpop (erf);
	v8 =	vmul.f32 v8, v16;
	v5 =	vadd.f32 v5, v20;
	v51 =	vmax.f32 v0, $0.0e+00  }
0x1ab: {  	v24 =	vand.u32 $0x7FFFFF, v53;
	v40 =	vadd.f32 $-1.000000000e+00, v1;
	v10 =	vpop (erf);
	v9 =	vmul.f32 v9, v16  }
0x1ac: {  	v7 =	vadd.f32 v7, v20;
	v24 =	vadd.s32 $0x3F3504F3, v24;
	v10 =	vmul.f32 v10, v16  }
0x1ad: {  	v11 =	vpop (erf);
	v8 =	vadd.f32 v8, v20;
	v50 =	vmax.f32 v5, $0.0e+00;
	v58 =	vadd.f32 $2.000000000e+00, v40  }
0x1ae: {  	v12 =	vpop (erf);
	v11 =	vmul.f32 v11, v16;
	v9 =	vadd.f32 v9, v20;
	v54 =	vadd.s32 $0x4AFB0D, v50  }
0x1af: {  	v12 =	vmul.f32 v12, v16;
	v17 =	vadd.f32 v10, v20;
	v10 =	vmax.f32 v7, $0.0e+00  }
0x1b0: {  	v13 =	vpop (erf);
	v8 =	vmax.f32 v8, $0.0e+00;
	v27 =	vand.u32 $0x7FFFFF, v54;
	(erf) = vrcp.f32 v58  }
0x1b1: {  	v13 =	vmul.f32 v13, v16;
	v47 =	vadd.f32 v11, v20;
	v11 =	vmax.f32 v6, $0.0e+00;
	[tilespmem:$0x1FE60] =	vst v10  }
0x1b2: {  	v14 =	vpop (erf);
	v9 =	vmax.f32 v9, $0.0e+00;
	[tilespmem:$0x1FE70] =	vst v8;
	v10 =	vadd.s32 $0x4AFB0D, v10;
	v8 =	vadd.s32 $0x4AFB0D, v8  }
0x1b3: {  	[tilespmem:$0x1FD00] =	vst v2;
	v27 =	vadd.s32 $0x3F3504F3, v27;
	v14 =	vmul.f32 v14, v16;
	v18 =	vadd.f32 v12, v20  }
0x1b4: {  	[tilespmem:$0x1FD30] =	vst v11;
	v0 =	vmax.f32 v17, $0.0e+00;
	v2 =	vadd.s32 $0x4AFB0D, v11;
	v11 =	vadd.s32 $0x4AFB0D, v36  }
0x1b5: {  	v15 =	vpop (erf);
	v12 =	vadd.s32 $0x4AFB0D, v51;
	v55 =	vadd.s32 $0x4AFB0D, v9;
	v30 =	vand.u32 $0x7FFFFF, v10  }
0x1b6: {  	v33 =	vand.u32 $0x7FFFFF, v8;
	v15 =	vmul.f32 v15, v16;
	v13 =	vadd.f32 v13, v20  }
0x1b7: {  	[tilespmem:$0x1FE80] =	vst v9;
	v7 =	vmax.f32 v47, $0.0e+00;
	v56 =	vadd.s32 $0x4AFB0D, v0;
	v9 =	vand.u32 $0x7FFFFF, v11  }
0x1b8: {  	v26 =	vand.u32 $0x7FFFFF, v2;
	v28 =	vand.u32 $0x7FFFFF, v12;
	v29 =	vand.u32 $0x7FFFFF, v55  }
0x1b9: {  	v30 =	vadd.s32 $0x3F3504F3, v30;
	v33 =	vadd.s32 $0x3F3504F3, v33;
	v19 =	vadd.f32 v14, v20  }
0x1ba: {  	[tilespmem:$0x1FE90] =	vst v7;
	v5 =	vmax.f32 v18, $0.0e+00;
	v7 =	vadd.s32 $0x4AFB0D, v7;
	v37 =	vand.u32 $0x7FFFFF, v56  }
0x1bb: {  	v9 =	vadd.s32 $0x3F3504F3, v9;
	v28 =	vadd.s32 $0x3F3504F3, v28;
	v26 =	vadd.s32 $0x3F3504F3, v26  }
0x1bc: {  	v29 =	vadd.s32 $0x3F3504F3, v29;
	v41 =	vadd.f32 $-1.000000000e+00, v30;
	v33 =	vadd.f32 $-1.000000000e+00, v33  }
0x1bd: {  	v15 =	vadd.f32 v15, v20;
	v6 =	vmax.f32 v13, $0.0e+00;
	v13 =	vand.u32 $0x7FFFFF, v52  }
0x1be: {  	[tilespmem:$0x1FEE0] =	vst v0;
	v34 =	vand.u32 $0x7FFFFF, v7;
	v37 =	vadd.s32 $0x3F3504F3, v37;
	v43 =	vadd.f32 $-1.000000000e+00, v9  }
0x1bf: {  	[tilespmem:$0x1FEA0] =	vst v5;
	v42 =	vadd.f32 $-1.000000000e+00, v26;
	v4 =	vmax.f32 v19, $0.0e+00;
	v13 =	vadd.s32 $0x3F3504F3, v13  }
0x1c0: {  	[tilespmem:$0x1FEC0] =	vst v4;
	v0 =	vadd.s32 $0x4AFB0D, v4;
	v4 =	vadd.s32 $0x4AFB0D, v5;
	v5 =	vadd.s32 $0x4AFB0D, v6  }
0x1c1: {  	v1 =	vadd.s32 $0x3F3504F3, v34;
	v45 =	vadd.f32 $-1.000000000e+00, v13;
	v39 =	vand.u32 $0x7FFFFF, v5  }
0x1c2: {  	v34 =	vadd.f32 $-1.000000000e+00, v27;
	v57 =	vadd.s32 $0x3F3504F3, v39;
	v39 =	vadd.f32 $-1.000000000e+00, v24  }
0x1c3: {  	v62 =	vadd.f32 $2.000000000e+00, v33;
	v35 =	vand.u32 $0x7FFFFF, v4;
	v9 =	vadd.f32 $2.000000000e+00, v45  }
0x1c4: {  	v48 =	vadd.s32 $0x3F3504F3, v35;
	v35 =	vadd.f32 $-1.000000000e+00, v28;
	v59 =	vadd.f32 $2.000000000e+00, v39  }
0x1c5: {  	v3 =	vmax.f32 v15, $0.0e+00;
	v60 =	vadd.f32 $2.000000000e+00, v43;
	(erf) = vrcp.f32 v9  }
0x1c6: {  	v26 =	vadd.f32 $2.000000000e+00, v42;
	v9 =	vadd.f32 $2.000000000e+00, v35;
	(erf) = vrcp.f32 v59  }
0x1c7: {  	[tilespmem:$0x1FED0] =	vst v3;
	v3 =	vadd.s32 $0x4AFB0D, v3;
	v38 =	vand.u32 $0x7FFFFF, v0;
	(erf) = vrcp.f32 v60  }
0x1c8: {  	[tilespmem:$0x1FD40] =	vst v50;
	v61 =	vadd.f32 $2.000000000e+00, v34;
	v50 =	vadd.s32 $0x3F3504F3, v38;
	(erf) = vrcp.f32 v9  }
0x1c9: {  	v38 =	vadd.f32 $-1.000000000e+00, v29;
	v9 =	vadd.f32 $2.000000000e+00, v41;
	(erf) = vrcp.f32 v26  }
0x1ca: {  	v47 =	vand.u32 $0x7FFFFF, v3;
	v29 =	vadd.f32 $-1.000000000e+00, v37;
	(erf) = vrcp.f32 v61  }
0x1cb: {  	v37 =	vadd.f32 $-1.000000000e+00, v1;
	v1 =	vadd.f32 $2.000000000e+00, v38;
	(erf) = vrcp.f32 v9  }
0x1cc: {  	v30 =	vadd.f32 $-1.000000000e+00, v48;
	v9 =	vadd.f32 $2.000000000e+00, v29;
	(erf) = vrcp.f32 v62  }
0x1cd: {  	v28 =	vadd.f32 $-1.000000000e+00, v57;
	v63 =	vadd.f32 $2.000000000e+00, v37;
	(erf) = vrcp.f32 v1  }
0x1ce: {  	v1 =	vadd.f32 $2.000000000e+00, v30;
	(erf) = vrcp.f32 v9;
	v9 =	vadd.s32 $0x3F3504F3, v47  }
0x1cf: {  	v26 =	vadd.f32 $-1.000000000e+00, v50  }
0x1d0: {  	v16 =	vpop (erf);
	v17 =	vadd.f32 $2.000000000e+00, v28;
	(erf) = vrcp.f32 v63;
	v27 =	vadd.f32 $-1.000000000e+00, v9  }
0x1d1: {  	[tilespmem:$0x1FE40] =	vst v0;
	v0 =	vmul.f32 v16, v40;
	v18 =	vadd.f32 $2.000000000e+00, v26;
	v9 =	vpop (erf);
	(erf) = vrcp.f32 v1  }
0x1d2: {  	v19 =	vadd.f32 $2.000000000e+00, v27;
	v1 =	vpop (erf);
	(erf) = vrcp.f32 v17;
	v58 =	vmul.f32 v9, v45  }
0x1d3: {  	v9 =	vmul.f32 v0, v0;
	(erf) = vrcp.f32 v18  }
0x1d4: {  	v20 =	vpop (erf);
	v60 =	vmul.f32 v1, v39;
	(erf) = vrcp.f32 v19  }
0x1d5: {  	[tilespmem:$0x1FD60] =	vst v52;
	v1 =	vmul.f32 v58, v58;
	v21 =	vmul.f32 v9, v9  }
0x1d6: {  	[tilespmem:$0x1FD20] =	vst v51;
	v51 =	vmul.f32 v20, v43;
	v14 =	vpop (erf);
	v22 =	vmul.f32 v60, v60  }
0x1d7: {  	[tilespmem:$0x1FD80] =	vst v53;
	v48 =	vmul.f32 v14, v35;
	v52 =	vmul.f32 v1, v1  }
0x1d8: {  	[tilespmem:$0x1FDE0] =	vst v55;
	v53 =	vmul.f32 $2.427907880e-01, v21;
	v55 =	vmul.f32 $2.849878670e-01, v21  }
0x1d9: {  	[tilespmem:$0x1FDD0] =	vst v54;
	v59 =	vmul.f32 v51, v51;
	v54 =	vmul.f32 v22, v22  }
0x1da: {  	[tilespmem:$0x1FDF0] =	vst v56;
	v19 =	vmul.f32 v48, v48;
	v56 =	vmul.f32 $2.427907880e-01, v52  }
0x1db: {  	v57 =	vmul.f32 $2.849878670e-01, v52;
	v53 =	vadd.f32 $4.000097220e-01, v53;
	v16 =	vmul.f32 v59, v59  }
0x1dc: {  	v55 =	vadd.f32 $6.666666270e-01, v55;
	v61 =	vmul.f32 $2.427907880e-01, v54;
	v23 =	vmul.f32 $2.849878670e-01, v54  }
0x1dd: {  	v31 =	vmul.f32 v19, v19;
	v56 =	vadd.f32 $4.000097220e-01, v56;
	v62 =	vmul.f32 v53, v21  }
0x1de: {  	[tilespmem:$0x1FDA0] =	vst v12;
	v32 =	vmul.f32 v55, v9;
	v18 =	vmul.f32 $2.427907880e-01, v16;
	v12 =	vadd.f32 $4.000097220e-01, v61  }
0x1df: {  	[tilespmem:$0x1FE20] =	vst v4;
	v15 =	vpop (erf);
	v57 =	vadd.f32 $6.666666270e-01, v57;
	v4 =	vmul.f32 $2.849878670e-01, v31;
	v61 =	vmul.f32 v56, v52  }
0x1e0: {  	v17 =	vpop (erf);
	v46 =	vmul.f32 v12, v54;
	v54 =	vmul.f32 v15, v42  }
0x1e1: {  	v24 =	vadd.f32 $6.666666270e-01, v23;
	v63 =	vmul.f32 v57, v1;
	v52 =	vmul.f32 v17, v34  }
0x1e2: {  	v1 =	vmul.f32 $2.849878670e-01, v16;
	v50 =	vmul.f32 v54, v54  }
0x1e3: {  	[tilespmem:$0x1FDC0] =	vst v2;
	v47 =	vadd.f32 $4.000097220e-01, v18;
	v25 =	vmul.f32 v24, v22;
	v55 =	vmul.f32 v52, v52  }
0x1e4: {  	[tilespmem:$0x1FD50] =	vst v0;
	v2 =	vadd.f32 $6.666666270e-01, v1;
	v1 =	vmul.f32 $2.427907880e-01, v31;
	v0 =	vmul.f32 v50, v50  }
0x1e5: {  	v4 =	vadd.f32 $6.666666270e-01, v4;
	v56 =	vmul.f32 v47, v16;
	v13 =	vmul.f32 v55, v55  }
0x1e6: {  	[tilespmem:$0x1FE50] =	vst v3;
	v3 =	vmul.f32 $2.427907880e-01, v0;
	v44 =	vmul.f32 $2.849878670e-01, v0  }
0x1e7: {  	[tilespmem:$0x1FE30] =	vst v5;
	v20 =	vmul.f32 v4, v19;
	v21 =	vmul.f32 v2, v59;
	v2 =	vadd.f32 $4.000097220e-01, v1  }
0x1e8: {  	v1 =	vpop (erf);
	v5 =	vadd.f32 $4.000097220e-01, v3;
	v3 =	vmul.f32 $2.427907880e-01, v13;
	v47 =	vadd.f32 $6.666666270e-01, v44  }
0x1e9: {  	v22 =	vmul.f32 v2, v31;
	v23 =	vmul.f32 v1, v41  }
0x1ea: {  	v18 =	vmul.f32 v5, v0;
	v3 =	vadd.f32 $4.000097220e-01, v3;
	v24 =	vmul.f32 v47, v50;
	v0 =	vpop (erf)  }
0x1eb: {  	v50 =	vmul.f32 v23, v23;
	v31 =	vmul.f32 v0, v33  }
0x1ec: {  	v16 =	vpop (erf);
	v19 =	vmul.f32 v3, v13;
	v13 =	vmul.f32 $2.849878670e-01, v13  }
0x1ed: {  	[tilespmem:$0x1FEB0] =	vst v6;
	v1 =	vmul.f32 v50, v50;
	v17 =	vpop (erf);
	v6 =	vmul.f32 v31, v31  }
0x1ee: {  	v59 =	vmul.f32 v16, v38;
	v57 =	vmul.f32 v17, v29;
	v13 =	vadd.f32 $6.666666270e-01, v13  }
0x1ef: {  	v3 =	vmul.f32 $2.849878670e-01, v1;
	v0 =	vmul.f32 v6, v6  }
0x1f0: {  	v2 =	vmul.f32 $2.427907880e-01, v1;
	v17 =	vmul.f32 v13, v55  }
0x1f1: {  	v55 =	vmul.f32 v59, v59;
	v5 =	vadd.f32 $6.666666270e-01, v3;
	v3 =	vmul.f32 $2.849878670e-01, v0  }
0x1f2: {  	v4 =	vmul.f32 $2.427907880e-01, v0  }
0x1f3: {  	[tilespmem:$0x1FE10] =	vst v7;
	v7 =	vadd.f32 $4.000097220e-01, v2;
	v2 =	vmul.f32 v55, v55;
	v3 =	vadd.f32 $6.666666270e-01, v3  }
0x1f4: {  	[tilespmem:$0x1FE00] =	vst v8;
	v8 =	vmul.f32 v57, v57;
	v4 =	vadd.f32 $4.000097220e-01, v4  }
0x1f5: {  	v16 =	vmul.f32 v7, v1;
	v44 =	vmul.f32 $2.427907880e-01, v2  }
0x1f6: {  	v15 =	vmul.f32 v4, v0;
	v0 =	vmul.f32 $2.849878670e-01, v2  }
0x1f7: {  	v7 =	vmul.f32 v8, v8;
	v13 =	vmul.f32 v3, v6;
	v3 =	vpop (erf)  }
0x1f8: {  	v53 =	vadd.f32 $4.000097220e-01, v44;
	v44 =	vmul.f32 v3, v37;
	v3 =	vadd.f32 $6.666666270e-01, v0  }
0x1f9: {  	v1 =	vmul.f32 $2.849878670e-01, v7;
	v4 =	vmul.f32 $2.427907880e-01, v7  }
0x1fa: {  	v9 =	vmul.f32 v3, v55;
	v55 =	vmul.f32 v44, v44  }
0x1fb: {  	v14 =	vmul.f32 v5, v50;
	v1 =	vadd.f32 $6.666666270e-01, v1;
	v4 =	vadd.f32 $4.000097220e-01, v4;
	v0 =	vpop (erf)  }
0x1fc: {  	v50 =	vmul.f32 v0, v30;
	v0 =	vmul.f32 v55, v55  }
0x1fd: {  	[tilespmem:$0x1FDB0] =	vst v10;
	v10 =	vmul.f32 v1, v8;
	v12 =	vmul.f32 v4, v7  }
0x1fe: {  	v7 =	vmul.f32 v50, v50;
	v1 =	vmul.f32 $2.427907880e-01, v0  }
0x1ff: {  	[tilespmem:$0x1FD90] =	vst v11;
	v11 =	vmul.f32 v53, v2;
	v8 =	vpop (erf)  }
0x200: {  	v53 =	vmul.f32 v8, v28;
	v8 =	vmul.f32 v7, v7;
	v4 =	vadd.f32 $4.000097220e-01, v1;
	v1 =	vld [tilespmem:$0x1FD20]  }
0x201: {  	vm0 =	vle.f32 v49, $0.0e+00  }
0x202: {  	v32 =	vadd.f32 v62, v32;
	v2 =	vmul.f32 $2.849878670e-01, v0;
	v3 =	vmul.f32 $2.427907880e-01, v8  }
0x203: {  	v61 =	vadd.f32 v61, v63;
	v49 =	vmul.f32 v53, v53;
	v6 =	vmul.f32 v4, v0;
	v4 =	vld [tilespmem:$0x1FD30]  }
0x204: {  	vm1 =	vle.f32 v36, $0.0e+00;
	v25 =	vadd.f32 v46, v25;
	v2 =	vadd.f32 $6.666666270e-01, v2  }
0x205: {  	v47 =	vpop (erf);
	v36 =	vmul.f32 v49, v49;
	vm2 =	vle.f32 v1, $0.0e+00;
	v1 =	vmul.f32 $2.849878670e-01, v8  }
0x206: {  	v47 =	vmul.f32 v47, v26;
	v5 =	vmul.f32 v2, v55;
	v2 =	vadd.f32 $4.000097220e-01, v3;
	v3 =	vpop (erf)  }
0x207: {  	v0 =	vmul.f32 $2.427907880e-01, v36;
	v3 =	vmul.f32 v3, v27;
	v1 =	vadd.f32 $6.666666270e-01, v1  }
0x208: {  	v55 =	vmul.f32 v47, v47;
	vm3 =	vle.f32 v4, $0.0e+00;
	v4 =	vmul.f32 v2, v8  }
0x209: {  	v8 =	vmul.f32 v3, v3;
	v2 =	vmul.f32 v1, v7;
	v1 =	vadd.f32 $4.000097220e-01, v0;
	v0 =	vld [tilespmem:$0x1FD40]  }
0x20a: {  	v21 =	vadd.f32 v56, v21;
	v20 =	vadd.f32 v22, v20;
	v7 =	vmul.f32 v55, v55  }
0x20b: {  	v18 =	vadd.f32 v18, v24;
	v9 =	vadd.f32 v11, v9;
	v62 =	vmul.f32 v8, v8  }
0x20c: {  	v5 =	vadd.f32 v6, v5;
	v6 =	vmul.f32 $5.000000000e-01, v45;
	v63 =	vmul.f32 $2.849878670e-01, v7  }
0x20d: {  	v1 =	vmul.f32 v1, v36;
	v56 =	vmul.f32 $2.849878670e-01, v62;
	v4 =	vadd.f32 v4, v2  }
0x20e: {  	v63 =	vadd.f32 $6.666666270e-01, v63;
	vm4 =	vle.f32 v0, $0.0e+00;
	v0 =	vmul.f32 $2.849878670e-01, v36  }
0x20f: {  	v2 =	vmul.f32 v6, v45;
	v11 =	vadd.f32 $6.666666270e-01, v56;
	v36 =	vmul.f32 $2.427907880e-01, v7  }
0x210: {  	v56 =	vmul.f32 $5.000000000e-01, v33;
	v24 =	vmul.f32 v63, v55;
	v0 =	vadd.f32 $6.666666270e-01, v0  }
0x211: {  	v8 =	vmul.f32 v11, v8;
	v55 =	vmul.f32 $5.000000000e-01, v38;
	v36 =	vadd.f32 $4.000097220e-01, v36  }
0x212: {  	v13 =	vadd.f32 v15, v13;
	v0 =	vmul.f32 v0, v49;
	v49 =	vmul.f32 $2.427907880e-01, v62  }
0x213: {  	v15 =	vadd.f32 v61, v2;
	v61 =	vmul.f32 v55, v38;
	v7 =	vmul.f32 v36, v7  }
0x214: {  	v36 =	vmul.f32 $5.000000000e-01, v35;
	v49 =	vadd.f32 $4.000097220e-01, v49;
	v0 =	vadd.f32 v1, v0  }
0x215: {  	v1 =	vmul.f32 $5.000000000e-01, v40;
	v6 =	vadd.f32 v7, v24;
	v24 =	vmul.f32 $5.000000000e-01, v39  }
0x216: {  	v63 =	vadd.f32 v19, v17;
	v19 =	vmul.f32 v36, v35;
	v22 =	vmul.f32 v49, v62  }
0x217: {  	v11 =	vmul.f32 v1, v40;
	v1 =	vsub.f32 v45, v2;
	v2 =	vmul.f32 $5.000000000e-01, v42  }
0x218: {  	v10 =	vadd.f32 v12, v10;
	v12 =	vmul.f32 v24, v39;
	v45 =	vmul.f32 $5.000000000e-01, v41  }
0x219: {  	v24 =	vmul.f32 $5.000000000e-01, v29;
	v7 =	vadd.f32 v22, v8;
	v8 =	vmul.f32 $5.000000000e-01, v43  }
0x21a: {  	v40 =	vsub.f32 v40, v11;
	v11 =	vadd.f32 v32, v11;
	v32 =	vmul.f32 v2, v42  }
0x21b: {  	v14 =	vadd.f32 v16, v14;
	v46 =	vmul.f32 v45, v41;
	v36 =	vmul.f32 v24, v29  }
0x21c: {  	v9 =	vadd.f32 v9, v61;
	v8 =	vmul.f32 v8, v43;
	v17 =	vadd.f32 v18, v32  }
0x21d: {  	v15 =	vmul.f32 v15, v58;
	v14 =	vadd.f32 v14, v46;
	v22 =	vsub.f32 v29, v36  }
0x21e: {  	v49 =	vmul.f32 $5.000000000e-01, v34;
	v10 =	vadd.f32 v10, v36;
	v2 =	vsub.f32 v43, v8  }
0x21f: {  	v62 =	vmul.f32 $5.000000000e-01, v37;
	v45 =	vld [tilespmem:$0x1FD50];
	v8 =	vadd.f32 v21, v8;
	v43 =	vsub.f32 v39, v12  }
0x220: {  	v9 =	vmul.f32 v9, v59;
	v39 =	vsub.f32 v42, v32;
	v42 =	vsub.f32 v35, v19  }
0x221: {  	v19 =	vadd.f32 v20, v19;
	v21 =	vmul.f32 v49, v34;
	v20 =	vmul.f32 v62, v37  }
0x222: {  	v12 =	vadd.f32 v25, v12;
	v25 =	vmul.f32 $5.000000000e-01, v30;
	v17 =	vmul.f32 v17, v54  }
0x223: {  	v35 =	vsub.f32 v41, v46;
	v14 =	vmul.f32 v14, v23;
	v10 =	vmul.f32 v10, v57  }
0x224: {  	v49 =	vld [tilespmem:$0x1FD80];
	v11 =	vmul.f32 v11, v45;
	v16 =	vadd.f32 v63, v21;
	v63 =	vmul.f32 v56, v33  }
0x225: {  	v32 =	vld [tilespmem:$0x1FDC0];
	v41 =	vsub.f32 v34, v21;
	v34 =	vsub.f32 v38, v61;
	v8 =	vmul.f32 v8, v51  }
0x226: {  	v12 =	vmul.f32 v12, v60;
	v19 =	vmul.f32 v19, v48;
	v38 =	vsub.f32 v33, v63  }
0x227: {  	v36 =	vld [tilespmem:$0x1FDD0];
	v51 =	vmul.f32 $5.000000000e-01, v27;
	v13 =	vadd.f32 v13, v63;
	v33 =	vsub.f32 v37, v20  }
0x228: {  	v45 =	vld [tilespmem:$0x1FDF0];
	v20 =	vadd.f32 v5, v20;
	v5 =	vmul.f32 v25, v30;
	v37 =	vmul.f32 $5.000000000e-01, v28  }
0x229: {  	v48 =	vld [tilespmem:$0x1FD70];
	v55 =	vmul.f32 v51, v27;
	v16 =	vmul.f32 v16, v52;
	v25 =	vshrl.u32 v49, $0x17  }
0x22a: {  	v29 =	vshrl.u32 v32, $0x17;
	v18 =	vmul.f32 v37, v28;
	v21 =	vsub.f32 v30, v5  }
0x22b: {  	v46 =	vld [tilespmem:$0x1FD60];
	v4 =	vadd.f32 v4, v5;
	v5 =	vmul.f32 $5.000000000e-01, v26;
	v25 =	vadd.s32 $0xFFFFFF81, v25  }
0x22c: {  	v7 =	vadd.f32 v7, v55;
	v13 =	vmul.f32 v13, v31;
	v30 =	vshrl.u32 v36, $0x17  }
0x22d: {  	v61 =	vld [tilespmem:$0x1FD90];
	v32 =	vshrl.u32 v45, $0x17;
	v29 =	vadd.s32 $0xFFFFFF81, v29;
	v20 =	vmul.f32 v20, v44  }
0x22e: {  	v63 =	vld [tilespmem:$0x1FDB0];
	v23 =	vshrl.u32 v48, $0x17;
	v30 =	vadd.s32 $0xFFFFFF81, v30;
	v29 =	vcvt.s32.f32 v29  }
0x22f: {  	v62 =	vld [tilespmem:$0x1FDA0];
	v32 =	vadd.s32 $0xFFFFFF81, v32;
	v24 =	vsub.f32 v28, v18;
	v0 =	vadd.f32 v0, v18  }
0x230: {  	v49 =	vld [tilespmem:$0x1FE20];
	v18 =	vshrl.u32 v46, $0x17;
	v5 =	vmul.f32 v5, v26;
	v30 =	vcvt.s32.f32 v30  }
0x231: {  	v23 =	vadd.s32 $0xFFFFFF81, v23;
	v32 =	vcvt.s32.f32 v32;
	v4 =	vmul.f32 v4, v50  }
0x232: {  	v3 =	vmul.f32 v7, v3;
	v18 =	vadd.s32 $0xFFFFFF81, v18;
	v54 =	vcvt.s32.f32 v23  }
0x233: {  	v37 =	vld [tilespmem:$0x1FDE0];
	v23 =	vshrl.u32 v61, $0x17;
	v28 =	vshrl.u32 v63, $0x17;
	v18 =	vcvt.s32.f32 v18  }
0x234: {  	v52 =	vld [tilespmem:$0x1FE40];
	v26 =	vsub.f32 v26, v5;
	v6 =	vadd.f32 v6, v5;
	v5 =	vcvt.s32.f32 v25  }
0x235: {  	v48 =	vld [tilespmem:$0x1FE10];
	v25 =	vsub.f32 v27, v55;
	v27 =	vshrl.u32 v62, $0x17;
	v45 =	vshrl.u32 v49, $0x17  }
0x236: {  	v23 =	vadd.s32 $0xFFFFFF81, v23;
	v59 =	vmul.f32 $9.058000610e-06, v30;
	v0 =	vmul.f32 v0, v53  }
0x237: {  	v51 =	vld [tilespmem:$0x1FE30];
	v28 =	vadd.s32 $0xFFFFFF81, v28;
	v63 =	vmul.f32 $9.058000610e-06, v32;
	v56 =	vmul.f32 $9.058000610e-06, v54  }
0x238: {  	v46 =	vld [tilespmem:$0x1FE00];
	v31 =	vshrl.u32 v37, $0x17;
	v27 =	vadd.s32 $0xFFFFFF81, v27;
	v23 =	vcvt.s32.f32 v23  }
0x239: {  	v28 =	vcvt.s32.f32 v28;
	v45 =	vadd.s32 $0xFFFFFF81, v45;
	v58 =	vmul.f32 $9.058000610e-06, v18  }
0x23a: {  	v60 =	vmul.f32 $9.058000610e-06, v5;
	v37 =	vshrl.u32 v48, $0x17;
	v48 =	vshrl.u32 v52, $0x17  }
0x23b: {  	v27 =	vcvt.s32.f32 v27;
	v31 =	vadd.s32 $0xFFFFFF81, v31;
	v45 =	vcvt.s32.f32 v45  }
0x23c: {  	v16 =	vadd.f32 v16, v59;
	v6 =	vmul.f32 v6, v47;
	v10 =	vadd.f32 v10, v63  }
0x23d: {  	v11 =	vadd.f32 v11, v56;
	v36 =	vshrl.u32 v46, $0x17;
	v46 =	vshrl.u32 v51, $0x17  }
0x23e: {  	v55 =	vld [tilespmem:$0x1FE50];
	v37 =	vadd.s32 $0xFFFFFF81, v37;
	v48 =	vadd.s32 $0xFFFFFF81, v48;
	v31 =	vcvt.s32.f32 v31  }
0x23f: {  	v56 =	vmul.f32 $9.058000610e-06, v23;
	v15 =	vadd.f32 v15, v58;
	v12 =	vadd.f32 v12, v60  }
0x240: {  	v36 =	vadd.s32 $0xFFFFFF81, v36;
	v37 =	vcvt.s32.f32 v37;
	v57 =	vmul.f32 $9.058000610e-06, v27  }
0x241: {  	v46 =	vadd.s32 $0xFFFFFF81, v46;
	v48 =	vcvt.s32.f32 v48;
	v58 =	vmul.f32 $9.058000610e-06, v29  }
0x242: {  	v60 =	vmul.f32 $9.058000610e-06, v28;
	v10 =	vadd.f32 v10, v22;
	v51 =	vmul.f32 $6.931381230e-01, v45  }
0x243: {  	v49 =	vshrl.u32 v55, $0x17;
	v36 =	vcvt.s32.f32 v36;
	v46 =	vcvt.s32.f32 v46  }
0x244: {  	v8 =	vadd.f32 v8, v56;
	v62 =	vmul.f32 $9.058000610e-06, v31;
	v56 =	vmul.f32 $9.058000610e-06, v45  }
0x245: {  	v59 =	vld [tilespmem:$0x1FE60];
	v47 =	vmul.f32 $6.931381230e-01, v31;
	v49 =	vadd.s32 $0xFFFFFF81, v49;
	v19 =	vadd.f32 v19, v57  }
0x246: {  	v63 =	vld [tilespmem:$0x1FEB0];
	v17 =	vadd.f32 v17, v58;
	v7 =	vmul.f32 $9.058000610e-06, v48;
	v57 =	vmul.f32 $9.058000610e-06, v46  }
0x247: {  	v14 =	vadd.f32 v14, v60;
	v55 =	vmul.f32 $9.058000610e-06, v37;
	v48 =	vmul.f32 $6.931381230e-01, v48  }
0x248: {  	v50 =	vmul.f32 $6.931381230e-01, v37;
	v6 =	vadd.f32 v6, v7;
	v7 =	vadd.f32 v0, v57;
	v0 =	vld [tilespmem:$0x1FE70]  }
0x249: {  	v44 =	vcvt.s32.f32 v49;
	v61 =	vmul.f32 $9.058000610e-06, v36;
	v9 =	vadd.f32 v9, v62  }
0x24a: {  	v4 =	vadd.f32 v4, v56;
	vm5 =	vle.f32 v59, $0.0e+00;
	v8 =	vadd.f32 v8, v2  }
0x24b: {  	vm10 =	vle.f32 v63, $0.0e+00;
	v53 =	vmul.f32 $6.931381230e-01, v46;
	v20 =	vadd.f32 v20, v55  }
0x24c: {  	v60 =	vld [tilespmem:$0x1FE90];
	v56 =	vmul.f32 $6.931381230e-01, v32;
	v2 =	vadd.f32 v19, v42;
	v62 =	vadd.f32 v17, v39  }
0x24d: {  	v14 =	vadd.f32 v14, v35;
	vm6 =	vle.f32 v0, $0.0e+00;
	v0 =	vadd.f32 v11, v40;
	v11 =	vld [tilespmem:$0x1FE80]  }
0x24e: {  	v39 =	vld [tilespmem:$0x1FED0];
	v13 =	vadd.f32 v13, v61;
	v58 =	vmul.f32 $9.058000610e-06, v44;
	v9 =	vadd.f32 v9, v34  }
0x24f: {  	v59 =	vmul.f32 $6.931381230e-01, v36;
	v10 =	vadd.f32 v10, v56;
	v6 =	vadd.f32 v6, v26  }
0x250: {  	v49 =	vmul.f32 $6.931381230e-01, v44;
	v3 =	vadd.f32 v3, v58;
	v13 =	vadd.f32 v13, v38;
	v38 =	vld [tilespmem:$0x1FEC0]  }
0x251: {  	vm8 =	vle.f32 v60, $0.0e+00;
	v7 =	vadd.f32 v7, v24;
	v9 =	vadd.f32 v9, v47  }
0x252: {  	v61 =	vld [tilespmem:$0x1FEA0];
	v6 =	vadd.f32 v6, v48;
	vm7 =	vle.f32 v11, $0.0e+00;
	v11 =	vadd.f32 v15, v1  }
0x253: {  	vm12 =	vle.f32 v39, $0.0e+00;
	v1 =	vadd.f32 v12, v43;
	v15 =	vadd.f32 v16, v41  }
0x254: {  	v41 =	vadd.f32 v4, v21;
	v4 =	vmul.f32 $6.931381230e-01, v18;
	v43 =	vadd.f32 v3, v25  }
0x255: {  	v60 =	vld [tilespmem:$0x1FEE0];
	v7 =	vadd.f32 v7, v53;
	v40 =	vadd.f32 v20, v33;
	vm11 =	vle.f32 v38, $0.0e+00  }
0x256: {  	v3 =	vadd.f32 v11, v4;
	v11 =	vmul.f32 $6.931381230e-01, v28;
	v52 =	vadd.f32 v43, v49  }
0x257: {  	vm9 =	vle.f32 v61, $0.0e+00;
	v61 =	vadd.f32 v13, v59;
	v6 =	vsel vm11, $0xFF800000, v6  }
0x258: {  	v11 =	vadd.f32 v14, v11;
	v14 =	vadd.f32 v40, v50;
	v12 =	vsel vm12, $0xFF800000, v52  }
0x259: {  	v42 =	vmul.f32 $6.931381230e-01, v29;
	v55 =	vadd.f32 v41, v51;
	v6 =	vadd.f32 v12, v6  }
0x25a: {  	v7 =	vsel vm10, $0xFF800000, v7;
	vm15 =	vle.f32 v60, $0.0e+00;
	v57 =	vsel vm8, $0xFF800000, v14  }
0x25b: {  	v9 =	vsel vm7, $0xFF800000, v9;
	v58 =	vsel vm9, $0xFF800000, v55;
	v6 =	vadd.f32 v57, v6  }
0x25c: {  	v4 =	vadd.f32 v62, v42;
	v62 =	vmul.f32 $6.931381230e-01, v23;
	v7 =	vadd.f32 v7, v58  }
0x25d: {  	v63 =	vadd.f32 v9, v6;
	v9 =	vsel vm15, $0xFF800000, v10;
	v10 =	vmul.f32 $6.931381230e-01, v30  }
0x25e: {  	v5 =	vmul.f32 $6.931381230e-01, v5;
	v6 =	vadd.f32 v8, v62;
	v8 =	vadd.f32 v9, v7  }
0x25f: {  	v7 =	vsel vm5, $0xFF800000, v11;
	v9 =	vadd.f32 v15, v10;
	v10 =	vsel vm6, $0xFF800000, v61  }
0x260: {  	s17 =	simm.s32 $0x0;
	s18 =	simm.s32 $0x10200;
	s16 =	simm.s32 $0xFFFFFFFE;
	v7 =	vadd.f32 v7, v63;
	v8 =	vadd.f32 v10, v8;
	v10 =	vmul.f32 $6.931381230e-01, v27  }
.LBB2_14:
0x261: {  	v4 =	vsel vm3, $0xFF800000, v4  }
0x262: {  	v4 =	vadd.f32 v4, v7  }
0x263: {  	v6 =	vsel vm1, $0xFF800000, v6  }
0x264: {  	v4 =	vadd.f32 v6, v4;
	v6 =	vld [tilespmem:$0x1FD00];
	_ =	sdelay $0x1  }
0x265: {  	v2 =	vadd.f32 v2, v10;
	v9 =	vsel vm4, $0xFF800000, v9  }
0x266: {  	v7 =	vadd.f32 v9, v8  }
0x267: {  	v1 =	vadd.f32 v1, v5;
	v2 =	vsel vm2, $0xFF800000, v2  }
0x268: {  	v10 =	vld [tilespmem:s18+$0xFFFFFFF0];
	v2 =	vadd.f32 v2, v7;
	vm1 =	vle.f32 v6, $0.0e+00  }
0x269: {  	v1 =	vsel vm1, $0xFF800000, v1  }
0x26a: {  	v1 =	vadd.f32 v1, v2;
	v2 =	vld [tilespmem:$0x1FD10];
	_ =	sdelay $0x1  }
0x26b: {  	v11 =	vld [tilespmem:s18+$0x70];
	v3 =	vsel vm0, $0xFF800000, v3;
	v8 =	vmul.f32 $6.931381230e-01, v54  }
0x26c: {  	v3 =	vadd.f32 v3, v4;
	v4 =	vsub.f32 $0.0e+00, v10;
	v10 =	vld [tilespmem:$0x1FCF0]  }
0x26d: {  	s19 =	sadd.s32 s16, s12;
	v9 =	vld [tilespmem:s18+$0x60];
	v0 =	vadd.f32 v0, v8  }
0x26e: {  	v5 =	vld [tilespmem:s18+$0xFFFFFFE0];
	s20 =	sadd.s32 $0x2, s19;
	vm0 =	vle.f32 v2, $0.0e+00  }
0x26f: {  	p0 =	slt.u32 s20, s14;
	v6 =	vld [tilespmem:s18+$0x50];
	v0 =	vsel vm0, $0xFF800000, v0  }
0x270: {  	s19 =	sadd.s32 $0x3, s19;
	v7 =	vsub.f32 $0.0e+00, v11;
	v3 =	vpsel !p0, $0x0, v3;
	v2 =	vld [tilespmem:s18+$0xFFFFFFD0];
	v0 =	vadd.f32 v0, v1  }
0x271: {  	p6 =	slt.u32 s19, s14;
	v8 =	vld [tilespmem:s18+$0x40];
	v3 =	vadd.f32 v3, v10  }
0x272: {  	v9 =	vsub.f32 $0.0e+00, v9;
	v7 =	vmul.f32 $1.442695020e+00, v7;
	v1 =	vld [tilespmem:s18+$0xFFFFFFC0];
	v0 =	vpsel !p6, $0x0, v0  }
0x273: {  	v5 =	vsub.f32 $0.0e+00, v5;
	v4 =	vmul.f32 $1.442695020e+00, v4;
	v10 =	vld [tilespmem:s18+$0x30];
	v0 =	vadd.f32 v0, v3  }
0x274: {  	v11 =	vld [tilespmem:s18+$0xFFFFFFB0];
	v9 =	vmul.f32 $1.442695020e+00, v9;
	(erf) = vpow2.f32 v7;
	v6 =	vsub.f32 $0.0e+00, v6  }
0x275: {  	(erf) = vpow2.f32 v4;
	v3 =	vld [tilespmem:s18+$0x20];
	[tilespmem:$0x1FCF0] =	vst v0;
	v0 =	vsub.f32 $0.0e+00, v2;
	v2 =	vmul.f32 $1.442695020e+00, v5  }
0x276: {  	v4 =	vld [tilespmem:s18+$0xFFFFFFA0];
	(erf) = vpow2.f32 v9;
	v6 =	vmul.f32 $1.442695020e+00, v6;
	v5 =	vsub.f32 $0.0e+00, v8  }
0x277: {  	v7 =	vld [tilespmem:s18+$0x0];
	v1 =	vsub.f32 $0.0e+00, v1;
	v0 =	vmul.f32 $1.442695020e+00, v0;
	(erf) = vpow2.f32 v2  }
0x278: {  	v8 =	vsub.f32 $0.0e+00, v10;
	v2 =	vld [tilespmem:s18+$0x10];
	v5 =	vmul.f32 $1.442695020e+00, v5;
	(erf) = vpow2.f32 v6  }
0x279: {  	v9 =	vsub.f32 $0.0e+00, v11;
	v1 =	vmul.f32 $1.442695020e+00, v1;
	v6 =	vld [tilespmem:s18+$0xFFFFFF80];
	(erf) = vpow2.f32 v0  }
0x27a: {  	v8 =	vmul.f32 $1.442695020e+00, v8;
	v3 =	vsub.f32 $0.0e+00, v3;
	v0 =	vld [tilespmem:s18+$0xFFFFFF90];
	(erf) = vpow2.f32 v5  }
0x27b: {  	v9 =	vmul.f32 $1.442695020e+00, v9;
	v4 =	vsub.f32 $0.0e+00, v4;
	(erf) = vpow2.f32 v1  }
0x27c: {  	v10 =	vmul.f32 $1.442695020e+00, v3;
	v1 =	vsub.f32 $0.0e+00, v7;
	(erf) = vpow2.f32 v8  }
0x27d: {  	v4 =	vmul.f32 $1.442695020e+00, v4;
	v5 =	vpop (erf);
	v2 =	vsub.f32 $0.0e+00, v2;
	(erf) = vpow2.f32 v9  }
0x27e: {  	v7 =	vpop (erf);
	v8 =	vsub.f32 $0.0e+00, v6;
	v9 =	vmul.f32 $1.442695020e+00, v1;
	(erf) = vpow2.f32 v10  }
0x27f: {  	v3 =	vpop (erf);
	v0 =	vsub.f32 $0.0e+00, v0;
	v2 =	vmul.f32 $1.442695020e+00, v2;
	(erf) = vpow2.f32 v4  }
0x280: {  	v8 =	vmul.f32 $1.442695020e+00, v8;
	v6 =	vpop (erf);
	(erf) = vpow2.f32 v9  }
0x281: {  	v9 =	vmul.f32 $1.442695020e+00, v0;
	(erf) = vpow2.f32 v2;
	v1 =	vpop (erf)  }
0x282: {  	v2 =	vadd.f32 $1.000000000e+00, v5;
	(erf) = vpow2.f32 v8;
	v4 =	vpop (erf)  }
0x283: {  	v8 =	vadd.f32 $1.000000000e+00, v7;
	(erf) = vpow2.f32 v9;
	v0 =	vpop (erf)  }
0x284: {  	v3 =	vadd.f32 $1.000000000e+00, v3;
	v7 =	vpop (erf);
	(erf) = vrcp.f32 v2  }
0x285: {  	v9 =	vadd.f32 $1.000000000e+00, v6;
	(erf) = vrcp.f32 v8;
	v5 =	vpop (erf)  }
0x286: {  	v1 =	vadd.f32 $1.000000000e+00, v1;
	v6 =	vpop (erf);
	(erf) = vrcp.f32 v3  }
0x287: {  	v8 =	vadd.f32 $1.000000000e+00, v4;
	(erf) = vrcp.f32 v9;
	v2 =	vpop (erf)  }
0x288: {  	v0 =	vadd.f32 $1.000000000e+00, v0;
	v4 =	vpop (erf);
	(erf) = vrcp.f32 v1  }
0x289: {  	v16 =	vld [tilespmem:$0x1FFE0];
	v1 =	vadd.f32 $1.000000000e+00, v7;
	(erf) = vrcp.f32 v8;
	v3 =	vpop (erf)  }
0x28a: {  	v5 =	vadd.f32 $1.000000000e+00, v5;
	v7 =	vpop (erf);
	(erf) = vrcp.f32 v0  }
0x28b: {  	v8 =	vadd.f32 $1.000000000e+00, v6;
	v6 =	vpop (erf);
	(erf) = vrcp.f32 v1  }
0x28c: {  	v17 =	vld [tilespmem:$0x1FFF0];
	v1 =	vadd.f32 $1.000000000e+00, v2;
	v2 =	vpop (erf);
	(erf) = vrcp.f32 v5  }
0x28d: {  	v9 =	vadd.f32 $1.000000000e+00, v4;
	v3 =	vadd.f32 $1.000000000e+00, v3;
	(erf) = vrcp.f32 v8;
	v0 =	vpop (erf)  }
0x28e: {  	v6 =	vadd.f32 $1.000000000e+00, v6;
	v5 =	vpop (erf);
	(erf) = vrcp.f32 v1;
	v0 =	vmul.f32 v0, v16  }
0x28f: {  	v8 =	vadd.f32 $1.000000000e+00, v7;
	(erf) = vrcp.f32 v9;
	v4 =	vpop (erf);
	v5 =	vmul.f32 v5, v16  }
0x290: {  	v9 =	vadd.f32 $1.000000000e+00, v2;
	v7 =	vpop (erf);
	(erf) = vrcp.f32 v3;
	v4 =	vmul.f32 v4, v16  }
0x291: {  	v0 =	vadd.f32 v0, v17;
	(erf) = vrcp.f32 v8;
	v1 =	vpop (erf);
	v7 =	vmul.f32 v7, v16  }
0x292: {  	v5 =	vadd.f32 v5, v17;
	(erf) = vrcp.f32 v6;
	v1 =	vmul.f32 v1, v16  }
0x293: {  	v3 =	vpop (erf);
	v4 =	vadd.f32 v4, v17;
	v0 =	vmax.f32 v0, $0.0e+00;
	(erf) = vrcp.f32 v9  }
0x294: {  	v2 =	vpop (erf);
	v3 =	vmul.f32 v3, v16;
	v7 =	vadd.f32 v7, v17;
	v52 =	vmax.f32 v5, $0.0e+00  }
0x295: {  	v6 =	vpop (erf);
	v2 =	vmul.f32 v2, v16;
	v1 =	vadd.f32 v1, v17;
	v4 =	vmax.f32 v4, $0.0e+00  }
0x296: {  	vm0 =	vle.f32 v52, $0.0e+00;
	v8 =	vpop (erf);
	v6 =	vmul.f32 v6, v16;
	v3 =	vadd.f32 v3, v17  }
0x297: {  	v50 =	vmax.f32 v7, $0.0e+00;
	v5 =	vadd.s32 $0x4AFB0D, v4;
	v8 =	vmul.f32 v8, v16  }
0x298: {  	v9 =	vpop (erf);
	v2 =	vadd.f32 v2, v17;
	v53 =	vmax.f32 v1, $0.0e+00;
	v1 =	vadd.s32 $0x4AFB0D, v52  }
0x299: {  	v24 =	vshrl.u32 v5, $0x17;
	v5 =	vand.u32 $0x7FFFFF, v5;
	v9 =	vmul.f32 v9, v16  }
0x29a: {  	v6 =	vadd.f32 v6, v17;
	v39 =	vmax.f32 v3, $0.0e+00;
	v20 =	vshrl.u32 v1, $0x17  }
0x29b: {  	v10 =	vpop (erf);
	v1 =	vand.u32 $0x7FFFFF, v1;
	v24 =	vadd.s32 $0xFFFFFF81, v24;
	v5 =	vadd.s32 $0x3F3504F3, v5  }
0x29c: {  	v10 =	vmul.f32 v10, v16;
	v8 =	vadd.f32 v8, v17;
	v58 =	vmax.f32 v2, $0.0e+00  }
0x29d: {  	v11 =	vpop (erf);
	v7 =	vadd.s32 $0x4AFB0D, v39;
	v20 =	vadd.s32 $0xFFFFFF81, v20;
	v1 =	vadd.s32 $0x3F3504F3, v1  }
0x29e: {  	v43 =	vcvt.s32.f32 v24;
	v11 =	vmul.f32 v11, v16;
	v9 =	vadd.f32 v9, v17  }
0x29f: {  	v40 =	vmax.f32 v6, $0.0e+00;
	v6 =	vadd.s32 $0x4AFB0D, v0;
	v36 =	vadd.s32 $0x4AFB0D, v58  }
0x2a0: {  	[tilespmem:$0x1FD00] =	vst v4;
	v12 =	vpop (erf);
	v26 =	vshrl.u32 v7, $0x17;
	v7 =	vand.u32 $0x7FFFFF, v7;
	v4 =	vcvt.s32.f32 v20  }
0x2a1: {  	v12 =	vmul.f32 v12, v16;
	v10 =	vadd.f32 v10, v17;
	v63 =	vmax.f32 v8, $0.0e+00  }
0x2a2: {  	v8 =	vadd.s32 $0x4AFB0D, v50;
	v21 =	vshrl.u32 v6, $0x17;
	v27 =	vshrl.u32 v36, $0x17  }
0x2a3: {  	v13 =	vpop (erf);
	v6 =	vand.u32 $0x7FFFFF, v6;
	v26 =	vadd.s32 $0xFFFFFF81, v26;
	v7 =	vadd.s32 $0x3F3504F3, v7  }
0x2a4: {  	v13 =	vmul.f32 v13, v16;
	v11 =	vadd.f32 v11, v17;
	v62 =	vmax.f32 v9, $0.0e+00  }
0x2a5: {  	v9 =	vadd.s32 $0x4AFB0D, v53;
	v22 =	vshrl.u32 v8, $0x17;
	v8 =	vand.u32 $0x7FFFFF, v8  }
0x2a6: {  	v14 =	vpop (erf);
	v21 =	vadd.s32 $0xFFFFFF81, v21;
	v27 =	vadd.s32 $0xFFFFFF81, v27;
	v6 =	vadd.s32 $0x3F3504F3, v6  }
0x2a7: {  	[tilespmem:$0x1FBC0] =	vst v4;
	v4 =	vmul.f32 $9.058000610e-06, v4;
	v14 =	vmul.f32 v14, v16;
	v12 =	vadd.f32 v12, v17  }
0x2a8: {  	v35 =	vmax.f32 v10, $0.0e+00;
	v10 =	vadd.s32 $0x4AFB0D, v40;
	v38 =	vadd.s32 $0x4AFB0D, v62  }
0x2a9: {  	v15 =	vpop (erf);
	v23 =	vshrl.u32 v9, $0x17;
	v9 =	vand.u32 $0x7FFFFF, v9;
	v22 =	vadd.s32 $0xFFFFFF81, v22  }
0x2aa: {  	v8 =	vadd.s32 $0x3F3504F3, v8;
	v45 =	vcvt.s32.f32 v27;
	v15 =	vmul.f32 v15, v16  }
0x2ab: {  	v13 =	vadd.f32 v13, v17;
	v46 =	vmax.f32 v11, $0.0e+00;
	v11 =	vadd.s32 $0x4AFB0D, v63  }
0x2ac: {  	v41 =	vadd.s32 $0x4AFB0D, v35;
	v25 =	vshrl.u32 v10, $0x17;
	v28 =	vshrl.u32 v38, $0x17  }
0x2ad: {  	v10 =	vand.u32 $0x7FFFFF, v10;
	v23 =	vadd.s32 $0xFFFFFF81, v23;
	v9 =	vadd.s32 $0x3F3504F3, v9  }
0x2ae: {  	v14 =	vadd.f32 v14, v17;
	v34 =	vmax.f32 v12, $0.0e+00;
	v37 =	vadd.s32 $0x4AFB0D, v46  }
0x2af: {  	v29 =	vshrl.u32 v41, $0x17;
	v30 =	vshrl.u32 v11, $0x17;
	v12 =	vand.u32 $0x7FFFFF, v36  }
0x2b0: {  	v11 =	vand.u32 $0x7FFFFF, v11;
	v25 =	vadd.s32 $0xFFFFFF81, v25;
	v28 =	vadd.s32 $0xFFFFFF81, v28  }
0x2b1: {  	v10 =	vadd.s32 $0x3F3504F3, v10;
	v44 =	vcvt.s32.f32 v23;
	v15 =	vadd.f32 v15, v17  }
0x2b2: {  	v18 =	vmax.f32 v13, $0.0e+00;
	v17 =	vadd.s32 $0x4AFB0D, v34;
	v31 =	vshrl.u32 v37, $0x17  }
0x2b3: {  	v13 =	vand.u32 $0x7FFFFF, v37;
	v30 =	vadd.s32 $0xFFFFFF81, v30;
	v29 =	vadd.s32 $0xFFFFFF81, v29  }
0x2b4: {  	v11 =	vadd.s32 $0x3F3504F3, v11;
	v37 =	vcvt.s32.f32 v26;
	v47 =	vcvt.s32.f32 v25  }
0x2b5: {  	v3 =	vmax.f32 v14, $0.0e+00;
	[tilespmem:$0x1FB50] =	vst v18;
	v18 =	vadd.s32 $0x4AFB0D, v18;
	v32 =	vshrl.u32 v17, $0x17  }
0x2b6: {  	v14 =	vand.u32 $0x7FFFFF, v38;
	v17 =	vand.u32 $0x7FFFFF, v17;
	v13 =	vadd.s32 $0x3F3504F3, v13  }
0x2b7: {  	[tilespmem:$0x1FD10] =	vst v0;
	v38 =	vcvt.s32.f32 v22;
	v0 =	vcvt.s32.f32 v30;
	v22 =	vadd.f32 $-1.000000000e+00, v9  }
0x2b8: {  	[tilespmem:$0x1FA80] =	vst v4;
	v4 =	vadd.f32 $-1.000000000e+00, v11;
	v2 =	vmax.f32 v15, $0.0e+00;
	v42 =	vadd.s32 $0x4AFB0D, v3  }
0x2b9: {  	v33 =	vshrl.u32 v18, $0x17;
	v15 =	vand.u32 $0x7FFFFF, v41;
	v18 =	vand.u32 $0x7FFFFF, v18  }
0x2ba: {  	v36 =	vadd.s32 $0x3F3504F3, v14;
	v41 =	vcvt.s32.f32 v21;
	v17 =	vadd.s32 $0x3F3504F3, v17  }
0x2bb: {  	[tilespmem:$0x1FB60] =	vst v3;
	v3 =	vadd.f32 $-1.000000000e+00, v6;
	v14 =	vadd.f32 $-1.000000000e+00, v5;
	v19 =	vadd.s32 $0x4AFB0D, v2  }
0x2bc: {  	[tilespmem:$0x1FB80] =	vst v2;
	v16 =	vand.u32 $0x7FFFFF, v42;
	v15 =	vadd.s32 $0x3F3504F3, v15;
	v48 =	vadd.s32 $0x3F3504F3, v18  }
0x2bd: {  	[tilespmem:$0x1F860] =	vst v0;
	v0 =	vcvt.s32.f32 v28;
	v2 =	vadd.f32 $-1.000000000e+00, v8;
	v28 =	vadd.f32 $-1.000000000e+00, v13  }
0x2be: {  	[tilespmem:$0x1F810] =	vst v35;
	v56 =	vmul.f32 $5.000000000e-01, v4;
	v35 =	vshrl.u32 v19, $0x17;
	v19 =	vand.u32 $0x7FFFFF, v19  }
0x2bf: {  	[tilespmem:$0x1F840] =	vst v41;
	v5 =	vmul.f32 $9.058000610e-06, v41;
	v11 =	vadd.f32 $-1.000000000e+00, v15;
	v41 =	vadd.f32 $-1.000000000e+00, v17  }
0x2c0: {  	v18 =	vadd.f32 $-1.000000000e+00, v48;
	[tilespmem:$0x1F870] =	vst v0;
	v0 =	vcvt.s32.f32 v29;
	v51 =	vadd.s32 $0x3F3504F3, v19  }
0x2c1: {  	v29 =	vadd.f32 $-1.000000000e+00, v1;
	v19 =	vadd.f32 $-1.000000000e+00, v7;
	v7 =	vmul.f32 $5.000000000e-01, v14  }
0x2c2: {  	v1 =	vadd.f32 $-1.000000000e+00, v10;
	v9 =	vmul.f32 $5.000000000e-01, v2;
	v10 =	vmul.f32 $5.000000000e-01, v22  }
0x2c3: {  	v57 =	vadd.f32 $2.000000000e+00, v3;
	v15 =	vmul.f32 $5.000000000e-01, v28;
	[tilespmem:$0x1FA70] =	vst v5;
	v5 =	vmul.f32 $9.058000610e-06, v43  }
0x2c4: {  	v49 =	vadd.s32 $0x3F3504F3, v16;
	v16 =	vmul.f32 $5.000000000e-01, v11;
	v21 =	vmul.f32 $5.000000000e-01, v41  }
0x2c5: {  	[tilespmem:$0x1FCC0] =	vst v45;
	v31 =	vadd.s32 $0xFFFFFF81, v31;
	v17 =	vmul.f32 $5.000000000e-01, v18;
	(erf) = vrcp.f32 v57  }
0x2c6: {  	v12 =	vadd.s32 $0x3F3504F3, v12;
	[tilespmem:$0x1F890] =	vst v0;
	v0 =	vcvt.s32.f32 v31;
	v6 =	vmul.f32 $5.000000000e-01, v29  }
0x2c7: {  	[tilespmem:$0x1F820] =	vst v34;
	v32 =	vadd.s32 $0xFFFFFF81, v32;
	v54 =	vmul.f32 $5.000000000e-01, v19;
	v55 =	vmul.f32 $5.000000000e-01, v1  }
0x2c8: {  	v59 =	vadd.f32 $2.000000000e+00, v29;
	v15 =	vmul.f32 v15, v28;
	[tilespmem:$0x1FAA0] =	vst v5;
	v5 =	vmul.f32 $9.058000610e-06, v38  }
0x2c9: {  	[tilespmem:$0x1FCD0] =	vst v44;
	v34 =	vshrl.u32 v42, $0x17;
	v31 =	vmul.f32 v21, v41;
	v27 =	vmul.f32 v17, v18  }
0x2ca: {  	v33 =	vadd.s32 $0xFFFFFF81, v33;
	[tilespmem:$0x1F8B0] =	vst v0;
	v0 =	vcvt.s32.f32 v32;
	(erf) = vrcp.f32 v59  }
0x2cb: {  	v60 =	vadd.f32 $2.000000000e+00, v14;
	v42 =	vmul.f32 v6, v29;
	[tilespmem:$0x1FAC0] =	vst v5;
	v5 =	vmul.f32 $9.058000610e-06, v44  }
0x2cc: {  	v34 =	vadd.s32 $0xFFFFFF81, v34;
	v32 =	vmul.f32 v16, v11;
	[tilespmem:$0x1F8F0] =	vst v0;
	v0 =	vcvt.s32.f32 v33  }
0x2cd: {  	v20 =	vadd.f32 $-1.000000000e+00, v51;
	(erf) = vrcp.f32 v60;
	[tilespmem:$0x1FAD0] =	vst v5;
	v5 =	vmul.f32 $9.058000610e-06, v37  }
0x2ce: {  	v48 =	vadd.f32 $2.000000000e+00, v2;
	v44 =	vmul.f32 v7, v14;
	[tilespmem:$0x1F910] =	vst v0;
	v0 =	vcvt.s32.f32 v34  }
0x2cf: {  	v35 =	vadd.s32 $0xFFFFFF81, v35;
	v33 =	vmul.f32 $5.000000000e-01, v20;
	[tilespmem:$0x1FAE0] =	vst v5;
	v5 =	vmul.f32 $9.058000610e-06, v45  }
0x2d0: {  	v51 =	vadd.f32 $2.000000000e+00, v19;
	(erf) = vrcp.f32 v48;
	[tilespmem:$0x1F930] =	vst v0;
	v0 =	vcvt.s32.f32 v35  }
0x2d1: {  	v48 =	vmul.f32 v54, v19;
	v34 =	vadd.f32 $-1.000000000e+00, v49;
	[tilespmem:$0x1FB00] =	vst v5;
	v5 =	vmul.f32 $9.058000610e-06, v47  }
0x2d2: {  	v49 =	vadd.f32 $2.000000000e+00, v22;
	v33 =	vmul.f32 v33, v20;
	v45 =	vmul.f32 v9, v2;
	[tilespmem:$0x1F960] =	vst v0  }
0x2d3: {  	v61 =	vmul.f32 $5.000000000e-01, v34;
	v0 =	vadd.f32 $-1.000000000e+00, v12;
	[tilespmem:$0x1FB10] =	vst v5;
	v5 =	vmul.f32 $5.000000000e-01, v3  }
0x2d4: {  	v6 =	vadd.f32 $2.000000000e+00, v1;
	(erf) = vrcp.f32 v49;
	v35 =	vmul.f32 v56, v4  }
0x2d5: {  	[tilespmem:$0x1FCE0] =	vst v43;
	(erf) = vrcp.f32 v51;
	v43 =	vmul.f32 v5, v3;
	v5 =	vadd.f32 $2.000000000e+00, v0  }
0x2d6: {  	[tilespmem:$0x1FC50] =	vst v47;
	v47 =	vmul.f32 v10, v22;
	v12 =	vadd.f32 $-1.000000000e+00, v36;
	v30 =	vmul.f32 v61, v34  }
0x2d7: {  	v7 =	vadd.f32 $2.000000000e+00, v4;
	v25 =	vmul.f32 $5.000000000e-01, v0;
	(erf) = vrcp.f32 v5  }
0x2d8: {  	[tilespmem:$0x1FC20] =	vst v37;
	v8 =	vmul.f32 $5.000000000e-01, v12;
	v9 =	vadd.f32 $2.000000000e+00, v12;
	(erf) = vrcp.f32 v6  }
0x2d9: {  	vm1 =	vle.f32 v50, $0.0e+00;
	[tilespmem:$0x1FBF0] =	vst v38;
	v38 =	vmul.f32 v25, v0;
	(erf) = vrcp.f32 v7  }
0x2da: {  	[tilespmem:$0x1F970] =	vst v15;
	v8 =	vmul.f32 v8, v12;
	v6 =	vadd.f32 $2.000000000e+00, v11;
	v5 =	vpop (erf);
	(erf) = vrcp.f32 v9  }
0x2db: {  	[tilespmem:$0x1F880] =	vst v42;
	v54 =	vadd.f32 $2.000000000e+00, v28;
	v9 =	vmul.f32 v55, v1;
	v10 =	vpop (erf);
	v21 =	vmul.f32 v5, v3  }
0x2dc: {  	vm2 =	vle.f32 v53, $0.0e+00;
	[tilespmem:$0x1F8E0] =	vst v48;
	(erf) = vrcp.f32 v6;
	v7 =	vpop (erf);
	v51 =	vmul.f32 v10, v29  }
0x2dd: {  	[tilespmem:$0x1F830] =	vst v9;
	v9 =	vadd.f32 $2.000000000e+00, v41;
	(erf) = vrcp.f32 v54;
	v54 =	vmul.f32 v7, v14  }
0x2de: {  	[tilespmem:$0x1F920] =	vst v38;
	v55 =	vadd.f32 $2.000000000e+00, v18;
	v57 =	vpop (erf);
	v49 =	vmul.f32 v21, v21;
	v50 =	vmul.f32 v51, v51  }
0x2df: {  	v3 =	vsub.f32 v3, v43;
	v6 =	vpop (erf);
	[tilespmem:$0x1F990] =	vst v51;
	(erf) = vrcp.f32 v9;
	v51 =	vmul.f32 v54, v54  }
0x2e0: {  	v56 =	vadd.f32 $2.000000000e+00, v34;
	[tilespmem:$0x1F940] =	vst v8;
	v60 =	vpop (erf);
	v16 =	vmul.f32 v49, v49;
	(erf) = vrcp.f32 v55  }
0x2e1: {  	[tilespmem:$0x1FB70] =	vst v3;
	v3 =	vsub.f32 v29, v42;
	v55 =	vmul.f32 v57, v2;
	v57 =	vmul.f32 v60, v19  }
0x2e2: {  	v59 =	vadd.f32 $2.000000000e+00, v20;
	[tilespmem:$0x1F9B0] =	vst v21;
	v17 =	vmul.f32 v50, v50;
	(erf) = vrcp.f32 v56  }
0x2e3: {  	[tilespmem:$0x1FB90] =	vst v3;
	v3 =	vsub.f32 v14, v44;
	v9 =	vpop (erf);
	v56 =	vmul.f32 v6, v22;
	v21 =	vmul.f32 v51, v51  }
0x2e4: {  	[tilespmem:$0x1F9E0] =	vst v54;
	v2 =	vsub.f32 v2, v45;
	(erf) = vrcp.f32 v59;
	v10 =	vmul.f32 v9, v0  }
0x2e5: {  	vm3 =	vle.f32 v39, $0.0e+00;
	[tilespmem:$0x1FBA0] =	vst v3;
	v61 =	vpop (erf);
	v52 =	vmul.f32 v55, v55;
	v53 =	vmul.f32 v57, v57  }
0x2e6: {  	[tilespmem:$0x1FBB0] =	vst v2;
	v2 =	vsub.f32 v22, v47;
	v5 =	vpop (erf);
	v59 =	vmul.f32 v61, v1;
	v54 =	vmul.f32 v56, v56  }
0x2e7: {  	[tilespmem:$0x1F9C0] =	vst v55;
	v0 =	vsub.f32 v0, v38;
	v38 =	vmul.f32 $2.427907880e-01, v21;
	v24 =	vmul.f32 v5, v4  }
0x2e8: {  	vm4 =	vle.f32 v58, $0.0e+00;
	[tilespmem:$0x1FA00] =	vst v57;
	v55 =	vmul.f32 v10, v10;
	v23 =	vmul.f32 v52, v52  }
0x2e9: {  	v7 =	vpop (erf);
	v25 =	vmul.f32 v53, v53;
	[tilespmem:$0x1FBD0] =	vst v2;
	v2 =	vsub.f32 v19, v48;
	v19 =	vmul.f32 $2.427907880e-01, v16  }
0x2ea: {  	vm5 =	vle.f32 v40, $0.0e+00;
	[tilespmem:$0x1FA10] =	vst v56;
	v6 =	vpop (erf);
	v26 =	vmul.f32 v7, v12;
	v56 =	vmul.f32 v59, v59  }
0x2eb: {  	vm6 =	vle.f32 v63, $0.0e+00;
	[tilespmem:$0x1FA40] =	vst v10;
	v60 =	vmul.f32 v6, v11;
	v57 =	vmul.f32 v24, v24  }
0x2ec: {  	vm7 =	vle.f32 v62, $0.0e+00;
	v9 =	vpop (erf);
	[tilespmem:$0x1FA60] =	vst v24;
	v24 =	vmul.f32 v54, v54;
	v37 =	vmul.f32 v55, v55  }
0x2ed: {  	vm9 =	vle.f32 v46, $0.0e+00;
	[tilespmem:$0x1FA30] =	vst v59;
	v3 =	vmul.f32 $2.427907880e-01, v23;
	v61 =	vmul.f32 v9, v28  }
0x2ee: {  	v48 =	vld [tilespmem:$0x1F830];
	[tilespmem:$0x1FBE0] =	vst v2;
	v2 =	vsub.f32 v11, v32;
	v58 =	vmul.f32 v26, v26;
	v36 =	vmul.f32 v56, v56  }
0x2ef: {  	v13 =	vadd.f32 $4.000097220e-01, v38;
	[tilespmem:$0x1FA50] =	vst v26;
	v26 =	vmul.f32 $2.427907880e-01, v17;
	v59 =	vmul.f32 v60, v60  }
0x2f0: {  	v5 =	vpop (erf);
	v39 =	vmul.f32 v57, v57;
	[tilespmem:$0x1FC60] =	vst v2;
	v2 =	vsub.f32 v28, v15;
	v28 =	vmul.f32 $2.849878670e-01, v25  }
0x2f1: {  	[tilespmem:$0x1FC00] =	vst v0;
	v19 =	vadd.f32 $4.000097220e-01, v19;
	v10 =	vmul.f32 $2.849878670e-01, v37;
	v9 =	vmul.f32 v5, v41  }
0x2f2: {  	[tilespmem:$0x1FA90] =	vst v60;
	v3 =	vadd.f32 $4.000097220e-01, v3;
	v60 =	vmul.f32 v61, v61;
	v40 =	vmul.f32 v58, v58  }
0x2f3: {  	[tilespmem:$0x1FAB0] =	vst v61;
	v0 =	vsub.f32 v1, v48;
	v1 =	vsub.f32 v4, v35;
	v4 =	vmul.f32 $2.849878670e-01, v21  }
0x2f4: {  	v6 =	vpop (erf);
	v15 =	vmul.f32 $2.427907880e-01, v36;
	v14 =	vmul.f32 $2.849878670e-01, v36;
	v22 =	vadd.f32 $4.000097220e-01, v26  }
0x2f5: {  	v5 =	vpop (erf);
	v6 =	vmul.f32 v6, v18;
	v42 =	vmul.f32 v59, v59;
	[tilespmem:$0x1FC70] =	vst v2;
	v2 =	vsub.f32 v41, v31  }
0x2f6: {  	v28 =	vadd.f32 $6.666666270e-01, v28;
	v3 =	vmul.f32 v3, v23;
	[tilespmem:$0x1FAF0] =	vst v9;
	v7 =	vmul.f32 v5, v34  }
0x2f7: {  	v10 =	vadd.f32 $6.666666270e-01, v10;
	v61 =	vmul.f32 v9, v9;
	[tilespmem:$0x1FC10] =	vst v0;
	v0 =	vmul.f32 $2.849878670e-01, v17  }
0x2f8: {  	[tilespmem:$0x1FC30] =	vst v1;
	v1 =	vsub.f32 v12, v8;
	v8 =	vmul.f32 $2.849878670e-01, v24;
	v9 =	vmul.f32 $2.427907880e-01, v37  }
0x2f9: {  	v5 =	vpop (erf);
	v12 =	vmul.f32 $2.849878670e-01, v39;
	v4 =	vadd.f32 $6.666666270e-01, v4;
	v17 =	vmul.f32 v22, v17  }
0x2fa: {  	[tilespmem:$0x1F8D0] =	vst v44;
	v15 =	vadd.f32 $4.000097220e-01, v15;
	v5 =	vmul.f32 v5, v20;
	v62 =	vmul.f32 v6, v6  }
0x2fb: {  	[tilespmem:$0x1FC80] =	vst v2;
	v2 =	vsub.f32 v18, v27;
	v18 =	vmul.f32 $2.849878670e-01, v42;
	v22 =	vmul.f32 v28, v53  }
0x2fc: {  	[tilespmem:$0x1F8C0] =	vst v45;
	v14 =	vadd.f32 $6.666666270e-01, v14;
	v10 =	vmul.f32 v10, v55;
	v63 =	vmul.f32 v7, v7  }
0x2fd: {  	v44 =	vmul.f32 v61, v61;
	[tilespmem:$0x1FC40] =	vst v1;
	v1 =	vmul.f32 $2.849878670e-01, v23;
	v0 =	vadd.f32 $6.666666270e-01, v0  }
0x2fe: {  	[tilespmem:$0x1FB20] =	vst v6;
	v8 =	vadd.f32 $6.666666270e-01, v8;
	v4 =	vmul.f32 v4, v51;
	v15 =	vmul.f32 v15, v36  }
0x2ff: {  	v9 =	vadd.f32 $4.000097220e-01, v9;
	v14 =	vmul.f32 v14, v56;
	[tilespmem:$0x1FB40] =	vst v5;
	v6 =	vmul.f32 v5, v5;
	v5 =	vld [tilespmem:$0x1F810]  }
0x300: {  	v45 =	vmul.f32 v62, v62;
	[tilespmem:$0x1FCA0] =	vst v2;
	v2 =	vsub.f32 v34, v30;
	v34 =	vmul.f32 $2.427907880e-01, v40  }
0x301: {  	[tilespmem:$0x1F9A0] =	vst v31;
	v12 =	vadd.f32 $6.666666270e-01, v12;
	v46 =	vmul.f32 v63, v63;
	v41 =	vmul.f32 $2.427907880e-01, v44  }
0x302: {  	[tilespmem:$0x1F9D0] =	vst v27;
	v18 =	vadd.f32 $6.666666270e-01, v18;
	v26 =	vmul.f32 $2.849878670e-01, v44;
	v0 =	vmul.f32 v0, v50  }
0x303: {  	[tilespmem:$0x1F900] =	vst v47;
	v1 =	vadd.f32 $6.666666270e-01, v1;
	v8 =	vmul.f32 v8, v54;
	v9 =	vmul.f32 v9, v37  }
0x304: {  	v12 =	vmul.f32 v12, v57;
	[tilespmem:$0x1F850] =	vst v6;
	v47 =	vmul.f32 v6, v6;
	vm8 =	vle.f32 v5, $0.0e+00;
	v5 =	vld [tilespmem:$0x1F820]  }
0x305: {  	v6 =	vmul.f32 $2.427907880e-01, v24;
	[tilespmem:$0x1FC90] =	vst v2;
	v2 =	vsub.f32 v20, v33;
	v20 =	vmul.f32 $2.427907880e-01, v42  }
0x306: {  	[tilespmem:$0x1F980] =	vst v32;
	v14 =	vadd.f32 v15, v14;
	v27 =	vmul.f32 $2.849878670e-01, v45;
	v18 =	vmul.f32 v18, v59  }
0x307: {  	v34 =	vadd.f32 $4.000097220e-01, v34;
	v31 =	vmul.f32 $2.427907880e-01, v46;
	v32 =	vmul.f32 $2.849878670e-01, v46  }
0x308: {  	[tilespmem:$0x1FA20] =	vst v33;
	v1 =	vmul.f32 v1, v52;
	v41 =	vadd.f32 $4.000097220e-01, v41;
	v0 =	vadd.f32 v17, v0  }
0x309: {  	[tilespmem:$0x1F950] =	vst v35;
	v9 =	vadd.f32 v9, v10;
	vm10 =	vle.f32 v5, $0.0e+00;
	v5 =	vmul.f32 $2.849878670e-01, v16  }
0x30a: {  	v14 =	vadd.f32 v14, v48;
	[tilespmem:$0x1FCB0] =	vst v2;
	v2 =	vmul.f32 $2.849878670e-01, v40;
	v6 =	vadd.f32 $4.000097220e-01, v6  }
0x30b: {  	v33 =	vmul.f32 $2.427907880e-01, v47;
	v35 =	vmul.f32 $2.849878670e-01, v47;
	v5 =	vadd.f32 $6.666666270e-01, v5  }
0x30c: {  	v51 =	vadd.f32 $6.666666270e-01, v27;
	v53 =	vmul.f32 v34, v40;
	v52 =	vadd.f32 $4.000097220e-01, v31  }
0x30d: {  	v55 =	vadd.f32 $6.666666270e-01, v32;
	v5 =	vmul.f32 v5, v49;
	v49 =	vadd.f32 $6.666666270e-01, v26  }
0x30e: {  	v48 =	vld [tilespmem:$0x1F9A0];
	v23 =	vmul.f32 v41, v44;
	v6 =	vmul.f32 v6, v24;
	v56 =	vadd.f32 $4.000097220e-01, v33  }
0x30f: {  	v34 =	vld [tilespmem:$0x1F880];
	v16 =	vmul.f32 v19, v16;
	v19 =	vadd.f32 $4.000097220e-01, v20;
	v24 =	vmul.f32 v49, v61  }
0x310: {  	v1 =	vadd.f32 v3, v1;
	v6 =	vadd.f32 v6, v8;
	v8 =	vmul.f32 v55, v63  }
0x311: {  	[tilespmem:$0x1F8A0] =	vst v43;
	v10 =	vmul.f32 v56, v47;
	v47 =	vld [tilespmem:$0x1F990];
	v19 =	vmul.f32 v19, v42;
	v63 =	vadd.f32 v23, v24  }
0x312: {  	v38 =	vmul.f32 $2.427907880e-01, v45;
	v2 =	vadd.f32 $6.666666270e-01, v2;
	v57 =	vadd.f32 $6.666666270e-01, v35;
	v35 =	vld [tilespmem:$0x1F8A0]  }
0x313: {  	v3 =	vmul.f32 v51, v62;
	v62 =	vadd.f32 v19, v18;
	v18 =	vadd.f32 v63, v48;
	v63 =	vld [tilespmem:$0x1FA80]  }
0x314: {  	v11 =	vmul.f32 $2.427907880e-01, v39;
	v36 =	vld [tilespmem:$0x1F8C0];
	v50 =	vadd.f32 $4.000097220e-01, v38;
	v0 =	vadd.f32 v0, v34  }
0x315: {  	v59 =	vmul.f32 v52, v46;
	v46 =	vld [tilespmem:$0x1F980];
	v2 =	vmul.f32 v2, v58;
	v5 =	vadd.f32 v16, v5  }
0x316: {  	v58 =	vmul.f32 v50, v45;
	v50 =	vld [tilespmem:$0x1F9C0];
	v0 =	vmul.f32 v0, v47  }
0x317: {  	v11 =	vadd.f32 $4.000097220e-01, v11;
	v5 =	vadd.f32 v5, v35;
	v35 =	vld [tilespmem:$0x1FAC0]  }
0x318: {  	v24 =	vadd.f32 v0, v63;
	v0 =	vld [tilespmem:$0x1FA90]  }
0x319: {  	v11 =	vmul.f32 v11, v39;
	v39 =	vld [tilespmem:$0x1F900];
	v1 =	vadd.f32 v1, v36;
	_ =	sdelay $0x1  }
0x31a: {  	[tilespmem:$0x1FB30] =	vst v7;
	v7 =	vmul.f32 $2.427907880e-01, v25;
	v56 =	vld [tilespmem:$0x1FA10];
	v1 =	vmul.f32 v1, v50;
	v16 =	vadd.f32 v62, v46  }
0x31b: {  	v43 =	vmul.f32 v60, v60;
	v28 =	vld [tilespmem:$0x1F8F0]  }
0x31c: {  	v7 =	vadd.f32 $4.000097220e-01, v7;
	v0 =	vmul.f32 v16, v0;
	v16 =	vadd.f32 v1, v35;
	v1 =	vld [tilespmem:$0x1FAD0]  }
0x31d: {  	v38 =	vld [tilespmem:$0x1F8E0];
	v6 =	vadd.f32 v6, v39  }
0x31e: {  	[tilespmem:$0x1F9F0] =	vst v30;
	v30 =	vmul.f32 $2.849878670e-01, v43;
	v37 =	vld [tilespmem:$0x1F8D0];
	v7 =	vmul.f32 v7, v25  }
0x31f: {  	v55 =	vld [tilespmem:$0x1FA00];
	v6 =	vmul.f32 v6, v56  }
0x320: {  	v13 =	vmul.f32 v13, v21;
	v21 =	vadd.f32 $6.666666270e-01, v30;
	v30 =	vld [tilespmem:$0x1F870];
	v7 =	vadd.f32 v7, v22  }
0x321: {  	v6 =	vadd.f32 v6, v1;
	v1 =	vld [tilespmem:$0x1FAE0]  }
0x322: {  	v25 =	vld [tilespmem:$0x1F860];
	v7 =	vadd.f32 v7, v38  }
0x323: {  	v21 =	vmul.f32 v21, v60;
	v60 =	vld [tilespmem:$0x1F850]  }
0x324: {  	v27 =	vld [tilespmem:$0x1F910];
	v7 =	vmul.f32 v7, v55  }
0x325: {  	v29 =	vmul.f32 $2.427907880e-01, v43;
	v40 =	vld [tilespmem:$0x1F920]  }
0x326: {  	v7 =	vadd.f32 v7, v1;
	v1 =	vld [tilespmem:$0x1FAF0]  }
0x327: {  	v31 =	vld [tilespmem:$0x1F930];
	v20 =	vadd.f32 $4.000097220e-01, v29  }
0x328: {  	v4 =	vadd.f32 v13, v4;
	v32 =	vld [tilespmem:$0x1F960]  }
0x329: {  	v51 =	vld [tilespmem:$0x1F9D0];
	v20 =	vmul.f32 v20, v43  }
0x32a: {  	v4 =	vadd.f32 v4, v37;
	v33 =	vld [tilespmem:$0x1FAA0]  }
0x32b: {  	v37 =	vld [tilespmem:$0x1FB10];
	v61 =	vadd.f32 v20, v21;
	v20 =	vmul.f32 $9.058000610e-06, v28;
	v1 =	vmul.f32 v18, v1  }
0x32c: {  	v26 =	vld [tilespmem:$0x1F890]  }
0x32d: {  	v9 =	vadd.f32 v9, v40;
	v40 =	vadd.f32 v1, v20;
	v1 =	vld [tilespmem:$0x1FB50]  }
0x32e: {  	v11 =	vadd.f32 v11, v12;
	v12 =	vmul.f32 v57, v60;
	v57 =	vld [tilespmem:$0x1FA20]  }
0x32f: {  	v60 =	vld [tilespmem:$0x1FA50]  }
0x330: {  	v2 =	vadd.f32 v53, v2;
	v53 =	vld [tilespmem:$0x1F9F0]  }
0x331: {  	v42 =	vld [tilespmem:$0x1F940]  }
0x332: {  	v13 =	vmul.f32 $9.058000610e-06, v26;
	vm11 =	vle.f32 v1, $0.0e+00;
	v1 =	vld [tilespmem:$0x1FB60]  }
0x333: {  	v39 =	vld [tilespmem:$0x1FB30]  }
0x334: {  	v13 =	vadd.f32 v0, v13;
	v0 =	vld [tilespmem:$0x1FB40]  }
0x335: {  	v52 =	vld [tilespmem:$0x1F9E0];
	v8 =	vadd.f32 v59, v8;
	v10 =	vadd.f32 v10, v12  }
0x336: {  	v45 =	vld [tilespmem:$0x1F970];
	v41 =	vmul.f32 $9.058000610e-06, v31;
	v44 =	vmul.f32 $9.058000610e-06, v32;
	v2 =	vadd.f32 v2, v42  }
0x337: {  	v10 =	vadd.f32 v10, v57;
	v8 =	vadd.f32 v8, v53;
	vm12 =	vle.f32 v1, $0.0e+00;
	v1 =	vld [tilespmem:$0x1FB80]  }
0x338: {  	v12 =	vmul.f32 $9.058000610e-06, v30;
	v49 =	vld [tilespmem:$0x1F9B0];
	v2 =	vmul.f32 v2, v60  }
0x339: {  	v62 =	vld [tilespmem:$0x1FA70];
	v8 =	vmul.f32 v8, v39;
	v0 =	vmul.f32 v10, v0  }
0x33a: {  	v12 =	vadd.f32 v2, v12;
	v2 =	vld [tilespmem:$0x1FBB0]  }
0x33b: {  	v8 =	vadd.f32 v8, v41;
	v41 =	vadd.f32 v0, v44;
	v0 =	vld [tilespmem:$0x1FB70]  }
0x33c: {  	vm13 =	vle.f32 v1, $0.0e+00;
	v1 =	vld [tilespmem:$0x1FB90]  }
0x33d: {  	v34 =	vld [tilespmem:$0x1FAB0];
	v5 =	vmul.f32 v5, v49  }
0x33e: {  	v38 =	vld [tilespmem:$0x1FB20]  }
0x33f: {  	v29 =	vld [tilespmem:$0x1F8B0];
	v5 =	vadd.f32 v5, v62  }
0x340: {  	v16 =	vadd.f32 v16, v2;
	v2 =	vld [tilespmem:$0x1FBC0]  }
0x341: {  	v0 =	vadd.f32 v5, v0;
	v5 =	vadd.f32 v24, v1;
	v1 =	vld [tilespmem:$0x1FBA0]  }
0x342: {  	v3 =	vadd.f32 v58, v3;
	v58 =	vld [tilespmem:$0x1FA30];
	v4 =	vmul.f32 v4, v52  }
0x343: {  	v59 =	vld [tilespmem:$0x1FA40]  }
0x344: {  	v43 =	vld [tilespmem:$0x1F950];
	v4 =	vadd.f32 v4, v33  }
0x345: {  	v52 =	vld [tilespmem:$0x1FC90]  }
0x346: {  	v3 =	vadd.f32 v3, v51;
	v1 =	vadd.f32 v4, v1;
	v4 =	vmul.f32 $6.931381230e-01, v2;
	v2 =	vld [tilespmem:$0x1FBD0]  }
0x347: {  	v55 =	vld [tilespmem:$0x1FCA0]  }
0x348: {  	v3 =	vmul.f32 v3, v38;
	v21 =	vmul.f32 $9.058000610e-06, v27;
	v15 =	vadd.f32 v61, v45;
	v61 =	vld [tilespmem:$0x1FA60]  }
0x349: {  	v46 =	vld [tilespmem:$0x1FC40]  }
0x34a: {  	v11 =	vadd.f32 v11, v43;
	v43 =	vld [tilespmem:$0x1FC10];
	v3 =	vadd.f32 v3, v21  }
0x34b: {  	v14 =	vmul.f32 v14, v58;
	v2 =	vadd.f32 v6, v2;
	v6 =	vld [tilespmem:$0x1FBE0]  }
0x34c: {  	v17 =	vmul.f32 $9.058000610e-06, v25;
	v22 =	vadd.f32 v3, v55;
	v3 =	vld [tilespmem:$0x1FCB0]  }
0x34d: {  	v50 =	vmul.f32 $6.931381230e-01, v30;
	v14 =	vadd.f32 v14, v37;
	v49 =	vld [tilespmem:$0x1FC70];
	v11 =	vmul.f32 v11, v61  }
0x34e: {  	v51 =	vld [tilespmem:$0x1FC80];
	v19 =	vmul.f32 $9.058000610e-06, v29;
	v15 =	vmul.f32 v15, v34;
	v8 =	vadd.f32 v8, v52  }
0x34f: {  	v56 =	vmul.f32 $6.931381230e-01, v31;
	v14 =	vadd.f32 v14, v43;
	v11 =	vadd.f32 v11, v17;
	v44 =	vld [tilespmem:$0x1FC20]  }
0x350: {  	v9 =	vmul.f32 v9, v59;
	v10 =	vadd.f32 v15, v19;
	v6 =	vadd.f32 v7, v6;
	v7 =	vld [tilespmem:$0x1FBF0]  }
0x351: {  	v47 =	vld [tilespmem:$0x1FC50];
	v17 =	vadd.f32 v41, v3;
	v3 =	vadd.f32 v5, v4;
	v5 =	vmul.f32 $6.931381230e-01, v32  }
0x352: {  	v53 =	vmul.f32 $6.931381230e-01, v29;
	v12 =	vadd.f32 v12, v46;
	v10 =	vadd.f32 v10, v49  }
0x353: {  	v58 =	vmul.f32 $6.931381230e-01, v28;
	v48 =	vld [tilespmem:$0x1FC60];
	v8 =	vadd.f32 v8, v56;
	v5 =	vadd.f32 v17, v5  }
0x354: {  	v10 =	vadd.f32 v10, v53;
	v18 =	vmul.f32 $6.931381230e-01, v44;
	v15 =	vadd.f32 v40, v51  }
0x355: {  	v8 =	vsel vm12, $0xFF800000, v8;
	v5 =	vsel vm13, $0xFF800000, v5;
	v7 =	vmul.f32 $6.931381230e-01, v7  }
0x356: {  	v19 =	vmul.f32 $6.931381230e-01, v47;
	v5 =	vadd.f32 v5, v8;
	v4 =	vadd.f32 v6, v18  }
0x357: {  	v10 =	vsel vm9, $0xFF800000, v10;
	v6 =	vadd.f32 v16, v7;
	v7 =	vadd.f32 v12, v50  }
0x358: {  	v59 =	vmul.f32 $6.931381230e-01, v27;
	v13 =	vadd.f32 v13, v48;
	v5 =	vadd.f32 v10, v5  }
0x359: {  	v57 =	vadd.f32 v14, v19;
	v14 =	vadd.f32 v15, v58;
	v7 =	vsel vm7, $0xFF800000, v7  }
0x35a: {  	v60 =	vmul.f32 $6.931381230e-01, v26;
	v16 =	vadd.f32 v22, v59;
	v5 =	vadd.f32 v7, v5;
	v7 =	vld [tilespmem:$0x1FCD0]  }
0x35b: {  	v45 =	vld [tilespmem:$0x1FC30]  }
0x35c: {  	v36 =	vld [tilespmem:$0x1FB00];
	v14 =	vsel vm10, $0xFF800000, v14;
	v8 =	vadd.f32 v13, v60;
	v62 =	vsel vm11, $0xFF800000, v16  }
0x35d: {  	v42 =	vld [tilespmem:$0x1FC00];
	v10 =	vadd.f32 v62, v14  }
0x35e: {  	v63 =	vld [tilespmem:$0x1FCC0];
	v8 =	vsel vm8, $0xFF800000, v8  }
0x35f: {  	s16 =	smov.u32 s17;
	s17 =	sadd.s32 $0x2, s17;
	v8 =	vadd.f32 v8, v10;
	v10 =	vmul.f32 $6.931381230e-01, v7;
	v7 =	vsel vm5, $0xFF800000, v57  }
0x360: {  	p0 =	slt.u32 s17, $0x12;
	v61 =	vmul.f32 $6.931381230e-01, v25;
	v11 =	vadd.f32 v11, v45;
	v7 =	vadd.f32 v7, v5;
	v5 =	vld [tilespmem:$0x1FCE0]  }
.Ltmp10:
0x361: {  	v9 =	vadd.f32 v9, v36;
	(pc) =	sbr.rel @p0 .LBB2_14-.Ltmp10, $4  }
0x362: {  	v11 =	vadd.f32 v11, v61  }
0x363: {  	v9 =	vadd.f32 v9, v42;
	v14 =	vmul.f32 $6.931381230e-01, v63  }
0x364: {  	v11 =	vsel vm6, $0xFF800000, v11  }
0x365: {  	s18 =	sadd.s32 $0x100, s18;
	v54 =	vld [tilespmem:$0x1F840];
	v9 =	vadd.f32 v9, v14;
	v8 =	vadd.f32 v11, v8;
	v5 =	vmul.f32 $6.931381230e-01, v5  }
0x366: {  	v63 =	vld [tilespmem:$0x1FD00];
	_ =	sdelay $0x1  }
0x367: {  	v2 =	vadd.f32 v2, v10;
	v9 =	vsel vm4, $0xFF800000, v9  }
0x368: {  	v61 =	vadd.f32 v9, v8  }
0x369: {  	v1 =	vadd.f32 v1, v5;
	v2 =	vsel vm2, $0xFF800000, v2  }
0x36a: {  	v2 =	vadd.f32 v2, v61;
	vm14 =	vle.f32 v63, $0.0e+00  }
0x36b: {  	v1 =	vsel vm14, $0xFF800000, v1  }
0x36c: {  	v1 =	vadd.f32 v1, v2;
	v2 =	vld [tilespmem:$0x1FD10];
	_ =	sdelay $0x1  }
0x36d: {  	v4 =	vsel vm3, $0xFF800000, v4;
	v62 =	vmul.f32 $6.931381230e-01, v54  }
0x36e: {  	v4 =	vadd.f32 v4, v7  }
0x36f: {  	v6 =	vsel vm1, $0xFF800000, v6;
	v0 =	vadd.f32 v0, v62  }
0x370: {  	v4 =	vadd.f32 v6, v4;
	vm15 =	vle.f32 v2, $0.0e+00  }
0x371: {  	s16 =	sadd.s32 s16, s12;
	v3 =	vsel vm0, $0xFF800000, v3;
	v0 =	vsel vm15, $0xFF800000, v0  }
0x372: {  	s17 =	sadd.s32 $0x2, s16;
	v3 =	vadd.f32 v3, v4;
	v0 =	vadd.f32 v0, v1;
	v1 =	vld [tilespmem:$0x1FCF0]  }
0x373: {  	s15 =	sadd.s32 $0x1, s15;
	p0 =	slt.u32 s17, s14  }
0x374: {  	v2 =	vpsel !p0, $0x0, v3;
	p0 =	sne.s32 s15, $0x8  }
.Ltmp11:
0x375: {  	_ = 	snop;
	(pc) =	sbr.rel @p0 .LBB2_13-.Ltmp11, $4  }
0x376: {  	s16 =	sadd.s32 $0x3, s16  }
0x377: {  	p6 =	slt.u32 s16, s14;
	v1 =	vadd.f32 v2, v1  }
0x378: {  	v16 =	vld [tilespmem:$0x1FFE0];
	v0 =	vpsel !p6, $0x0, v0  }
0x379: {  	s12 =	sadd.s32 $0x14, s12;
	v20 =	vld [tilespmem:$0x1FFF0];
	v0 =	vadd.f32 v0, v1  }
0x37a: {  	_ = 	snop  }
0x37b: {  	s12 =	rddreg [dreg:$0x6];
	s15 =	simm.s32 $0x10C80;
	[tilespmem:$0x10C80] =	vst v0  }
0x37c: {  	[hbm4b:s12+s3] =	stream.linear.scatter [tilespmem:s15], [sflag:$0x5], $0x80, $0x38;
	[tilespmem:$0x15D00] =	vst v63  }
0x37d: {  	_ =	swait.ge [sflag:s26], $0x80  }
0x37e: {  	s11 =	sadd.s32 $0x1, s11;
	s20 =	rddreg [dreg:$0x7]  }
0x37f: {  	p0 =	sne.s32 s11, s20  }
.Ltmp12:
0x380: {  	_ = 	snop;
	(pc) =	sbr.rel @p0 .LBB2_1-.Ltmp12, $3  }
0x381: {  	_ =	sdelay $0x1  }
0x382: {  	[sflag:s26] =	ssyncset.done $0x0  }
0x383: {  	[sflag:s26] =	ssyncadd.s32 $0xFFFFFF80  }
0x384: {  	_ =	sfence.sel $0x180000  }
0x385: {  	[bflag:$0x0] =	sbarrier.arrive $0xFFFF  }
0x386: {  	_ =	strace $0x90000047  }
0x387: {  	s0 =	stileid.u32;
	[bflag:$0x2] =	sbarrier.arrive $0xFFFF  }
0x388: {  	p0 =	sne.s32 s0, $0x0;
	s0 =	rddreg [dreg:$0x2]  }
0x389: {  	s0 =	sadd.s32 @!p0 $0x100000, s0  }
0x38a: {  	[sflag:s0] =	ssyncadd.tile.s32 @!p0 $0x1;
	_ =	shalt  }
.Lfunc_end2:
_tile_overlayer_lowered:
.L_overlay_start_2:
0x38b: {  	(tag) =	ssettag $0x2  }
0x38c: {  	s0 =	rddreg [dreg:$0x0];
	s2 =	stileid.u32  }
0x38d: {  	s1 =	rddreg [dreg:$0x1];
	p0 =	sne.s32 s2, $0x0  }
0x38e: {  	s3 =	rddreg [dreg:$0x2];
	[bflag:$0x3] =	sbarrier.arrive $0xFFFF;
	s2 =	simm.s32 @!p0 $0x1C05  }
0x38f: {  	[timem:s3], [sflag:s2] =	dma.local @!p0 [hbm:s0], s1  }
0x390: {  	s0 =	simm.s32 @!p0 $0x5  }
0x391: {  	_ =	swait.ge @!p0 [sflag:s0], s1  }
0x392: {  	s1 =	ssub.s32 @!p0 $0x0, s1;
	[sflag:s0] =	ssyncset.done @!p0 $0x0  }
0x393: {  	[sflag:s0] =	ssyncadd.s32 @!p0 s1  }
0x394: {  	[bflag:$0x3] =	sbarrier.arrive $0xFFFF  }
0x395: {  	_ =	shalt  }

</sc_bundles>
